<compile_context>
chip_gen: v7x
topology: tpu7x:2x2x1
jax: 0.10.2.dev20260603
libtpu: 0.0.44.dev20260713+nightly
codegen_flags: <defaults>
</compile_context>

<pallas_src>
import jax
import jax.numpy as jnp
import numpy as np
from jax.experimental import pallas as pl

B, T, R, Cg, H, NH = 16, 512, 10, 8, 128, 4
DH = H // NH
BT = B * T
TB = 256


def _body(x_ref, W_enc_ref, b_enc_ref, ln_g_ref, ln_b_ref,
          Wq_ref, Wk_ref, Wv_ref, bq_ref, bk_ref, bv_ref, Wo_ref, bo_ref,
          gf_ref, rf_ref):
    x = x_ref[...]
    inv_sqrt2 = np.float32(1.0 / np.sqrt(2.0))
    scale = np.float32(1.0 / np.sqrt(DH))
    ones_h = jnp.full((H, H), np.float32(1.0 / H), dtype=jnp.float32)

    def mean_lanes(a):
        return jax.lax.dot_general(a, ones_h, (((1,), (0,)), ((), ())),
                                   preferred_element_type=jnp.float32)

    nodes_t = []
    for r in range(R):
        xr = x[:, r * Cg:(r + 1) * Cg]
        h = jax.lax.dot_general(xr, W_enc_ref[r],
                                (((1,), (0,)), ((), ())),
                                preferred_element_type=jnp.float32)
        h = h + b_enc_ref[r:r + 1, :]
        mu = mean_lanes(h)
        d = h - mu
        var = mean_lanes(d * d)
        h = d * jax.lax.rsqrt(var + 1e-5)
        h = h * ln_g_ref[r:r + 1, :] + ln_b_ref[r:r + 1, :]
        g = 0.5 * h * (1.0 + jax.lax.erf(h * inv_sqrt2))
        rf_ref[:, r, :] = g
        nodes_t.append(g.T)

    Wq = Wq_ref[...]
    Wk = Wk_ref[...]
    Wv = Wv_ref[...]
    Wo = Wo_ref[...]
    bq = bq_ref[...]
    bk = bk_ref[...]
    bv = bv_ref[...]
    bo = bo_ref[...]

    def mm(a, b):
        return jax.lax.dot_general(a, b, (((1,), (0,)), ((), ())),
                                   preferred_element_type=jnp.float32)

    qs = [mm(Wq, n) + bq for n in nodes_t]
    ks = [mm(Wk, n) + bk for n in nodes_t]
    vs = [mm(Wv, n) + bv for n in nodes_t]

    for r in range(R):
        segs = [jnp.sum((qs[r] * ks[s]).reshape(NH, DH, TB), axis=1)
                for s in range(R)]
        l = jnp.stack(segs, axis=1) * scale
        m = jnp.max(l, axis=1, keepdims=True)
        e = jnp.exp(l - m)
        z = jnp.sum(e, axis=1, keepdims=True)
        w = e / z
        o = None
        for s in range(R):
            wb = jnp.broadcast_to(w[:, s:s + 1, :], (NH, DH, TB)).reshape(H, TB)
            o = wb * vs[s] if o is None else o + wb * vs[s]
        out_t = mm(Wo, o) + bo + nodes_t[r]
        gf_ref[:, r * H:(r + 1) * H] = out_t.T


def kernel(x, W_enc, b_enc, ln_g, ln_b, Wq, Wk, Wv, bq, bk, bv, Wo, bo):
    x2 = x.reshape(BT, R * Cg)
    grid = (BT // TB,)
    full = lambda i: (0, 0)
    gf2, rf2 = pl.pallas_call(
        _body,
        grid=grid,
        in_specs=[
            pl.BlockSpec((TB, R * Cg), lambda i: (i, 0)),
            pl.BlockSpec((R, Cg, H), lambda i: (0, 0, 0)),
            pl.BlockSpec((R, H), full),
            pl.BlockSpec((R, H), full),
            pl.BlockSpec((R, H), full),
            pl.BlockSpec((H, H), full),
            pl.BlockSpec((H, H), full),
            pl.BlockSpec((H, H), full),
            pl.BlockSpec((H, 1), full),
            pl.BlockSpec((H, 1), full),
            pl.BlockSpec((H, 1), full),
            pl.BlockSpec((H, H), full),
            pl.BlockSpec((H, 1), full),
        ],
        out_specs=[
            pl.BlockSpec((TB, R * H), lambda i: (i, 0)),
            pl.BlockSpec((TB, R, H), lambda i: (i, 0, 0)),
        ],
        out_shape=[
            jax.ShapeDtypeStruct((BT, R * H), jnp.float32),
            jax.ShapeDtypeStruct((BT, R, H), jnp.float32),
        ],
    )(x2, W_enc, b_enc, ln_g, ln_b, Wq, Wk, Wv,
      bq.reshape(H, 1), bk.reshape(H, 1), bv.reshape(H, 1),
      Wo, bo.reshape(H, 1))
    return gf2.reshape(B, T, R * H), rf2.reshape(B, T, R, H)

# --- scband reference (transcript-rebuilt; emitter-appended) ---
"""Pipeline reference for scband-brain-graph-encoder-61529701483008 (READ-ONLY COPY).

The authoritative reference and input builder live on the scoring server;
editing this copy changes nothing except your own understanding.
"""

import jax, jax.numpy as jnp
import numpy as np

B, T, R, Cg, H, NH = 16, 512, 10, 8, 128, 4
DH = H // NH

def setup_inputs(seed: int = 0):
    key = jax.random.key(seed)
    ks = jax.random.split(key, 8)
    s = 0.05
    return {
        "x": jax.random.normal(ks[0], (B, T, R * Cg), dtype=jnp.float32),
        "W_enc": jax.random.normal(ks[1], (R, Cg, H), dtype=jnp.float32) * s,
        "b_enc": jnp.zeros((R, H), dtype=jnp.float32),
        "ln_g": jnp.ones((R, H), dtype=jnp.float32),
        "ln_b": jnp.zeros((R, H), dtype=jnp.float32),
        "Wq": jax.random.normal(ks[2], (H, H), dtype=jnp.float32) * s,
        "Wk": jax.random.normal(ks[3], (H, H), dtype=jnp.float32) * s,
        "Wv": jax.random.normal(ks[4], (H, H), dtype=jnp.float32) * s,
        "bq": jnp.zeros((H,), dtype=jnp.float32),
        "bk": jnp.zeros((H,), dtype=jnp.float32),
        "bv": jnp.zeros((H,), dtype=jnp.float32),
        "Wo": jax.random.normal(ks[5], (H, H), dtype=jnp.float32) * s,
        "bo": jnp.zeros((H,), dtype=jnp.float32),
    }

def _mha(nodes, Wq, Wk, Wv, bq, bk, bv, Wo, bo):
    Bt, Tt, Rr, Hh = nodes.shape
    q = nodes @ Wq.T + bq
    k = nodes @ Wk.T + bk
    v = nodes @ Wv.T + bv
    def split(a):
        return a.reshape(Bt, Tt, Rr, NH, DH).transpose(0, 1, 3, 2, 4)
    qh, kh, vh = split(q), split(k), split(v)
    logits = jnp.einsum('btnrd,btnsd->btnrs', qh, kh) / np.sqrt(DH).astype(np.float32)
    w = jax.nn.softmax(logits, axis=-1)
    o = jnp.einsum('btnrs,btnsd->btnrd', w, vh)
    o = o.transpose(0, 1, 3, 2, 4).reshape(Bt, Tt, Rr, Hh)
    return o @ Wo.T + bo

def reference(x, W_enc, b_enc, ln_g, ln_b, Wq, Wk, Wv, bq, bk, bv, Wo, bo):
    # Region encoders: per-region Linear -> LayerNorm -> GELU (dropout = identity in eval)
    Bt, Tt, _ = x.shape
    xr = x.reshape(Bt, Tt, R, Cg)
    h = jnp.einsum('btrc,rch->btrh', xr, W_enc) + b_enc
    mu = jnp.mean(h, axis=-1, keepdims=True)
    var = jnp.var(h, axis=-1, keepdims=True)
    h = (h - mu) / jnp.sqrt(var + 1e-5) * ln_g + ln_b
    region_feats = jax.nn.gelu(h, approximate=False)  # (B, T, R, H)
    # Cross-attention fallback over the 10 region nodes at each timestep, residual add
    attn_out = _mha(region_feats, Wq, Wk, Wv, bq, bk, bv, Wo, bo)
    nodes = region_feats + attn_out
    graph_features = nodes.reshape(Bt, Tt, R * H)
    return graph_features, region_feats

if __name__ == "__main__":
    import jax
    _d = setup_inputs()
    print(jax.jit(kernel)(*tuple(_d.values())))

</pallas_src>

<mosaic_0001>
module attributes {stable_mosaic.version = 14 : i64} {
  func.func @_body(%arg0: i32, %arg1: memref<256x80xf32, #tpu.memory_space<vmem>>, %arg2: memref<10x8x128xf32, #tpu.memory_space<vmem>>, %arg3: memref<10x128xf32, #tpu.memory_space<vmem>>, %arg4: memref<10x128xf32, #tpu.memory_space<vmem>>, %arg5: memref<10x128xf32, #tpu.memory_space<vmem>>, %arg6: memref<128x128xf32, #tpu.memory_space<vmem>>, %arg7: memref<128x128xf32, #tpu.memory_space<vmem>>, %arg8: memref<128x128xf32, #tpu.memory_space<vmem>>, %arg9: memref<128x1xf32, #tpu.memory_space<vmem>>, %arg10: memref<128x1xf32, #tpu.memory_space<vmem>>, %arg11: memref<128x1xf32, #tpu.memory_space<vmem>>, %arg12: memref<128x128xf32, #tpu.memory_space<vmem>>, %arg13: memref<128x1xf32, #tpu.memory_space<vmem>>, %arg14: memref<256x1280xf32, #tpu.memory_space<vmem>>, %arg15: memref<256x10x128xf32, #tpu.memory_space<vmem>>) attributes {dimension_semantics = [#tpu.dimension_semantics<arbitrary>], iteration_bounds = array<i64: 32>, scalar_prefetch = 0 : i64, scratch_operands = 0 : i64, tpu.core_type = #tpu.core_type<tc>, window_params = [{transform_indices = @transform_0, window_bounds = array<i64: 256, 80>}, {pipeline_mode = #tpu.pipeline_mode<synchronous>, transform_indices = @transform_1, window_bounds = array<i64: 10, 8, 128>}, {pipeline_mode = #tpu.pipeline_mode<synchronous>, transform_indices = @transform_2, window_bounds = array<i64: 10, 128>}, {pipeline_mode = #tpu.pipeline_mode<synchronous>, transform_indices = @transform_3, window_bounds = array<i64: 10, 128>}, {pipeline_mode = #tpu.pipeline_mode<synchronous>, transform_indices = @transform_4, window_bounds = array<i64: 10, 128>}, {pipeline_mode = #tpu.pipeline_mode<synchronous>, transform_indices = @transform_5, window_bounds = array<i64: 128, 128>}, {pipeline_mode = #tpu.pipeline_mode<synchronous>, transform_indices = @transform_6, window_bounds = array<i64: 128, 128>}, {pipeline_mode = #tpu.pipeline_mode<synchronous>, transform_indices = @transform_7, window_bounds = array<i64: 128, 128>}, {pipeline_mode = #tpu.pipeline_mode<synchronous>, transform_indices = @transform_8, window_bounds = array<i64: 128, 1>}, {pipeline_mode = #tpu.pipeline_mode<synchronous>, transform_indices = @transform_9, window_bounds = array<i64: 128, 1>}, {pipeline_mode = #tpu.pipeline_mode<synchronous>, transform_indices = @transform_10, window_bounds = array<i64: 128, 1>}, {pipeline_mode = #tpu.pipeline_mode<synchronous>, transform_indices = @transform_11, window_bounds = array<i64: 128, 128>}, {pipeline_mode = #tpu.pipeline_mode<synchronous>, transform_indices = @transform_12, window_bounds = array<i64: 128, 1>}, {transform_indices = @transform_13, window_bounds = array<i64: 256, 1280>}, {transform_indices = @transform_14, window_bounds = array<i64: 256, 10, 128>}]} {
    %get3A = arith.constant 0 : index
    %get3A_0 = arith.constant 0 : index
    %get3A_1 = vector.load %arg1[%get3A, %get3A_0] : memref<256x80xf32, #tpu.memory_space<vmem>>, vector<256x80xf32>
    %broadcast_in_dim3A = arith.constant 7.812500e-03 : f32
    %broadcast_in_dim3A_2 = vector.broadcast %broadcast_in_dim3A : f32 to vector<128x128xf32>
    %slice3A = vector.extract_strided_slice %get3A_1 {offsets = [0, 0], sizes = [256, 8], strides = [1, 1]} : vector<256x80xf32> to vector<256x8xf32>
    %get3A_3 = arith.constant 0 : index
    %get3A_4 = arith.constant 0 : index
    %get3A_5 = arith.constant 0 : index
    %get3A_6 = vector.load %arg2[%get3A_3, %get3A_4, %get3A_5] : memref<10x8x128xf32, #tpu.memory_space<vmem>>, vector<1x8x128xf32>
    %get3A_7 = vector.shape_cast %get3A_6 : vector<1x8x128xf32> to vector<8x128xf32>
    %dot_general3A = arith.constant dense<0.000000e+00> : vector<256x128xf32>
    %dot_general3A_8 = tpu.matmul %slice3A, %get3A_7, %dot_general3A {dimension_numbers = #tpu.dot_dimension_numbers<[1], [0], [0], [1], [0, 0, 1, 1], [], []>, transpose_lhs_hint = false} : vector<256x8xf32>, vector<8x128xf32>, vector<256x128xf32> -> vector<256x128xf32>
    %get3A_9 = arith.constant 0 : index
    %get3A_10 = arith.constant 0 : index
    %get3A_11 = vector.load %arg3[%get3A_9, %get3A_10] : memref<10x128xf32, #tpu.memory_space<vmem>>, vector<1x128xf32>
    %add3A = vector.broadcast %get3A_11 : vector<1x128xf32> to vector<256x128xf32>
    %add3A_12 = arith.addf %dot_general3A_8, %add3A : vector<256x128xf32>
    %dot_general3A_13 = arith.constant dense<0.000000e+00> : vector<256x128xf32>
    %dot_general3A_14 = tpu.matmul %add3A_12, %broadcast_in_dim3A_2, %dot_general3A_13 {dimension_numbers = #tpu.dot_dimension_numbers<[1], [0], [0], [1], [0, 0, 1, 1], [], []>, transpose_lhs_hint = false} : vector<256x128xf32>, vector<128x128xf32>, vector<256x128xf32> -> vector<256x128xf32>
    %sub3A = arith.subf %add3A_12, %dot_general3A_14 : vector<256x128xf32>
    %mul3A = arith.mulf %sub3A, %sub3A : vector<256x128xf32>
    %dot_general3A_15 = arith.constant dense<0.000000e+00> : vector<256x128xf32>
    %dot_general3A_16 = tpu.matmul %mul3A, %broadcast_in_dim3A_2, %dot_general3A_15 {dimension_numbers = #tpu.dot_dimension_numbers<[1], [0], [0], [1], [0, 0, 1, 1], [], []>, transpose_lhs_hint = false} : vector<256x128xf32>, vector<128x128xf32>, vector<256x128xf32> -> vector<256x128xf32>
    %add3A_17 = arith.constant 9.99999974E-6 : f32
    %add3A_18 = vector.broadcast %add3A_17 : f32 to vector<256x128xf32>
    %add3A_19 = arith.addf %dot_general3A_16, %add3A_18 : vector<256x128xf32>
    %rsqrt3A = math.rsqrt %add3A_19 : vector<256x128xf32>
    %mul3A_20 = arith.mulf %sub3A, %rsqrt3A : vector<256x128xf32>
    %get3A_21 = arith.constant 0 : index
    %get3A_22 = arith.constant 0 : index
    %get3A_23 = vector.load %arg4[%get3A_21, %get3A_22] : memref<10x128xf32, #tpu.memory_space<vmem>>, vector<1x128xf32>
    %mul3A_24 = vector.broadcast %get3A_23 : vector<1x128xf32> to vector<256x128xf32>
    %mul3A_25 = arith.mulf %mul3A_20, %mul3A_24 : vector<256x128xf32>
    %get3A_26 = arith.constant 0 : index
    %get3A_27 = arith.constant 0 : index
    %get3A_28 = vector.load %arg5[%get3A_26, %get3A_27] : memref<10x128xf32, #tpu.memory_space<vmem>>, vector<1x128xf32>
    %add3A_29 = vector.broadcast %get3A_28 : vector<1x128xf32> to vector<256x128xf32>
    %add3A_30 = arith.addf %mul3A_25, %add3A_29 : vector<256x128xf32>
    %mul3A_31 = arith.constant 5.000000e-01 : f32
    %mul3A_32 = vector.broadcast %mul3A_31 : f32 to vector<256x128xf32>
    %mul3A_33 = arith.mulf %mul3A_32, %add3A_30 : vector<256x128xf32>
    %mul3A_34 = arith.constant 0.707106769 : f32
    %mul3A_35 = vector.broadcast %mul3A_34 : f32 to vector<256x128xf32>
    %mul3A_36 = arith.mulf %add3A_30, %mul3A_35 : vector<256x128xf32>
    %erf3A = math.erf %mul3A_36 : vector<256x128xf32>
    %add3A_37 = arith.constant 1.000000e+00 : f32
    %add3A_38 = vector.broadcast %add3A_37 : f32 to vector<256x128xf32>
    %add3A_39 = arith.addf %add3A_38, %erf3A : vector<256x128xf32>
    %mul3A_40 = arith.mulf %mul3A_33, %add3A_39 : vector<256x128xf32>
    %swap3A = arith.constant 0 : index
    %swap3A_41 = arith.constant 0 : index
    %swap3A_42 = arith.constant 0 : index
    %swap3A_43 = vector.load %arg15[%swap3A, %swap3A_41, %swap3A_42] : memref<256x10x128xf32, #tpu.memory_space<vmem>>, vector<256x1x128xf32>
    %swap3A_44 = vector.shape_cast %swap3A_43 : vector<256x1x128xf32> to vector<256x128xf32>
    %swap3A_45 = vector.shape_cast %mul3A_40 : vector<256x128xf32> to vector<256x1x128xf32>
    tpu.vector_store %arg15[%swap3A, %swap3A_41, %swap3A_42], %swap3A_45 {strides = array<i32>} : memref<256x10x128xf32, #tpu.memory_space<vmem>>, vector<256x1x128xf32>,
    %transpose3A = tpu.transpose %mul3A_40, [1, 0] : vector<256x128xf32> -> vector<128x256xf32>
    %slice3A_46 = vector.extract_strided_slice %get3A_1 {offsets = [0, 8], sizes = [256, 8], strides = [1, 1]} : vector<256x80xf32> to vector<256x8xf32>
    %get3A_47 = arith.constant 1 : index
    %get3A_48 = arith.constant 0 : index
    %get3A_49 = arith.constant 0 : index
    %get3A_50 = vector.load %arg2[%get3A_47, %get3A_48, %get3A_49] : memref<10x8x128xf32, #tpu.memory_space<vmem>>, vector<1x8x128xf32>
    %get3A_51 = vector.shape_cast %get3A_50 : vector<1x8x128xf32> to vector<8x128xf32>
    %dot_general3A_52 = arith.constant dense<0.000000e+00> : vector<256x128xf32>
    %dot_general3A_53 = tpu.matmul %slice3A_46, %get3A_51, %dot_general3A_52 {dimension_numbers = #tpu.dot_dimension_numbers<[1], [0], [0], [1], [0, 0, 1, 1], [], []>, transpose_lhs_hint = false} : vector<256x8xf32>, vector<8x128xf32>, vector<256x128xf32> -> vector<256x128xf32>
    %get3A_54 = arith.constant 1 : index
    %get3A_55 = arith.constant 0 : index
    %get3A_56 = vector.load %arg3[%get3A_54, %get3A_55] : memref<10x128xf32, #tpu.memory_space<vmem>>, vector<1x128xf32>
    %add3A_57 = vector.broadcast %get3A_56 : vector<1x128xf32> to vector<256x128xf32>
    %add3A_58 = arith.addf %dot_general3A_53, %add3A_57 : vector<256x128xf32>
    %dot_general3A_59 = arith.constant dense<0.000000e+00> : vector<256x128xf32>
    %dot_general3A_60 = tpu.matmul %add3A_58, %broadcast_in_dim3A_2, %dot_general3A_59 {dimension_numbers = #tpu.dot_dimension_numbers<[1], [0], [0], [1], [0, 0, 1, 1], [], []>, transpose_lhs_hint = false} : vector<256x128xf32>, vector<128x128xf32>, vector<256x128xf32> -> vector<256x128xf32>
    %sub3A_61 = arith.subf %add3A_58, %dot_general3A_60 : vector<256x128xf32>
    %mul3A_62 = arith.mulf %sub3A_61, %sub3A_61 : vector<256x128xf32>
    %dot_general3A_63 = arith.constant dense<0.000000e+00> : vector<256x128xf32>
    %dot_general3A_64 = tpu.matmul %mul3A_62, %broadcast_in_dim3A_2, %dot_general3A_63 {dimension_numbers = #tpu.dot_dimension_numbers<[1], [0], [0], [1], [0, 0, 1, 1], [], []>, transpose_lhs_hint = false} : vector<256x128xf32>, vector<128x128xf32>, vector<256x128xf32> -> vector<256x128xf32>
    %add3A_65 = arith.constant 9.99999974E-6 : f32
    %add3A_66 = vector.broadcast %add3A_65 : f32 to vector<256x128xf32>
    %add3A_67 = arith.addf %dot_general3A_64, %add3A_66 : vector<256x128xf32>
    %rsqrt3A_68 = math.rsqrt %add3A_67 : vector<256x128xf32>
    %mul3A_69 = arith.mulf %sub3A_61, %rsqrt3A_68 : vector<256x128xf32>
    %get3A_70 = arith.constant 1 : index
    %get3A_71 = arith.constant 0 : index
    %get3A_72 = vector.load %arg4[%get3A_70, %get3A_71] : memref<10x128xf32, #tpu.memory_space<vmem>>, vector<1x128xf32>
    %mul3A_73 = vector.broadcast %get3A_72 : vector<1x128xf32> to vector<256x128xf32>
    %mul3A_74 = arith.mulf %mul3A_69, %mul3A_73 : vector<256x128xf32>
    %get3A_75 = arith.constant 1 : index
    %get3A_76 = arith.constant 0 : index
    %get3A_77 = vector.load %arg5[%get3A_75, %get3A_76] : memref<10x128xf32, #tpu.memory_space<vmem>>, vector<1x128xf32>
    %add3A_78 = vector.broadcast %get3A_77 : vector<1x128xf32> to vector<256x128xf32>
    %add3A_79 = arith.addf %mul3A_74, %add3A_78 : vector<256x128xf32>
    %mul3A_80 = arith.constant 5.000000e-01 : f32
    %mul3A_81 = vector.broadcast %mul3A_80 : f32 to vector<256x128xf32>
    %mul3A_82 = arith.mulf %mul3A_81, %add3A_79 : vector<256x128xf32>
    %mul3A_83 = arith.constant 0.707106769 : f32
    %mul3A_84 = vector.broadcast %mul3A_83 : f32 to vector<256x128xf32>
    %mul3A_85 = arith.mulf %add3A_79, %mul3A_84 : vector<256x128xf32>
    %erf3A_86 = math.erf %mul3A_85 : vector<256x128xf32>
    %add3A_87 = arith.constant 1.000000e+00 : f32
    %add3A_88 = vector.broadcast %add3A_87 : f32 to vector<256x128xf32>
    %add3A_89 = arith.addf %add3A_88, %erf3A_86 : vector<256x128xf32>
    %mul3A_90 = arith.mulf %mul3A_82, %add3A_89 : vector<256x128xf32>
    %swap3A_91 = arith.constant 0 : index
    %swap3A_92 = arith.constant 1 : index
    %swap3A_93 = arith.constant 0 : index
    %swap3A_94 = vector.load %arg15[%swap3A_91, %swap3A_92, %swap3A_93] : memref<256x10x128xf32, #tpu.memory_space<vmem>>, vector<256x1x128xf32>
    %swap3A_95 = vector.shape_cast %swap3A_94 : vector<256x1x128xf32> to vector<256x128xf32>
    %swap3A_96 = vector.shape_cast %mul3A_90 : vector<256x128xf32> to vector<256x1x128xf32>
    tpu.vector_store %arg15[%swap3A_91, %swap3A_92, %swap3A_93], %swap3A_96 {strides = array<i32>} : memref<256x10x128xf32, #tpu.memory_space<vmem>>, vector<256x1x128xf32>,
    %transpose3A_97 = tpu.transpose %mul3A_90, [1, 0] : vector<256x128xf32> -> vector<128x256xf32>
    %slice3A_98 = vector.extract_strided_slice %get3A_1 {offsets = [0, 16], sizes = [256, 8], strides = [1, 1]} : vector<256x80xf32> to vector<256x8xf32>
    %get3A_99 = arith.constant 2 : index
    %get3A_100 = arith.constant 0 : index
    %get3A_101 = arith.constant 0 : index
    %get3A_102 = vector.load %arg2[%get3A_99, %get3A_100, %get3A_101] : memref<10x8x128xf32, #tpu.memory_space<vmem>>, vector<1x8x128xf32>
    %get3A_103 = vector.shape_cast %get3A_102 : vector<1x8x128xf32> to vector<8x128xf32>
    %dot_general3A_104 = arith.constant dense<0.000000e+00> : vector<256x128xf32>
    %dot_general3A_105 = tpu.matmul %slice3A_98, %get3A_103, %dot_general3A_104 {dimension_numbers = #tpu.dot_dimension_numbers<[1], [0], [0], [1], [0, 0, 1, 1], [], []>, transpose_lhs_hint = false} : vector<256x8xf32>, vector<8x128xf32>, vector<256x128xf32> -> vector<256x128xf32>
    %get3A_106 = arith.constant 2 : index
    %get3A_107 = arith.constant 0 : index
    %get3A_108 = vector.load %arg3[%get3A_106, %get3A_107] : memref<10x128xf32, #tpu.memory_space<vmem>>, vector<1x128xf32>
    %add3A_109 = vector.broadcast %get3A_108 : vector<1x128xf32> to vector<256x128xf32>
    %add3A_110 = arith.addf %dot_general3A_105, %add3A_109 : vector<256x128xf32>
    %dot_general3A_111 = arith.constant dense<0.000000e+00> : vector<256x128xf32>
    %dot_general3A_112 = tpu.matmul %add3A_110, %broadcast_in_dim3A_2, %dot_general3A_111 {dimension_numbers = #tpu.dot_dimension_numbers<[1], [0], [0], [1], [0, 0, 1, 1], [], []>, transpose_lhs_hint = false} : vector<256x128xf32>, vector<128x128xf32>, vector<256x128xf32> -> vector<256x128xf32>
    %sub3A_113 = arith.subf %add3A_110, %dot_general3A_112 : vector<256x128xf32>
    %mul3A_114 = arith.mulf %sub3A_113, %sub3A_113 : vector<256x128xf32>
    %dot_general3A_115 = arith.constant dense<0.000000e+00> : vector<256x128xf32>
    %dot_general3A_116 = tpu.matmul %mul3A_114, %broadcast_in_dim3A_2, %dot_general3A_115 {dimension_numbers = #tpu.dot_dimension_numbers<[1], [0], [0], [1], [0, 0, 1, 1], [], []>, transpose_lhs_hint = false} : vector<256x128xf32>, vector<128x128xf32>, vector<256x128xf32> -> vector<256x128xf32>
    %add3A_117 = arith.constant 9.99999974E-6 : f32
    %add3A_118 = vector.broadcast %add3A_117 : f32 to vector<256x128xf32>
    %add3A_119 = arith.addf %dot_general3A_116, %add3A_118 : vector<256x128xf32>
    %rsqrt3A_120 = math.rsqrt %add3A_119 : vector<256x128xf32>
    %mul3A_121 = arith.mulf %sub3A_113, %rsqrt3A_120 : vector<256x128xf32>
    %get3A_122 = arith.constant 2 : index
    %get3A_123 = arith.constant 0 : index
    %get3A_124 = vector.load %arg4[%get3A_122, %get3A_123] : memref<10x128xf32, #tpu.memory_space<vmem>>, vector<1x128xf32>
    %mul3A_125 = vector.broadcast %get3A_124 : vector<1x128xf32> to vector<256x128xf32>
    %mul3A_126 = arith.mulf %mul3A_121, %mul3A_125 : vector<256x128xf32>
    %get3A_127 = arith.constant 2 : index
    %get3A_128 = arith.constant 0 : index
    %get3A_129 = vector.load %arg5[%get3A_127, %get3A_128] : memref<10x128xf32, #tpu.memory_space<vmem>>, vector<1x128xf32>
    %add3A_130 = vector.broadcast %get3A_129 : vector<1x128xf32> to vector<256x128xf32>
    %add3A_131 = arith.addf %mul3A_126, %add3A_130 : vector<256x128xf32>
    %mul3A_132 = arith.constant 5.000000e-01 : f32
    %mul3A_133 = vector.broadcast %mul3A_132 : f32 to vector<256x128xf32>
    %mul3A_134 = arith.mulf %mul3A_133, %add3A_131 : vector<256x128xf32>
    %mul3A_135 = arith.constant 0.707106769 : f32
    %mul3A_136 = vector.broadcast %mul3A_135 : f32 to vector<256x128xf32>
    %mul3A_137 = arith.mulf %add3A_131, %mul3A_136 : vector<256x128xf32>
    %erf3A_138 = math.erf %mul3A_137 : vector<256x128xf32>
    %add3A_139 = arith.constant 1.000000e+00 : f32
    %add3A_140 = vector.broadcast %add3A_139 : f32 to vector<256x128xf32>
    %add3A_141 = arith.addf %add3A_140, %erf3A_138 : vector<256x128xf32>
    %mul3A_142 = arith.mulf %mul3A_134, %add3A_141 : vector<256x128xf32>
    %swap3A_143 = arith.constant 0 : index
    %swap3A_144 = arith.constant 2 : index
    %swap3A_145 = arith.constant 0 : index
    %swap3A_146 = vector.load %arg15[%swap3A_143, %swap3A_144, %swap3A_145] : memref<256x10x128xf32, #tpu.memory_space<vmem>>, vector<256x1x128xf32>
    %swap3A_147 = vector.shape_cast %swap3A_146 : vector<256x1x128xf32> to vector<256x128xf32>
    %swap3A_148 = vector.shape_cast %mul3A_142 : vector<256x128xf32> to vector<256x1x128xf32>
    tpu.vector_store %arg15[%swap3A_143, %swap3A_144, %swap3A_145], %swap3A_148 {strides = array<i32>} : memref<256x10x128xf32, #tpu.memory_space<vmem>>, vector<256x1x128xf32>,
    %transpose3A_149 = tpu.transpose %mul3A_142, [1, 0] : vector<256x128xf32> -> vector<128x256xf32>
    %slice3A_150 = vector.extract_strided_slice %get3A_1 {offsets = [0, 24], sizes = [256, 8], strides = [1, 1]} : vector<256x80xf32> to vector<256x8xf32>
    %get3A_151 = arith.constant 3 : index
    %get3A_152 = arith.constant 0 : index
    %get3A_153 = arith.constant 0 : index
    %get3A_154 = vector.load %arg2[%get3A_151, %get3A_152, %get3A_153] : memref<10x8x128xf32, #tpu.memory_space<vmem>>, vector<1x8x128xf32>
    %get3A_155 = vector.shape_cast %get3A_154 : vector<1x8x128xf32> to vector<8x128xf32>
    %dot_general3A_156 = arith.constant dense<0.000000e+00> : vector<256x128xf32>
    %dot_general3A_157 = tpu.matmul %slice3A_150, %get3A_155, %dot_general3A_156 {dimension_numbers = #tpu.dot_dimension_numbers<[1], [0], [0], [1], [0, 0, 1, 1], [], []>, transpose_lhs_hint = false} : vector<256x8xf32>, vector<8x128xf32>, vector<256x128xf32> -> vector<256x128xf32>
    %get3A_158 = arith.constant 3 : index
    %get3A_159 = arith.constant 0 : index
    %get3A_160 = vector.load %arg3[%get3A_158, %get3A_159] : memref<10x128xf32, #tpu.memory_space<vmem>>, vector<1x128xf32>
    %add3A_161 = vector.broadcast %get3A_160 : vector<1x128xf32> to vector<256x128xf32>
    %add3A_162 = arith.addf %dot_general3A_157, %add3A_161 : vector<256x128xf32>
    %dot_general3A_163 = arith.constant dense<0.000000e+00> : vector<256x128xf32>
    %dot_general3A_164 = tpu.matmul %add3A_162, %broadcast_in_dim3A_2, %dot_general3A_163 {dimension_numbers = #tpu.dot_dimension_numbers<[1], [0], [0], [1], [0, 0, 1, 1], [], []>, transpose_lhs_hint = false} : vector<256x128xf32>, vector<128x128xf32>, vector<256x128xf32> -> vector<256x128xf32>
    %sub3A_165 = arith.subf %add3A_162, %dot_general3A_164 : vector<256x128xf32>
    %mul3A_166 = arith.mulf %sub3A_165, %sub3A_165 : vector<256x128xf32>
    %dot_general3A_167 = arith.constant dense<0.000000e+00> : vector<256x128xf32>
    %dot_general3A_168 = tpu.matmul %mul3A_166, %broadcast_in_dim3A_2, %dot_general3A_167 {dimension_numbers = #tpu.dot_dimension_numbers<[1], [0], [0], [1], [0, 0, 1, 1], [], []>, transpose_lhs_hint = false} : vector<256x128xf32>, vector<128x128xf32>, vector<256x128xf32> -> vector<256x128xf32>
    %add3A_169 = arith.constant 9.99999974E-6 : f32
    %add3A_170 = vector.broadcast %add3A_169 : f32 to vector<256x128xf32>
    %add3A_171 = arith.addf %dot_general3A_168, %add3A_170 : vector<256x128xf32>
    %rsqrt3A_172 = math.rsqrt %add3A_171 : vector<256x128xf32>
    %mul3A_173 = arith.mulf %sub3A_165, %rsqrt3A_172 : vector<256x128xf32>
    %get3A_174 = arith.constant 3 : index
    %get3A_175 = arith.constant 0 : index
    %get3A_176 = vector.load %arg4[%get3A_174, %get3A_175] : memref<10x128xf32, #tpu.memory_space<vmem>>, vector<1x128xf32>
    %mul3A_177 = vector.broadcast %get3A_176 : vector<1x128xf32> to vector<256x128xf32>
    %mul3A_178 = arith.mulf %mul3A_173, %mul3A_177 : vector<256x128xf32>
    %get3A_179 = arith.constant 3 : index
    %get3A_180 = arith.constant 0 : index
    %get3A_181 = vector.load %arg5[%get3A_179, %get3A_180] : memref<10x128xf32, #tpu.memory_space<vmem>>, vector<1x128xf32>
    %add3A_182 = vector.broadcast %get3A_181 : vector<1x128xf32> to vector<256x128xf32>
    %add3A_183 = arith.addf %mul3A_178, %add3A_182 : vector<256x128xf32>
    %mul3A_184 = arith.constant 5.000000e-01 : f32
    %mul3A_185 = vector.broadcast %mul3A_184 : f32 to vector<256x128xf32>
    %mul3A_186 = arith.mulf %mul3A_185, %add3A_183 : vector<256x128xf32>
    %mul3A_187 = arith.constant 0.707106769 : f32
    %mul3A_188 = vector.broadcast %mul3A_187 : f32 to vector<256x128xf32>
    %mul3A_189 = arith.mulf %add3A_183, %mul3A_188 : vector<256x128xf32>
    %erf3A_190 = math.erf %mul3A_189 : vector<256x128xf32>
    %add3A_191 = arith.constant 1.000000e+00 : f32
    %add3A_192 = vector.broadcast %add3A_191 : f32 to vector<256x128xf32>
    %add3A_193 = arith.addf %add3A_192, %erf3A_190 : vector<256x128xf32>
    %mul3A_194 = arith.mulf %mul3A_186, %add3A_193 : vector<256x128xf32>
    %swap3A_195 = arith.constant 0 : index
    %swap3A_196 = arith.constant 3 : index
    %swap3A_197 = arith.constant 0 : index
    %swap3A_198 = vector.load %arg15[%swap3A_195, %swap3A_196, %swap3A_197] : memref<256x10x128xf32, #tpu.memory_space<vmem>>, vector<256x1x128xf32>
    %swap3A_199 = vector.shape_cast %swap3A_198 : vector<256x1x128xf32> to vector<256x128xf32>
    %swap3A_200 = vector.shape_cast %mul3A_194 : vector<256x128xf32> to vector<256x1x128xf32>
    tpu.vector_store %arg15[%swap3A_195, %swap3A_196, %swap3A_197], %swap3A_200 {strides = array<i32>} : memref<256x10x128xf32, #tpu.memory_space<vmem>>, vector<256x1x128xf32>,
    %transpose3A_201 = tpu.transpose %mul3A_194, [1, 0] : vector<256x128xf32> -> vector<128x256xf32>
    %slice3A_202 = vector.extract_strided_slice %get3A_1 {offsets = [0, 32], sizes = [256, 8], strides = [1, 1]} : vector<256x80xf32> to vector<256x8xf32>
    %get3A_203 = arith.constant 4 : index
    %get3A_204 = arith.constant 0 : index
    %get3A_205 = arith.constant 0 : index
    %get3A_206 = vector.load %arg2[%get3A_203, %get3A_204, %get3A_205] : memref<10x8x128xf32, #tpu.memory_space<vmem>>, vector<1x8x128xf32>
    %get3A_207 = vector.shape_cast %get3A_206 : vector<1x8x128xf32> to vector<8x128xf32>
    %dot_general3A_208 = arith.constant dense<0.000000e+00> : vector<256x128xf32>
    %dot_general3A_209 = tpu.matmul %slice3A_202, %get3A_207, %dot_general3A_208 {dimension_numbers = #tpu.dot_dimension_numbers<[1], [0], [0], [1], [0, 0, 1, 1], [], []>, transpose_lhs_hint = false} : vector<256x8xf32>, vector<8x128xf32>, vector<256x128xf32> -> vector<256x128xf32>
    %get3A_210 = arith.constant 4 : index
    %get3A_211 = arith.constant 0 : index
    %get3A_212 = vector.load %arg3[%get3A_210, %get3A_211] : memref<10x128xf32, #tpu.memory_space<vmem>>, vector<1x128xf32>
    %add3A_213 = vector.broadcast %get3A_212 : vector<1x128xf32> to vector<256x128xf32>
    %add3A_214 = arith.addf %dot_general3A_209, %add3A_213 : vector<256x128xf32>
    %dot_general3A_215 = arith.constant dense<0.000000e+00> : vector<256x128xf32>
    %dot_general3A_216 = tpu.matmul %add3A_214, %broadcast_in_dim3A_2, %dot_general3A_215 {dimension_numbers = #tpu.dot_dimension_numbers<[1], [0], [0], [1], [0, 0, 1, 1], [], []>, transpose_lhs_hint = false} : vector<256x128xf32>, vector<128x128xf32>, vector<256x128xf32> -> vector<256x128xf32>
    %sub3A_217 = arith.subf %add3A_214, %dot_general3A_216 : vector<256x128xf32>
    %mul3A_218 = arith.mulf %sub3A_217, %sub3A_217 : vector<256x128xf32>
    %dot_general3A_219 = arith.constant dense<0.000000e+00> : vector<256x128xf32>
    %dot_general3A_220 = tpu.matmul %mul3A_218, %broadcast_in_dim3A_2, %dot_general3A_219 {dimension_numbers = #tpu.dot_dimension_numbers<[1], [0], [0], [1], [0, 0, 1, 1], [], []>, transpose_lhs_hint = false} : vector<256x128xf32>, vector<128x128xf32>, vector<256x128xf32> -> vector<256x128xf32>
    %add3A_221 = arith.constant 9.99999974E-6 : f32
    %add3A_222 = vector.broadcast %add3A_221 : f32 to vector<256x128xf32>
    %add3A_223 = arith.addf %dot_general3A_220, %add3A_222 : vector<256x128xf32>
    %rsqrt3A_224 = math.rsqrt %add3A_223 : vector<256x128xf32>
    %mul3A_225 = arith.mulf %sub3A_217, %rsqrt3A_224 : vector<256x128xf32>
    %get3A_226 = arith.constant 4 : index
    %get3A_227 = arith.constant 0 : index
    %get3A_228 = vector.load %arg4[%get3A_226, %get3A_227] : memref<10x128xf32, #tpu.memory_space<vmem>>, vector<1x128xf32>
    %mul3A_229 = vector.broadcast %get3A_228 : vector<1x128xf32> to vector<256x128xf32>
    %mul3A_230 = arith.mulf %mul3A_225, %mul3A_229 : vector<256x128xf32>
    %get3A_231 = arith.constant 4 : index
    %get3A_232 = arith.constant 0 : index
    %get3A_233 = vector.load %arg5[%get3A_231, %get3A_232] : memref<10x128xf32, #tpu.memory_space<vmem>>, vector<1x128xf32>
    %add3A_234 = vector.broadcast %get3A_233 : vector<1x128xf32> to vector<256x128xf32>
    %add3A_235 = arith.addf %mul3A_230, %add3A_234 : vector<256x128xf32>
    %mul3A_236 = arith.constant 5.000000e-01 : f32
    %mul3A_237 = vector.broadcast %mul3A_236 : f32 to vector<256x128xf32>
    %mul3A_238 = arith.mulf %mul3A_237, %add3A_235 : vector<256x128xf32>
    %mul3A_239 = arith.constant 0.707106769 : f32
    %mul3A_240 = vector.broadcast %mul3A_239 : f32 to vector<256x128xf32>
    %mul3A_241 = arith.mulf %add3A_235, %mul3A_240 : vector<256x128xf32>
    %erf3A_242 = math.erf %mul3A_241 : vector<256x128xf32>
    %add3A_243 = arith.constant 1.000000e+00 : f32
    %add3A_244 = vector.broadcast %add3A_243 : f32 to vector<256x128xf32>
    %add3A_245 = arith.addf %add3A_244, %erf3A_242 : vector<256x128xf32>
    %mul3A_246 = arith.mulf %mul3A_238, %add3A_245 : vector<256x128xf32>
    %swap3A_247 = arith.constant 0 : index
    %swap3A_248 = arith.constant 4 : index
    %swap3A_249 = arith.constant 0 : index
    %swap3A_250 = vector.load %arg15[%swap3A_247, %swap3A_248, %swap3A_249] : memref<256x10x128xf32, #tpu.memory_space<vmem>>, vector<256x1x128xf32>
    %swap3A_251 = vector.shape_cast %swap3A_250 : vector<256x1x128xf32> to vector<256x128xf32>
    %swap3A_252 = vector.shape_cast %mul3A_246 : vector<256x128xf32> to vector<256x1x128xf32>
    tpu.vector_store %arg15[%swap3A_247, %swap3A_248, %swap3A_249], %swap3A_252 {strides = array<i32>} : memref<256x10x128xf32, #tpu.memory_space<vmem>>, vector<256x1x128xf32>,
    %transpose3A_253 = tpu.transpose %mul3A_246, [1, 0] : vector<256x128xf32> -> vector<128x256xf32>
    %slice3A_254 = vector.extract_strided_slice %get3A_1 {offsets = [0, 40], sizes = [256, 8], strides = [1, 1]} : vector<256x80xf32> to vector<256x8xf32>
    %get3A_255 = arith.constant 5 : index
    %get3A_256 = arith.constant 0 : index
    %get3A_257 = arith.constant 0 : index
    %get3A_258 = vector.load %arg2[%get3A_255, %get3A_256, %get3A_257] : memref<10x8x128xf32, #tpu.memory_space<vmem>>, vector<1x8x128xf32>
    %get3A_259 = vector.shape_cast %get3A_258 : vector<1x8x128xf32> to vector<8x128xf32>
    %dot_general3A_260 = arith.constant dense<0.000000e+00> : vector<256x128xf32>
    %dot_general3A_261 = tpu.matmul %slice3A_254, %get3A_259, %dot_general3A_260 {dimension_numbers = #tpu.dot_dimension_numbers<[1], [0], [0], [1], [0, 0, 1, 1], [], []>, transpose_lhs_hint = false} : vector<256x8xf32>, vector<8x128xf32>, vector<256x128xf32> -> vector<256x128xf32>
    %get3A_262 = arith.constant 5 : index
    %get3A_263 = arith.constant 0 : index
    %get3A_264 = vector.load %arg3[%get3A_262, %get3A_263] : memref<10x128xf32, #tpu.memory_space<vmem>>, vector<1x128xf32>
    %add3A_265 = vector.broadcast %get3A_264 : vector<1x128xf32> to vector<256x128xf32>
    %add3A_266 = arith.addf %dot_general3A_261, %add3A_265 : vector<256x128xf32>
    %dot_general3A_267 = arith.constant dense<0.000000e+00> : vector<256x128xf32>
    %dot_general3A_268 = tpu.matmul %add3A_266, %broadcast_in_dim3A_2, %dot_general3A_267 {dimension_numbers = #tpu.dot_dimension_numbers<[1], [0], [0], [1], [0, 0, 1, 1], [], []>, transpose_lhs_hint = false} : vector<256x128xf32>, vector<128x128xf32>, vector<256x128xf32> -> vector<256x128xf32>
    %sub3A_269 = arith.subf %add3A_266, %dot_general3A_268 : vector<256x128xf32>
    %mul3A_270 = arith.mulf %sub3A_269, %sub3A_269 : vector<256x128xf32>
    %dot_general3A_271 = arith.constant dense<0.000000e+00> : vector<256x128xf32>
    %dot_general3A_272 = tpu.matmul %mul3A_270, %broadcast_in_dim3A_2, %dot_general3A_271 {dimension_numbers = #tpu.dot_dimension_numbers<[1], [0], [0], [1], [0, 0, 1, 1], [], []>, transpose_lhs_hint = false} : vector<256x128xf32>, vector<128x128xf32>, vector<256x128xf32> -> vector<256x128xf32>
    %add3A_273 = arith.constant 9.99999974E-6 : f32
    %add3A_274 = vector.broadcast %add3A_273 : f32 to vector<256x128xf32>
    %add3A_275 = arith.addf %dot_general3A_272, %add3A_274 : vector<256x128xf32>
    %rsqrt3A_276 = math.rsqrt %add3A_275 : vector<256x128xf32>
    %mul3A_277 = arith.mulf %sub3A_269, %rsqrt3A_276 : vector<256x128xf32>
    %get3A_278 = arith.constant 5 : index
    %get3A_279 = arith.constant 0 : index
    %get3A_280 = vector.load %arg4[%get3A_278, %get3A_279] : memref<10x128xf32, #tpu.memory_space<vmem>>, vector<1x128xf32>
    %mul3A_281 = vector.broadcast %get3A_280 : vector<1x128xf32> to vector<256x128xf32>
    %mul3A_282 = arith.mulf %mul3A_277, %mul3A_281 : vector<256x128xf32>
    %get3A_283 = arith.constant 5 : index
    %get3A_284 = arith.constant 0 : index
    %get3A_285 = vector.load %arg5[%get3A_283, %get3A_284] : memref<10x128xf32, #tpu.memory_space<vmem>>, vector<1x128xf32>
    %add3A_286 = vector.broadcast %get3A_285 : vector<1x128xf32> to vector<256x128xf32>
    %add3A_287 = arith.addf %mul3A_282, %add3A_286 : vector<256x128xf32>
    %mul3A_288 = arith.constant 5.000000e-01 : f32
    %mul3A_289 = vector.broadcast %mul3A_288 : f32 to vector<256x128xf32>
    %mul3A_290 = arith.mulf %mul3A_289, %add3A_287 : vector<256x128xf32>
    %mul3A_291 = arith.constant 0.707106769 : f32
    %mul3A_292 = vector.broadcast %mul3A_291 : f32 to vector<256x128xf32>
    %mul3A_293 = arith.mulf %add3A_287, %mul3A_292 : vector<256x128xf32>
    %erf3A_294 = math.erf %mul3A_293 : vector<256x128xf32>
    %add3A_295 = arith.constant 1.000000e+00 : f32
    %add3A_296 = vector.broadcast %add3A_295 : f32 to vector<256x128xf32>
    %add3A_297 = arith.addf %add3A_296, %erf3A_294 : vector<256x128xf32>
    %mul3A_298 = arith.mulf %mul3A_290, %add3A_297 : vector<256x128xf32>
    %swap3A_299 = arith.constant 0 : index
    %swap3A_300 = arith.constant 5 : index
    %swap3A_301 = arith.constant 0 : index
    %swap3A_302 = vector.load %arg15[%swap3A_299, %swap3A_300, %swap3A_301] : memref<256x10x128xf32, #tpu.memory_space<vmem>>, vector<256x1x128xf32>
    %swap3A_303 = vector.shape_cast %swap3A_302 : vector<256x1x128xf32> to vector<256x128xf32>
    %swap3A_304 = vector.shape_cast %mul3A_298 : vector<256x128xf32> to vector<256x1x128xf32>
    tpu.vector_store %arg15[%swap3A_299, %swap3A_300, %swap3A_301], %swap3A_304 {strides = array<i32>} : memref<256x10x128xf32, #tpu.memory_space<vmem>>, vector<256x1x128xf32>,
    %transpose3A_305 = tpu.transpose %mul3A_298, [1, 0] : vector<256x128xf32> -> vector<128x256xf32>
    %slice3A_306 = vector.extract_strided_slice %get3A_1 {offsets = [0, 48], sizes = [256, 8], strides = [1, 1]} : vector<256x80xf32> to vector<256x8xf32>
    %get3A_307 = arith.constant 6 : index
    %get3A_308 = arith.constant 0 : index
    %get3A_309 = arith.constant 0 : index
    %get3A_310 = vector.load %arg2[%get3A_307, %get3A_308, %get3A_309] : memref<10x8x128xf32, #tpu.memory_space<vmem>>, vector<1x8x128xf32>
    %get3A_311 = vector.shape_cast %get3A_310 : vector<1x8x128xf32> to vector<8x128xf32>
    %dot_general3A_312 = arith.constant dense<0.000000e+00> : vector<256x128xf32>
    %dot_general3A_313 = tpu.matmul %slice3A_306, %get3A_311, %dot_general3A_312 {dimension_numbers = #tpu.dot_dimension_numbers<[1], [0], [0], [1], [0, 0, 1, 1], [], []>, transpose_lhs_hint = false} : vector<256x8xf32>, vector<8x128xf32>, vector<256x128xf32> -> vector<256x128xf32>
    %get3A_314 = arith.constant 6 : index
    %get3A_315 = arith.constant 0 : index
    %get3A_316 = vector.load %arg3[%get3A_314, %get3A_315] : memref<10x128xf32, #tpu.memory_space<vmem>>, vector<1x128xf32>
    %add3A_317 = vector.broadcast %get3A_316 : vector<1x128xf32> to vector<256x128xf32>
    %add3A_318 = arith.addf %dot_general3A_313, %add3A_317 : vector<256x128xf32>
    %dot_general3A_319 = arith.constant dense<0.000000e+00> : vector<256x128xf32>
    %dot_general3A_320 = tpu.matmul %add3A_318, %broadcast_in_dim3A_2, %dot_general3A_319 {dimension_numbers = #tpu.dot_dimension_numbers<[1], [0], [0], [1], [0, 0, 1, 1], [], []>, transpose_lhs_hint = false} : vector<256x128xf32>, vector<128x128xf32>, vector<256x128xf32> -> vector<256x128xf32>
    %sub3A_321 = arith.subf %add3A_318, %dot_general3A_320 : vector<256x128xf32>
    %mul3A_322 = arith.mulf %sub3A_321, %sub3A_321 : vector<256x128xf32>
    %dot_general3A_323 = arith.constant dense<0.000000e+00> : vector<256x128xf32>
    %dot_general3A_324 = tpu.matmul %mul3A_322, %broadcast_in_dim3A_2, %dot_general3A_323 {dimension_numbers = #tpu.dot_dimension_numbers<[1], [0], [0], [1], [0, 0, 1, 1], [], []>, transpose_lhs_hint = false} : vector<256x128xf32>, vector<128x128xf32>, vector<256x128xf32> -> vector<256x128xf32>
    %add3A_325 = arith.constant 9.99999974E-6 : f32
    %add3A_326 = vector.broadcast %add3A_325 : f32 to vector<256x128xf32>
    %add3A_327 = arith.addf %dot_general3A_324, %add3A_326 : vector<256x128xf32>
    %rsqrt3A_328 = math.rsqrt %add3A_327 : vector<256x128xf32>
    %mul3A_329 = arith.mulf %sub3A_321, %rsqrt3A_328 : vector<256x128xf32>
    %get3A_330 = arith.constant 6 : index
    %get3A_331 = arith.constant 0 : index
    %get3A_332 = vector.load %arg4[%get3A_330, %get3A_331] : memref<10x128xf32, #tpu.memory_space<vmem>>, vector<1x128xf32>
    %mul3A_333 = vector.broadcast %get3A_332 : vector<1x128xf32> to vector<256x128xf32>
    %mul3A_334 = arith.mulf %mul3A_329, %mul3A_333 : vector<256x128xf32>
    %get3A_335 = arith.constant 6 : index
    %get3A_336 = arith.constant 0 : index
    %get3A_337 = vector.load %arg5[%get3A_335, %get3A_336] : memref<10x128xf32, #tpu.memory_space<vmem>>, vector<1x128xf32>
    %add3A_338 = vector.broadcast %get3A_337 : vector<1x128xf32> to vector<256x128xf32>
    %add3A_339 = arith.addf %mul3A_334, %add3A_338 : vector<256x128xf32>
    %mul3A_340 = arith.constant 5.000000e-01 : f32
    %mul3A_341 = vector.broadcast %mul3A_340 : f32 to vector<256x128xf32>
    %mul3A_342 = arith.mulf %mul3A_341, %add3A_339 : vector<256x128xf32>
    %mul3A_343 = arith.constant 0.707106769 : f32
    %mul3A_344 = vector.broadcast %mul3A_343 : f32 to vector<256x128xf32>
    %mul3A_345 = arith.mulf %add3A_339, %mul3A_344 : vector<256x128xf32>
    %erf3A_346 = math.erf %mul3A_345 : vector<256x128xf32>
    %add3A_347 = arith.constant 1.000000e+00 : f32
    %add3A_348 = vector.broadcast %add3A_347 : f32 to vector<256x128xf32>
    %add3A_349 = arith.addf %add3A_348, %erf3A_346 : vector<256x128xf32>
    %mul3A_350 = arith.mulf %mul3A_342, %add3A_349 : vector<256x128xf32>
    %swap3A_351 = arith.constant 0 : index
    %swap3A_352 = arith.constant 6 : index
    %swap3A_353 = arith.constant 0 : index
    %swap3A_354 = vector.load %arg15[%swap3A_351, %swap3A_352, %swap3A_353] : memref<256x10x128xf32, #tpu.memory_space<vmem>>, vector<256x1x128xf32>
    %swap3A_355 = vector.shape_cast %swap3A_354 : vector<256x1x128xf32> to vector<256x128xf32>
    %swap3A_356 = vector.shape_cast %mul3A_350 : vector<256x128xf32> to vector<256x1x128xf32>
    tpu.vector_store %arg15[%swap3A_351, %swap3A_352, %swap3A_353], %swap3A_356 {strides = array<i32>} : memref<256x10x128xf32, #tpu.memory_space<vmem>>, vector<256x1x128xf32>,
    %transpose3A_357 = tpu.transpose %mul3A_350, [1, 0] : vector<256x128xf32> -> vector<128x256xf32>
    %slice3A_358 = vector.extract_strided_slice %get3A_1 {offsets = [0, 56], sizes = [256, 8], strides = [1, 1]} : vector<256x80xf32> to vector<256x8xf32>
    %get3A_359 = arith.constant 7 : index
    %get3A_360 = arith.constant 0 : index
    %get3A_361 = arith.constant 0 : index
    %get3A_362 = vector.load %arg2[%get3A_359, %get3A_360, %get3A_361] : memref<10x8x128xf32, #tpu.memory_space<vmem>>, vector<1x8x128xf32>
    %get3A_363 = vector.shape_cast %get3A_362 : vector<1x8x128xf32> to vector<8x128xf32>
    %dot_general3A_364 = arith.constant dense<0.000000e+00> : vector<256x128xf32>
    %dot_general3A_365 = tpu.matmul %slice3A_358, %get3A_363, %dot_general3A_364 {dimension_numbers = #tpu.dot_dimension_numbers<[1], [0], [0], [1], [0, 0, 1, 1], [], []>, transpose_lhs_hint = false} : vector<256x8xf32>, vector<8x128xf32>, vector<256x128xf32> -> vector<256x128xf32>
    %get3A_366 = arith.constant 7 : index
    %get3A_367 = arith.constant 0 : index
    %get3A_368 = vector.load %arg3[%get3A_366, %get3A_367] : memref<10x128xf32, #tpu.memory_space<vmem>>, vector<1x128xf32>
    %add3A_369 = vector.broadcast %get3A_368 : vector<1x128xf32> to vector<256x128xf32>
    %add3A_370 = arith.addf %dot_general3A_365, %add3A_369 : vector<256x128xf32>
    %dot_general3A_371 = arith.constant dense<0.000000e+00> : vector<256x128xf32>
    %dot_general3A_372 = tpu.matmul %add3A_370, %broadcast_in_dim3A_2, %dot_general3A_371 {dimension_numbers = #tpu.dot_dimension_numbers<[1], [0], [0], [1], [0, 0, 1, 1], [], []>, transpose_lhs_hint = false} : vector<256x128xf32>, vector<128x128xf32>, vector<256x128xf32> -> vector<256x128xf32>
    %sub3A_373 = arith.subf %add3A_370, %dot_general3A_372 : vector<256x128xf32>
    %mul3A_374 = arith.mulf %sub3A_373, %sub3A_373 : vector<256x128xf32>
    %dot_general3A_375 = arith.constant dense<0.000000e+00> : vector<256x128xf32>
    %dot_general3A_376 = tpu.matmul %mul3A_374, %broadcast_in_dim3A_2, %dot_general3A_375 {dimension_numbers = #tpu.dot_dimension_numbers<[1], [0], [0], [1], [0, 0, 1, 1], [], []>, transpose_lhs_hint = false} : vector<256x128xf32>, vector<128x128xf32>, vector<256x128xf32> -> vector<256x128xf32>
    %add3A_377 = arith.constant 9.99999974E-6 : f32
    %add3A_378 = vector.broadcast %add3A_377 : f32 to vector<256x128xf32>
    %add3A_379 = arith.addf %dot_general3A_376, %add3A_378 : vector<256x128xf32>
    %rsqrt3A_380 = math.rsqrt %add3A_379 : vector<256x128xf32>
    %mul3A_381 = arith.mulf %sub3A_373, %rsqrt3A_380 : vector<256x128xf32>
    %get3A_382 = arith.constant 7 : index
    %get3A_383 = arith.constant 0 : index
    %get3A_384 = vector.load %arg4[%get3A_382, %get3A_383] : memref<10x128xf32, #tpu.memory_space<vmem>>, vector<1x128xf32>
    %mul3A_385 = vector.broadcast %get3A_384 : vector<1x128xf32> to vector<256x128xf32>
    %mul3A_386 = arith.mulf %mul3A_381, %mul3A_385 : vector<256x128xf32>
    %get3A_387 = arith.constant 7 : index
    %get3A_388 = arith.constant 0 : index
    %get3A_389 = vector.load %arg5[%get3A_387, %get3A_388] : memref<10x128xf32, #tpu.memory_space<vmem>>, vector<1x128xf32>
    %add3A_390 = vector.broadcast %get3A_389 : vector<1x128xf32> to vector<256x128xf32>
    %add3A_391 = arith.addf %mul3A_386, %add3A_390 : vector<256x128xf32>
    %mul3A_392 = arith.constant 5.000000e-01 : f32
    %mul3A_393 = vector.broadcast %mul3A_392 : f32 to vector<256x128xf32>
    %mul3A_394 = arith.mulf %mul3A_393, %add3A_391 : vector<256x128xf32>
    %mul3A_395 = arith.constant 0.707106769 : f32
    %mul3A_396 = vector.broadcast %mul3A_395 : f32 to vector<256x128xf32>
    %mul3A_397 = arith.mulf %add3A_391, %mul3A_396 : vector<256x128xf32>
    %erf3A_398 = math.erf %mul3A_397 : vector<256x128xf32>
    %add3A_399 = arith.constant 1.000000e+00 : f32
    %add3A_400 = vector.broadcast %add3A_399 : f32 to vector<256x128xf32>
    %add3A_401 = arith.addf %add3A_400, %erf3A_398 : vector<256x128xf32>
    %mul3A_402 = arith.mulf %mul3A_394, %add3A_401 : vector<256x128xf32>
    %swap3A_403 = arith.constant 0 : index
    %swap3A_404 = arith.constant 7 : index
    %swap3A_405 = arith.constant 0 : index
    %swap3A_406 = vector.load %arg15[%swap3A_403, %swap3A_404, %swap3A_405] : memref<256x10x128xf32, #tpu.memory_space<vmem>>, vector<256x1x128xf32>
    %swap3A_407 = vector.shape_cast %swap3A_406 : vector<256x1x128xf32> to vector<256x128xf32>
    %swap3A_408 = vector.shape_cast %mul3A_402 : vector<256x128xf32> to vector<256x1x128xf32>
    tpu.vector_store %arg15[%swap3A_403, %swap3A_404, %swap3A_405], %swap3A_408 {strides = array<i32>} : memref<256x10x128xf32, #tpu.memory_space<vmem>>, vector<256x1x128xf32>,
    %transpose3A_409 = tpu.transpose %mul3A_402, [1, 0] : vector<256x128xf32> -> vector<128x256xf32>
    %slice3A_410 = vector.extract_strided_slice %get3A_1 {offsets = [0, 64], sizes = [256, 8], strides = [1, 1]} : vector<256x80xf32> to vector<256x8xf32>
    %get3A_411 = arith.constant 8 : index
    %get3A_412 = arith.constant 0 : index
    %get3A_413 = arith.constant 0 : index
    %get3A_414 = vector.load %arg2[%get3A_411, %get3A_412, %get3A_413] : memref<10x8x128xf32, #tpu.memory_space<vmem>>, vector<1x8x128xf32>
    %get3A_415 = vector.shape_cast %get3A_414 : vector<1x8x128xf32> to vector<8x128xf32>
    %dot_general3A_416 = arith.constant dense<0.000000e+00> : vector<256x128xf32>
    %dot_general3A_417 = tpu.matmul %slice3A_410, %get3A_415, %dot_general3A_416 {dimension_numbers = #tpu.dot_dimension_numbers<[1], [0], [0], [1], [0, 0, 1, 1], [], []>, transpose_lhs_hint = false} : vector<256x8xf32>, vector<8x128xf32>, vector<256x128xf32> -> vector<256x128xf32>
    %get3A_418 = arith.constant 8 : index
    %get3A_419 = arith.constant 0 : index
    %get3A_420 = vector.load %arg3[%get3A_418, %get3A_419] : memref<10x128xf32, #tpu.memory_space<vmem>>, vector<1x128xf32>
    %add3A_421 = vector.broadcast %get3A_420 : vector<1x128xf32> to vector<256x128xf32>
    %add3A_422 = arith.addf %dot_general3A_417, %add3A_421 : vector<256x128xf32>
    %dot_general3A_423 = arith.constant dense<0.000000e+00> : vector<256x128xf32>
    %dot_general3A_424 = tpu.matmul %add3A_422, %broadcast_in_dim3A_2, %dot_general3A_423 {dimension_numbers = #tpu.dot_dimension_numbers<[1], [0], [0], [1], [0, 0, 1, 1], [], []>, transpose_lhs_hint = false} : vector<256x128xf32>, vector<128x128xf32>, vector<256x128xf32> -> vector<256x128xf32>
    %sub3A_425 = arith.subf %add3A_422, %dot_general3A_424 : vector<256x128xf32>
    %mul3A_426 = arith.mulf %sub3A_425, %sub3A_425 : vector<256x128xf32>
    %dot_general3A_427 = arith.constant dense<0.000000e+00> : vector<256x128xf32>
    %dot_general3A_428 = tpu.matmul %mul3A_426, %broadcast_in_dim3A_2, %dot_general3A_427 {dimension_numbers = #tpu.dot_dimension_numbers<[1], [0], [0], [1], [0, 0, 1, 1], [], []>, transpose_lhs_hint = false} : vector<256x128xf32>, vector<128x128xf32>, vector<256x128xf32> -> vector<256x128xf32>
    %add3A_429 = arith.constant 9.99999974E-6 : f32
    %add3A_430 = vector.broadcast %add3A_429 : f32 to vector<256x128xf32>
    %add3A_431 = arith.addf %dot_general3A_428, %add3A_430 : vector<256x128xf32>
    %rsqrt3A_432 = math.rsqrt %add3A_431 : vector<256x128xf32>
    %mul3A_433 = arith.mulf %sub3A_425, %rsqrt3A_432 : vector<256x128xf32>
    %get3A_434 = arith.constant 8 : index
    %get3A_435 = arith.constant 0 : index
    %get3A_436 = vector.load %arg4[%get3A_434, %get3A_435] : memref<10x128xf32, #tpu.memory_space<vmem>>, vector<1x128xf32>
    %mul3A_437 = vector.broadcast %get3A_436 : vector<1x128xf32> to vector<256x128xf32>
    %mul3A_438 = arith.mulf %mul3A_433, %mul3A_437 : vector<256x128xf32>
    %get3A_439 = arith.constant 8 : index
    %get3A_440 = arith.constant 0 : index
    %get3A_441 = vector.load %arg5[%get3A_439, %get3A_440] : memref<10x128xf32, #tpu.memory_space<vmem>>, vector<1x128xf32>
    %add3A_442 = vector.broadcast %get3A_441 : vector<1x128xf32> to vector<256x128xf32>
    %add3A_443 = arith.addf %mul3A_438, %add3A_442 : vector<256x128xf32>
    %mul3A_444 = arith.constant 5.000000e-01 : f32
    %mul3A_445 = vector.broadcast %mul3A_444 : f32 to vector<256x128xf32>
    %mul3A_446 = arith.mulf %mul3A_445, %add3A_443 : vector<256x128xf32>
    %mul3A_447 = arith.constant 0.707106769 : f32
    %mul3A_448 = vector.broadcast %mul3A_447 : f32 to vector<256x128xf32>
    %mul3A_449 = arith.mulf %add3A_443, %mul3A_448 : vector<256x128xf32>
    %erf3A_450 = math.erf %mul3A_449 : vector<256x128xf32>
    %add3A_451 = arith.constant 1.000000e+00 : f32
    %add3A_452 = vector.broadcast %add3A_451 : f32 to vector<256x128xf32>
    %add3A_453 = arith.addf %add3A_452, %erf3A_450 : vector<256x128xf32>
    %mul3A_454 = arith.mulf %mul3A_446, %add3A_453 : vector<256x128xf32>
    %swap3A_455 = arith.constant 0 : index
    %swap3A_456 = arith.constant 8 : index
    %swap3A_457 = arith.constant 0 : index
    %swap3A_458 = vector.load %arg15[%swap3A_455, %swap3A_456, %swap3A_457] : memref<256x10x128xf32, #tpu.memory_space<vmem>>, vector<256x1x128xf32>
    %swap3A_459 = vector.shape_cast %swap3A_458 : vector<256x1x128xf32> to vector<256x128xf32>
    %swap3A_460 = vector.shape_cast %mul3A_454 : vector<256x128xf32> to vector<256x1x128xf32>
    tpu.vector_store %arg15[%swap3A_455, %swap3A_456, %swap3A_457], %swap3A_460 {strides = array<i32>} : memref<256x10x128xf32, #tpu.memory_space<vmem>>, vector<256x1x128xf32>,
    %transpose3A_461 = tpu.transpose %mul3A_454, [1, 0] : vector<256x128xf32> -> vector<128x256xf32>
    %slice3A_462 = vector.extract_strided_slice %get3A_1 {offsets = [0, 72], sizes = [256, 8], strides = [1, 1]} : vector<256x80xf32> to vector<256x8xf32>
    %get3A_463 = arith.constant 9 : index
    %get3A_464 = arith.constant 0 : index
    %get3A_465 = arith.constant 0 : index
    %get3A_466 = vector.load %arg2[%get3A_463, %get3A_464, %get3A_465] : memref<10x8x128xf32, #tpu.memory_space<vmem>>, vector<1x8x128xf32>
    %get3A_467 = vector.shape_cast %get3A_466 : vector<1x8x128xf32> to vector<8x128xf32>
    %dot_general3A_468 = arith.constant dense<0.000000e+00> : vector<256x128xf32>
    %dot_general3A_469 = tpu.matmul %slice3A_462, %get3A_467, %dot_general3A_468 {dimension_numbers = #tpu.dot_dimension_numbers<[1], [0], [0], [1], [0, 0, 1, 1], [], []>, transpose_lhs_hint = false} : vector<256x8xf32>, vector<8x128xf32>, vector<256x128xf32> -> vector<256x128xf32>
    %get3A_470 = arith.constant 9 : index
    %get3A_471 = arith.constant 0 : index
    %get3A_472 = vector.load %arg3[%get3A_470, %get3A_471] : memref<10x128xf32, #tpu.memory_space<vmem>>, vector<1x128xf32>
    %add3A_473 = vector.broadcast %get3A_472 : vector<1x128xf32> to vector<256x128xf32>
    %add3A_474 = arith.addf %dot_general3A_469, %add3A_473 : vector<256x128xf32>
    %dot_general3A_475 = arith.constant dense<0.000000e+00> : vector<256x128xf32>
    %dot_general3A_476 = tpu.matmul %add3A_474, %broadcast_in_dim3A_2, %dot_general3A_475 {dimension_numbers = #tpu.dot_dimension_numbers<[1], [0], [0], [1], [0, 0, 1, 1], [], []>, transpose_lhs_hint = false} : vector<256x128xf32>, vector<128x128xf32>, vector<256x128xf32> -> vector<256x128xf32>
    %sub3A_477 = arith.subf %add3A_474, %dot_general3A_476 : vector<256x128xf32>
    %mul3A_478 = arith.mulf %sub3A_477, %sub3A_477 : vector<256x128xf32>
    %dot_general3A_479 = arith.constant dense<0.000000e+00> : vector<256x128xf32>
    %dot_general3A_480 = tpu.matmul %mul3A_478, %broadcast_in_dim3A_2, %dot_general3A_479 {dimension_numbers = #tpu.dot_dimension_numbers<[1], [0], [0], [1], [0, 0, 1, 1], [], []>, transpose_lhs_hint = false} : vector<256x128xf32>, vector<128x128xf32>, vector<256x128xf32> -> vector<256x128xf32>
    %add3A_481 = arith.constant 9.99999974E-6 : f32
    %add3A_482 = vector.broadcast %add3A_481 : f32 to vector<256x128xf32>
    %add3A_483 = arith.addf %dot_general3A_480, %add3A_482 : vector<256x128xf32>
    %rsqrt3A_484 = math.rsqrt %add3A_483 : vector<256x128xf32>
    %mul3A_485 = arith.mulf %sub3A_477, %rsqrt3A_484 : vector<256x128xf32>
    %get3A_486 = arith.constant 9 : index
    %get3A_487 = arith.constant 0 : index
    %get3A_488 = vector.load %arg4[%get3A_486, %get3A_487] : memref<10x128xf32, #tpu.memory_space<vmem>>, vector<1x128xf32>
    %mul3A_489 = vector.broadcast %get3A_488 : vector<1x128xf32> to vector<256x128xf32>
    %mul3A_490 = arith.mulf %mul3A_485, %mul3A_489 : vector<256x128xf32>
    %get3A_491 = arith.constant 9 : index
    %get3A_492 = arith.constant 0 : index
    %get3A_493 = vector.load %arg5[%get3A_491, %get3A_492] : memref<10x128xf32, #tpu.memory_space<vmem>>, vector<1x128xf32>
    %add3A_494 = vector.broadcast %get3A_493 : vector<1x128xf32> to vector<256x128xf32>
    %add3A_495 = arith.addf %mul3A_490, %add3A_494 : vector<256x128xf32>
    %mul3A_496 = arith.constant 5.000000e-01 : f32
    %mul3A_497 = vector.broadcast %mul3A_496 : f32 to vector<256x128xf32>
    %mul3A_498 = arith.mulf %mul3A_497, %add3A_495 : vector<256x128xf32>
    %mul3A_499 = arith.constant 0.707106769 : f32
    %mul3A_500 = vector.broadcast %mul3A_499 : f32 to vector<256x128xf32>
    %mul3A_501 = arith.mulf %add3A_495, %mul3A_500 : vector<256x128xf32>
    %erf3A_502 = math.erf %mul3A_501 : vector<256x128xf32>
    %add3A_503 = arith.constant 1.000000e+00 : f32
    %add3A_504 = vector.broadcast %add3A_503 : f32 to vector<256x128xf32>
    %add3A_505 = arith.addf %add3A_504, %erf3A_502 : vector<256x128xf32>
    %mul3A_506 = arith.mulf %mul3A_498, %add3A_505 : vector<256x128xf32>
    %swap3A_507 = arith.constant 0 : index
    %swap3A_508 = arith.constant 9 : index
    %swap3A_509 = arith.constant 0 : index
    %swap3A_510 = vector.load %arg15[%swap3A_507, %swap3A_508, %swap3A_509] : memref<256x10x128xf32, #tpu.memory_space<vmem>>, vector<256x1x128xf32>
    %swap3A_511 = vector.shape_cast %swap3A_510 : vector<256x1x128xf32> to vector<256x128xf32>
    %swap3A_512 = vector.shape_cast %mul3A_506 : vector<256x128xf32> to vector<256x1x128xf32>
    tpu.vector_store %arg15[%swap3A_507, %swap3A_508, %swap3A_509], %swap3A_512 {strides = array<i32>} : memref<256x10x128xf32, #tpu.memory_space<vmem>>, vector<256x1x128xf32>,
    %transpose3A_513 = tpu.transpose %mul3A_506, [1, 0] : vector<256x128xf32> -> vector<128x256xf32>
    %get3A_514 = arith.constant 0 : index
    %get3A_515 = arith.constant 0 : index
    %get3A_516 = vector.load %arg6[%get3A_514, %get3A_515] : memref<128x128xf32, #tpu.memory_space<vmem>>, vector<128x128xf32>
    %get3A_517 = arith.constant 0 : index
    %get3A_518 = arith.constant 0 : index
    %get3A_519 = vector.load %arg7[%get3A_517, %get3A_518] : memref<128x128xf32, #tpu.memory_space<vmem>>, vector<128x128xf32>
    %get3A_520 = arith.constant 0 : index
    %get3A_521 = arith.constant 0 : index
    %get3A_522 = vector.load %arg8[%get3A_520, %get3A_521] : memref<128x128xf32, #tpu.memory_space<vmem>>, vector<128x128xf32>
    %get3A_523 = arith.constant 0 : index
    %get3A_524 = arith.constant 0 : index
    %get3A_525 = vector.load %arg12[%get3A_523, %get3A_524] : memref<128x128xf32, #tpu.memory_space<vmem>>, vector<128x128xf32>
    %get3A_526 = arith.constant 0 : index
    %get3A_527 = arith.constant 0 : index
    %get3A_528 = vector.load %arg9[%get3A_526, %get3A_527] : memref<128x1xf32, #tpu.memory_space<vmem>>, vector<128x1xf32>
    %get3A_529 = arith.constant 0 : index
    %get3A_530 = arith.constant 0 : index
    %get3A_531 = vector.load %arg10[%get3A_529, %get3A_530] : memref<128x1xf32, #tpu.memory_space<vmem>>, vector<128x1xf32>
    %get3A_532 = arith.constant 0 : index
    %get3A_533 = arith.constant 0 : index
    %get3A_534 = vector.load %arg11[%get3A_532, %get3A_533] : memref<128x1xf32, #tpu.memory_space<vmem>>, vector<128x1xf32>
    %get3A_535 = arith.constant 0 : index
    %get3A_536 = arith.constant 0 : index
    %get3A_537 = vector.load %arg13[%get3A_535, %get3A_536] : memref<128x1xf32, #tpu.memory_space<vmem>>, vector<128x1xf32>
    %dot_general3A_538 = arith.constant dense<0.000000e+00> : vector<128x256xf32>
    %dot_general3A_539 = tpu.matmul %get3A_516, %transpose3A, %dot_general3A_538 {dimension_numbers = #tpu.dot_dimension_numbers<[1], [0], [0], [1], [0, 0, 1, 1], [], []>, transpose_lhs_hint = false} : vector<128x128xf32>, vector<128x256xf32>, vector<128x256xf32> -> vector<128x256xf32>
    %add3A_540 = vector.broadcast %get3A_528 : vector<128x1xf32> to vector<128x256xf32>
    %add3A_541 = arith.addf %dot_general3A_539, %add3A_540 : vector<128x256xf32>
    %dot_general3A_542 = arith.constant dense<0.000000e+00> : vector<128x256xf32>
    %dot_general3A_543 = tpu.matmul %get3A_516, %transpose3A_97, %dot_general3A_542 {dimension_numbers = #tpu.dot_dimension_numbers<[1], [0], [0], [1], [0, 0, 1, 1], [], []>, transpose_lhs_hint = false} : vector<128x128xf32>, vector<128x256xf32>, vector<128x256xf32> -> vector<128x256xf32>
    %add3A_544 = vector.broadcast %get3A_528 : vector<128x1xf32> to vector<128x256xf32>
    %add3A_545 = arith.addf %dot_general3A_543, %add3A_544 : vector<128x256xf32>
    %dot_general3A_546 = arith.constant dense<0.000000e+00> : vector<128x256xf32>
    %dot_general3A_547 = tpu.matmul %get3A_516, %transpose3A_149, %dot_general3A_546 {dimension_numbers = #tpu.dot_dimension_numbers<[1], [0], [0], [1], [0, 0, 1, 1], [], []>, transpose_lhs_hint = false} : vector<128x128xf32>, vector<128x256xf32>, vector<128x256xf32> -> vector<128x256xf32>
    %add3A_548 = vector.broadcast %get3A_528 : vector<128x1xf32> to vector<128x256xf32>
    %add3A_549 = arith.addf %dot_general3A_547, %add3A_548 : vector<128x256xf32>
    %dot_general3A_550 = arith.constant dense<0.000000e+00> : vector<128x256xf32>
    %dot_general3A_551 = tpu.matmul %get3A_516, %transpose3A_201, %dot_general3A_550 {dimension_numbers = #tpu.dot_dimension_numbers<[1], [0], [0], [1], [0, 0, 1, 1], [], []>, transpose_lhs_hint = false} : vector<128x128xf32>, vector<128x256xf32>, vector<128x256xf32> -> vector<128x256xf32>
    %add3A_552 = vector.broadcast %get3A_528 : vector<128x1xf32> to vector<128x256xf32>
    %add3A_553 = arith.addf %dot_general3A_551, %add3A_552 : vector<128x256xf32>
    %dot_general3A_554 = arith.constant dense<0.000000e+00> : vector<128x256xf32>
    %dot_general3A_555 = tpu.matmul %get3A_516, %transpose3A_253, %dot_general3A_554 {dimension_numbers = #tpu.dot_dimension_numbers<[1], [0], [0], [1], [0, 0, 1, 1], [], []>, transpose_lhs_hint = false} : vector<128x128xf32>, vector<128x256xf32>, vector<128x256xf32> -> vector<128x256xf32>
    %add3A_556 = vector.broadcast %get3A_528 : vector<128x1xf32> to vector<128x256xf32>
    %add3A_557 = arith.addf %dot_general3A_555, %add3A_556 : vector<128x256xf32>
    %dot_general3A_558 = arith.constant dense<0.000000e+00> : vector<128x256xf32>
    %dot_general3A_559 = tpu.matmul %get3A_516, %transpose3A_305, %dot_general3A_558 {dimension_numbers = #tpu.dot_dimension_numbers<[1], [0], [0], [1], [0, 0, 1, 1], [], []>, transpose_lhs_hint = false} : vector<128x128xf32>, vector<128x256xf32>, vector<128x256xf32> -> vector<128x256xf32>
    %add3A_560 = vector.broadcast %get3A_528 : vector<128x1xf32> to vector<128x256xf32>
    %add3A_561 = arith.addf %dot_general3A_559, %add3A_560 : vector<128x256xf32>
    %dot_general3A_562 = arith.constant dense<0.000000e+00> : vector<128x256xf32>
    %dot_general3A_563 = tpu.matmul %get3A_516, %transpose3A_357, %dot_general3A_562 {dimension_numbers = #tpu.dot_dimension_numbers<[1], [0], [0], [1], [0, 0, 1, 1], [], []>, transpose_lhs_hint = false} : vector<128x128xf32>, vector<128x256xf32>, vector<128x256xf32> -> vector<128x256xf32>
    %add3A_564 = vector.broadcast %get3A_528 : vector<128x1xf32> to vector<128x256xf32>
    %add3A_565 = arith.addf %dot_general3A_563, %add3A_564 : vector<128x256xf32>
    %dot_general3A_566 = arith.constant dense<0.000000e+00> : vector<128x256xf32>
    %dot_general3A_567 = tpu.matmul %get3A_516, %transpose3A_409, %dot_general3A_566 {dimension_numbers = #tpu.dot_dimension_numbers<[1], [0], [0], [1], [0, 0, 1, 1], [], []>, transpose_lhs_hint = false} : vector<128x128xf32>, vector<128x256xf32>, vector<128x256xf32> -> vector<128x256xf32>
    %add3A_568 = vector.broadcast %get3A_528 : vector<128x1xf32> to vector<128x256xf32>
    %add3A_569 = arith.addf %dot_general3A_567, %add3A_568 : vector<128x256xf32>
    %dot_general3A_570 = arith.constant dense<0.000000e+00> : vector<128x256xf32>
    %dot_general3A_571 = tpu.matmul %get3A_516, %transpose3A_461, %dot_general3A_570 {dimension_numbers = #tpu.dot_dimension_numbers<[1], [0], [0], [1], [0, 0, 1, 1], [], []>, transpose_lhs_hint = false} : vector<128x128xf32>, vector<128x256xf32>, vector<128x256xf32> -> vector<128x256xf32>
    %add3A_572 = vector.broadcast %get3A_528 : vector<128x1xf32> to vector<128x256xf32>
    %add3A_573 = arith.addf %dot_general3A_571, %add3A_572 : vector<128x256xf32>
    %dot_general3A_574 = arith.constant dense<0.000000e+00> : vector<128x256xf32>
    %dot_general3A_575 = tpu.matmul %get3A_516, %transpose3A_513, %dot_general3A_574 {dimension_numbers = #tpu.dot_dimension_numbers<[1], [0], [0], [1], [0, 0, 1, 1], [], []>, transpose_lhs_hint = false} : vector<128x128xf32>, vector<128x256xf32>, vector<128x256xf32> -> vector<128x256xf32>
    %add3A_576 = vector.broadcast %get3A_528 : vector<128x1xf32> to vector<128x256xf32>
    %add3A_577 = arith.addf %dot_general3A_575, %add3A_576 : vector<128x256xf32>
    %dot_general3A_578 = arith.constant dense<0.000000e+00> : vector<128x256xf32>
    %dot_general3A_579 = tpu.matmul %get3A_519, %transpose3A, %dot_general3A_578 {dimension_numbers = #tpu.dot_dimension_numbers<[1], [0], [0], [1], [0, 0, 1, 1], [], []>, transpose_lhs_hint = false} : vector<128x128xf32>, vector<128x256xf32>, vector<128x256xf32> -> vector<128x256xf32>
    %add3A_580 = vector.broadcast %get3A_531 : vector<128x1xf32> to vector<128x256xf32>
    %add3A_581 = arith.addf %dot_general3A_579, %add3A_580 : vector<128x256xf32>
    %dot_general3A_582 = arith.constant dense<0.000000e+00> : vector<128x256xf32>
    %dot_general3A_583 = tpu.matmul %get3A_519, %transpose3A_97, %dot_general3A_582 {dimension_numbers = #tpu.dot_dimension_numbers<[1], [0], [0], [1], [0, 0, 1, 1], [], []>, transpose_lhs_hint = false} : vector<128x128xf32>, vector<128x256xf32>, vector<128x256xf32> -> vector<128x256xf32>
    %add3A_584 = vector.broadcast %get3A_531 : vector<128x1xf32> to vector<128x256xf32>
    %add3A_585 = arith.addf %dot_general3A_583, %add3A_584 : vector<128x256xf32>
    %dot_general3A_586 = arith.constant dense<0.000000e+00> : vector<128x256xf32>
    %dot_general3A_587 = tpu.matmul %get3A_519, %transpose3A_149, %dot_general3A_586 {dimension_numbers = #tpu.dot_dimension_numbers<[1], [0], [0], [1], [0, 0, 1, 1], [], []>, transpose_lhs_hint = false} : vector<128x128xf32>, vector<128x256xf32>, vector<128x256xf32> -> vector<128x256xf32>
    %add3A_588 = vector.broadcast %get3A_531 : vector<128x1xf32> to vector<128x256xf32>
    %add3A_589 = arith.addf %dot_general3A_587, %add3A_588 : vector<128x256xf32>
    %dot_general3A_590 = arith.constant dense<0.000000e+00> : vector<128x256xf32>
    %dot_general3A_591 = tpu.matmul %get3A_519, %transpose3A_201, %dot_general3A_590 {dimension_numbers = #tpu.dot_dimension_numbers<[1], [0], [0], [1], [0, 0, 1, 1], [], []>, transpose_lhs_hint = false} : vector<128x128xf32>, vector<128x256xf32>, vector<128x256xf32> -> vector<128x256xf32>
    %add3A_592 = vector.broadcast %get3A_531 : vector<128x1xf32> to vector<128x256xf32>
    %add3A_593 = arith.addf %dot_general3A_591, %add3A_592 : vector<128x256xf32>
    %dot_general3A_594 = arith.constant dense<0.000000e+00> : vector<128x256xf32>
    %dot_general3A_595 = tpu.matmul %get3A_519, %transpose3A_253, %dot_general3A_594 {dimension_numbers = #tpu.dot_dimension_numbers<[1], [0], [0], [1], [0, 0, 1, 1], [], []>, transpose_lhs_hint = false} : vector<128x128xf32>, vector<128x256xf32>, vector<128x256xf32> -> vector<128x256xf32>
    %add3A_596 = vector.broadcast %get3A_531 : vector<128x1xf32> to vector<128x256xf32>
    %add3A_597 = arith.addf %dot_general3A_595, %add3A_596 : vector<128x256xf32>
    %dot_general3A_598 = arith.constant dense<0.000000e+00> : vector<128x256xf32>
    %dot_general3A_599 = tpu.matmul %get3A_519, %transpose3A_305, %dot_general3A_598 {dimension_numbers = #tpu.dot_dimension_numbers<[1], [0], [0], [1], [0, 0, 1, 1], [], []>, transpose_lhs_hint = false} : vector<128x128xf32>, vector<128x256xf32>, vector<128x256xf32> -> vector<128x256xf32>
    %add3A_600 = vector.broadcast %get3A_531 : vector<128x1xf32> to vector<128x256xf32>
    %add3A_601 = arith.addf %dot_general3A_599, %add3A_600 : vector<128x256xf32>
    %dot_general3A_602 = arith.constant dense<0.000000e+00> : vector<128x256xf32>
    %dot_general3A_603 = tpu.matmul %get3A_519, %transpose3A_357, %dot_general3A_602 {dimension_numbers = #tpu.dot_dimension_numbers<[1], [0], [0], [1], [0, 0, 1, 1], [], []>, transpose_lhs_hint = false} : vector<128x128xf32>, vector<128x256xf32>, vector<128x256xf32> -> vector<128x256xf32>
    %add3A_604 = vector.broadcast %get3A_531 : vector<128x1xf32> to vector<128x256xf32>
    %add3A_605 = arith.addf %dot_general3A_603, %add3A_604 : vector<128x256xf32>
    %dot_general3A_606 = arith.constant dense<0.000000e+00> : vector<128x256xf32>
    %dot_general3A_607 = tpu.matmul %get3A_519, %transpose3A_409, %dot_general3A_606 {dimension_numbers = #tpu.dot_dimension_numbers<[1], [0], [0], [1], [0, 0, 1, 1], [], []>, transpose_lhs_hint = false} : vector<128x128xf32>, vector<128x256xf32>, vector<128x256xf32> -> vector<128x256xf32>
    %add3A_608 = vector.broadcast %get3A_531 : vector<128x1xf32> to vector<128x256xf32>
    %add3A_609 = arith.addf %dot_general3A_607, %add3A_608 : vector<128x256xf32>
    %dot_general3A_610 = arith.constant dense<0.000000e+00> : vector<128x256xf32>
    %dot_general3A_611 = tpu.matmul %get3A_519, %transpose3A_461, %dot_general3A_610 {dimension_numbers = #tpu.dot_dimension_numbers<[1], [0], [0], [1], [0, 0, 1, 1], [], []>, transpose_lhs_hint = false} : vector<128x128xf32>, vector<128x256xf32>, vector<128x256xf32> -> vector<128x256xf32>
    %add3A_612 = vector.broadcast %get3A_531 : vector<128x1xf32> to vector<128x256xf32>
    %add3A_613 = arith.addf %dot_general3A_611, %add3A_612 : vector<128x256xf32>
    %dot_general3A_614 = arith.constant dense<0.000000e+00> : vector<128x256xf32>
    %dot_general3A_615 = tpu.matmul %get3A_519, %transpose3A_513, %dot_general3A_614 {dimension_numbers = #tpu.dot_dimension_numbers<[1], [0], [0], [1], [0, 0, 1, 1], [], []>, transpose_lhs_hint = false} : vector<128x128xf32>, vector<128x256xf32>, vector<128x256xf32> -> vector<128x256xf32>
    %add3A_616 = vector.broadcast %get3A_531 : vector<128x1xf32> to vector<128x256xf32>
    %add3A_617 = arith.addf %dot_general3A_615, %add3A_616 : vector<128x256xf32>
    %dot_general3A_618 = arith.constant dense<0.000000e+00> : vector<128x256xf32>
    %dot_general3A_619 = tpu.matmul %get3A_522, %transpose3A, %dot_general3A_618 {dimension_numbers = #tpu.dot_dimension_numbers<[1], [0], [0], [1], [0, 0, 1, 1], [], []>, transpose_lhs_hint = false} : vector<128x128xf32>, vector<128x256xf32>, vector<128x256xf32> -> vector<128x256xf32>
    %add3A_620 = vector.broadcast %get3A_534 : vector<128x1xf32> to vector<128x256xf32>
    %add3A_621 = arith.addf %dot_general3A_619, %add3A_620 : vector<128x256xf32>
    %dot_general3A_622 = arith.constant dense<0.000000e+00> : vector<128x256xf32>
    %dot_general3A_623 = tpu.matmul %get3A_522, %transpose3A_97, %dot_general3A_622 {dimension_numbers = #tpu.dot_dimension_numbers<[1], [0], [0], [1], [0, 0, 1, 1], [], []>, transpose_lhs_hint = false} : vector<128x128xf32>, vector<128x256xf32>, vector<128x256xf32> -> vector<128x256xf32>
    %add3A_624 = vector.broadcast %get3A_534 : vector<128x1xf32> to vector<128x256xf32>
    %add3A_625 = arith.addf %dot_general3A_623, %add3A_624 : vector<128x256xf32>
    %dot_general3A_626 = arith.constant dense<0.000000e+00> : vector<128x256xf32>
    %dot_general3A_627 = tpu.matmul %get3A_522, %transpose3A_149, %dot_general3A_626 {dimension_numbers = #tpu.dot_dimension_numbers<[1], [0], [0], [1], [0, 0, 1, 1], [], []>, transpose_lhs_hint = false} : vector<128x128xf32>, vector<128x256xf32>, vector<128x256xf32> -> vector<128x256xf32>
    %add3A_628 = vector.broadcast %get3A_534 : vector<128x1xf32> to vector<128x256xf32>
    %add3A_629 = arith.addf %dot_general3A_627, %add3A_628 : vector<128x256xf32>
    %dot_general3A_630 = arith.constant dense<0.000000e+00> : vector<128x256xf32>
    %dot_general3A_631 = tpu.matmul %get3A_522, %transpose3A_201, %dot_general3A_630 {dimension_numbers = #tpu.dot_dimension_numbers<[1], [0], [0], [1], [0, 0, 1, 1], [], []>, transpose_lhs_hint = false} : vector<128x128xf32>, vector<128x256xf32>, vector<128x256xf32> -> vector<128x256xf32>
    %add3A_632 = vector.broadcast %get3A_534 : vector<128x1xf32> to vector<128x256xf32>
    %add3A_633 = arith.addf %dot_general3A_631, %add3A_632 : vector<128x256xf32>
    %dot_general3A_634 = arith.constant dense<0.000000e+00> : vector<128x256xf32>
    %dot_general3A_635 = tpu.matmul %get3A_522, %transpose3A_253, %dot_general3A_634 {dimension_numbers = #tpu.dot_dimension_numbers<[1], [0], [0], [1], [0, 0, 1, 1], [], []>, transpose_lhs_hint = false} : vector<128x128xf32>, vector<128x256xf32>, vector<128x256xf32> -> vector<128x256xf32>
    %add3A_636 = vector.broadcast %get3A_534 : vector<128x1xf32> to vector<128x256xf32>
    %add3A_637 = arith.addf %dot_general3A_635, %add3A_636 : vector<128x256xf32>
    %dot_general3A_638 = arith.constant dense<0.000000e+00> : vector<128x256xf32>
    %dot_general3A_639 = tpu.matmul %get3A_522, %transpose3A_305, %dot_general3A_638 {dimension_numbers = #tpu.dot_dimension_numbers<[1], [0], [0], [1], [0, 0, 1, 1], [], []>, transpose_lhs_hint = false} : vector<128x128xf32>, vector<128x256xf32>, vector<128x256xf32> -> vector<128x256xf32>
    %add3A_640 = vector.broadcast %get3A_534 : vector<128x1xf32> to vector<128x256xf32>
    %add3A_641 = arith.addf %dot_general3A_639, %add3A_640 : vector<128x256xf32>
    %dot_general3A_642 = arith.constant dense<0.000000e+00> : vector<128x256xf32>
    %dot_general3A_643 = tpu.matmul %get3A_522, %transpose3A_357, %dot_general3A_642 {dimension_numbers = #tpu.dot_dimension_numbers<[1], [0], [0], [1], [0, 0, 1, 1], [], []>, transpose_lhs_hint = false} : vector<128x128xf32>, vector<128x256xf32>, vector<128x256xf32> -> vector<128x256xf32>
    %add3A_644 = vector.broadcast %get3A_534 : vector<128x1xf32> to vector<128x256xf32>
    %add3A_645 = arith.addf %dot_general3A_643, %add3A_644 : vector<128x256xf32>
    %dot_general3A_646 = arith.constant dense<0.000000e+00> : vector<128x256xf32>
    %dot_general3A_647 = tpu.matmul %get3A_522, %transpose3A_409, %dot_general3A_646 {dimension_numbers = #tpu.dot_dimension_numbers<[1], [0], [0], [1], [0, 0, 1, 1], [], []>, transpose_lhs_hint = false} : vector<128x128xf32>, vector<128x256xf32>, vector<128x256xf32> -> vector<128x256xf32>
    %add3A_648 = vector.broadcast %get3A_534 : vector<128x1xf32> to vector<128x256xf32>
    %add3A_649 = arith.addf %dot_general3A_647, %add3A_648 : vector<128x256xf32>
    %dot_general3A_650 = arith.constant dense<0.000000e+00> : vector<128x256xf32>
    %dot_general3A_651 = tpu.matmul %get3A_522, %transpose3A_461, %dot_general3A_650 {dimension_numbers = #tpu.dot_dimension_numbers<[1], [0], [0], [1], [0, 0, 1, 1], [], []>, transpose_lhs_hint = false} : vector<128x128xf32>, vector<128x256xf32>, vector<128x256xf32> -> vector<128x256xf32>
    %add3A_652 = vector.broadcast %get3A_534 : vector<128x1xf32> to vector<128x256xf32>
    %add3A_653 = arith.addf %dot_general3A_651, %add3A_652 : vector<128x256xf32>
    %dot_general3A_654 = arith.constant dense<0.000000e+00> : vector<128x256xf32>
    %dot_general3A_655 = tpu.matmul %get3A_522, %transpose3A_513, %dot_general3A_654 {dimension_numbers = #tpu.dot_dimension_numbers<[1], [0], [0], [1], [0, 0, 1, 1], [], []>, transpose_lhs_hint = false} : vector<128x128xf32>, vector<128x256xf32>, vector<128x256xf32> -> vector<128x256xf32>
    %add3A_656 = vector.broadcast %get3A_534 : vector<128x1xf32> to vector<128x256xf32>
    %add3A_657 = arith.addf %dot_general3A_655, %add3A_656 : vector<128x256xf32>
    %mul3A_658 = arith.mulf %add3A_541, %add3A_581 : vector<128x256xf32>
    %reshape3A = vector.shape_cast %mul3A_658 : vector<128x256xf32> to vector<4x32x256xf32>
    %reduce_sum3A = arith.constant dense<0.000000e+00> : vector<4x256xf32>
    %reduce_sum3A_659 = vector.multi_reduction <add>, %reshape3A, %reduce_sum3A [1] : vector<4x32x256xf32> to vector<4x256xf32>
    %mul3A_660 = arith.mulf %add3A_541, %add3A_585 : vector<128x256xf32>
    %reshape3A_661 = vector.shape_cast %mul3A_660 : vector<128x256xf32> to vector<4x32x256xf32>
    %reduce_sum3A_662 = arith.constant dense<0.000000e+00> : vector<4x256xf32>
    %reduce_sum3A_663 = vector.multi_reduction <add>, %reshape3A_661, %reduce_sum3A_662 [1] : vector<4x32x256xf32> to vector<4x256xf32>
    %mul3A_664 = arith.mulf %add3A_541, %add3A_589 : vector<128x256xf32>
    %reshape3A_665 = vector.shape_cast %mul3A_664 : vector<128x256xf32> to vector<4x32x256xf32>
    %reduce_sum3A_666 = arith.constant dense<0.000000e+00> : vector<4x256xf32>
    %reduce_sum3A_667 = vector.multi_reduction <add>, %reshape3A_665, %reduce_sum3A_666 [1] : vector<4x32x256xf32> to vector<4x256xf32>
    %mul3A_668 = arith.mulf %add3A_541, %add3A_593 : vector<128x256xf32>
    %reshape3A_669 = vector.shape_cast %mul3A_668 : vector<128x256xf32> to vector<4x32x256xf32>
    %reduce_sum3A_670 = arith.constant dense<0.000000e+00> : vector<4x256xf32>
    %reduce_sum3A_671 = vector.multi_reduction <add>, %reshape3A_669, %reduce_sum3A_670 [1] : vector<4x32x256xf32> to vector<4x256xf32>
    %mul3A_672 = arith.mulf %add3A_541, %add3A_597 : vector<128x256xf32>
    %reshape3A_673 = vector.shape_cast %mul3A_672 : vector<128x256xf32> to vector<4x32x256xf32>
    %reduce_sum3A_674 = arith.constant dense<0.000000e+00> : vector<4x256xf32>
    %reduce_sum3A_675 = vector.multi_reduction <add>, %reshape3A_673, %reduce_sum3A_674 [1] : vector<4x32x256xf32> to vector<4x256xf32>
    %mul3A_676 = arith.mulf %add3A_541, %add3A_601 : vector<128x256xf32>
    %reshape3A_677 = vector.shape_cast %mul3A_676 : vector<128x256xf32> to vector<4x32x256xf32>
    %reduce_sum3A_678 = arith.constant dense<0.000000e+00> : vector<4x256xf32>
    %reduce_sum3A_679 = vector.multi_reduction <add>, %reshape3A_677, %reduce_sum3A_678 [1] : vector<4x32x256xf32> to vector<4x256xf32>
    %mul3A_680 = arith.mulf %add3A_541, %add3A_605 : vector<128x256xf32>
    %reshape3A_681 = vector.shape_cast %mul3A_680 : vector<128x256xf32> to vector<4x32x256xf32>
    %reduce_sum3A_682 = arith.constant dense<0.000000e+00> : vector<4x256xf32>
    %reduce_sum3A_683 = vector.multi_reduction <add>, %reshape3A_681, %reduce_sum3A_682 [1] : vector<4x32x256xf32> to vector<4x256xf32>
    %mul3A_684 = arith.mulf %add3A_541, %add3A_609 : vector<128x256xf32>
    %reshape3A_685 = vector.shape_cast %mul3A_684 : vector<128x256xf32> to vector<4x32x256xf32>
    %reduce_sum3A_686 = arith.constant dense<0.000000e+00> : vector<4x256xf32>
    %reduce_sum3A_687 = vector.multi_reduction <add>, %reshape3A_685, %reduce_sum3A_686 [1] : vector<4x32x256xf32> to vector<4x256xf32>
    %mul3A_688 = arith.mulf %add3A_541, %add3A_613 : vector<128x256xf32>
    %reshape3A_689 = vector.shape_cast %mul3A_688 : vector<128x256xf32> to vector<4x32x256xf32>
    %reduce_sum3A_690 = arith.constant dense<0.000000e+00> : vector<4x256xf32>
    %reduce_sum3A_691 = vector.multi_reduction <add>, %reshape3A_689, %reduce_sum3A_690 [1] : vector<4x32x256xf32> to vector<4x256xf32>
    %mul3A_692 = arith.mulf %add3A_541, %add3A_617 : vector<128x256xf32>
    %reshape3A_693 = vector.shape_cast %mul3A_692 : vector<128x256xf32> to vector<4x32x256xf32>
    %reduce_sum3A_694 = arith.constant dense<0.000000e+00> : vector<4x256xf32>
    %reduce_sum3A_695 = vector.multi_reduction <add>, %reshape3A_693, %reduce_sum3A_694 [1] : vector<4x32x256xf32> to vector<4x256xf32>
    %stack3A = vector.shape_cast %reduce_sum3A_659 : vector<4x256xf32> to vector<4x1x256xf32>
    %stack3A_696 = vector.shape_cast %reduce_sum3A_663 : vector<4x256xf32> to vector<4x1x256xf32>
    %stack3A_697 = vector.shape_cast %reduce_sum3A_667 : vector<4x256xf32> to vector<4x1x256xf32>
    %stack3A_698 = vector.shape_cast %reduce_sum3A_671 : vector<4x256xf32> to vector<4x1x256xf32>
    %stack3A_699 = vector.shape_cast %reduce_sum3A_675 : vector<4x256xf32> to vector<4x1x256xf32>
    %stack3A_700 = vector.shape_cast %reduce_sum3A_679 : vector<4x256xf32> to vector<4x1x256xf32>
    %stack3A_701 = vector.shape_cast %reduce_sum3A_683 : vector<4x256xf32> to vector<4x1x256xf32>
    %stack3A_702 = vector.shape_cast %reduce_sum3A_687 : vector<4x256xf32> to vector<4x1x256xf32>
    %stack3A_703 = vector.shape_cast %reduce_sum3A_691 : vector<4x256xf32> to vector<4x1x256xf32>
    %stack3A_704 = vector.shape_cast %reduce_sum3A_695 : vector<4x256xf32> to vector<4x1x256xf32>
    %stack3A_705 = tpu.concatenate %stack3A, %stack3A_696, %stack3A_697, %stack3A_698, %stack3A_699, %stack3A_700, %stack3A_701, %stack3A_702, %stack3A_703, %stack3A_704 in 1 : vector<4x1x256xf32>, vector<4x1x256xf32>, vector<4x1x256xf32>, vector<4x1x256xf32>, vector<4x1x256xf32>, vector<4x1x256xf32>, vector<4x1x256xf32>, vector<4x1x256xf32>, vector<4x1x256xf32>, vector<4x1x256xf32> -> vector<4x10x256xf32>
    %mul3A_706 = arith.constant 0.176776692 : f32
    %mul3A_707 = vector.broadcast %mul3A_706 : f32 to vector<4x10x256xf32>
    %mul3A_708 = arith.mulf %stack3A_705, %mul3A_707 : vector<4x10x256xf32>
    %reduce_max3A = arith.constant dense<0xFF800000> : vector<4x256xf32>
    %reduce_max3A_709 = vector.multi_reduction <maximumf>, %mul3A_708, %reduce_max3A [1] : vector<4x10x256xf32> to vector<4x256xf32>
    %broadcast_in_dim3A_710 = vector.shape_cast %reduce_max3A_709 : vector<4x256xf32> to vector<4x1x256xf32>
    %sub3A_711 = vector.broadcast %broadcast_in_dim3A_710 : vector<4x1x256xf32> to vector<4x10x256xf32>
    %sub3A_712 = arith.subf %mul3A_708, %sub3A_711 : vector<4x10x256xf32>
    %exp3A = math.exp %sub3A_712 : vector<4x10x256xf32>
    %reduce_sum3A_713 = arith.constant dense<0.000000e+00> : vector<4x256xf32>
    %reduce_sum3A_714 = vector.multi_reduction <add>, %exp3A, %reduce_sum3A_713 [1] : vector<4x10x256xf32> to vector<4x256xf32>
    %broadcast_in_dim3A_715 = vector.shape_cast %reduce_sum3A_714 : vector<4x256xf32> to vector<4x1x256xf32>
    %div3A = vector.broadcast %broadcast_in_dim3A_715 : vector<4x1x256xf32> to vector<4x10x256xf32>
    %div3A_716 = arith.divf %exp3A, %div3A : vector<4x10x256xf32>
    %slice3A_717 = vector.extract_strided_slice %div3A_716 {offsets = [0, 0, 0], sizes = [4, 1, 256], strides = [1, 1, 1]} : vector<4x10x256xf32> to vector<4x1x256xf32>
    %broadcast_in_dim3A_718 = vector.shape_cast %slice3A_717 : vector<4x1x256xf32> to vector<4x1x256xf32>
    %broadcast_in_dim3A_719 = vector.broadcast %broadcast_in_dim3A_718 : vector<4x1x256xf32> to vector<4x32x256xf32>
    %reshape3A_720 = vector.shape_cast %broadcast_in_dim3A_719 : vector<4x32x256xf32> to vector<128x256xf32>
    %mul3A_721 = arith.mulf %reshape3A_720, %add3A_621 : vector<128x256xf32>
    %slice3A_722 = vector.extract_strided_slice %div3A_716 {offsets = [0, 1, 0], sizes = [4, 1, 256], strides = [1, 1, 1]} : vector<4x10x256xf32> to vector<4x1x256xf32>
    %broadcast_in_dim3A_723 = vector.shape_cast %slice3A_722 : vector<4x1x256xf32> to vector<4x1x256xf32>
    %broadcast_in_dim3A_724 = vector.broadcast %broadcast_in_dim3A_723 : vector<4x1x256xf32> to vector<4x32x256xf32>
    %reshape3A_725 = vector.shape_cast %broadcast_in_dim3A_724 : vector<4x32x256xf32> to vector<128x256xf32>
    %mul3A_726 = arith.mulf %reshape3A_725, %add3A_625 : vector<128x256xf32>
    %add3A_727 = arith.addf %mul3A_721, %mul3A_726 : vector<128x256xf32>
    %slice3A_728 = vector.extract_strided_slice %div3A_716 {offsets = [0, 2, 0], sizes = [4, 1, 256], strides = [1, 1, 1]} : vector<4x10x256xf32> to vector<4x1x256xf32>
    %broadcast_in_dim3A_729 = vector.shape_cast %slice3A_728 : vector<4x1x256xf32> to vector<4x1x256xf32>
    %broadcast_in_dim3A_730 = vector.broadcast %broadcast_in_dim3A_729 : vector<4x1x256xf32> to vector<4x32x256xf32>
    %reshape3A_731 = vector.shape_cast %broadcast_in_dim3A_730 : vector<4x32x256xf32> to vector<128x256xf32>
    %mul3A_732 = arith.mulf %reshape3A_731, %add3A_629 : vector<128x256xf32>
    %add3A_733 = arith.addf %add3A_727, %mul3A_732 : vector<128x256xf32>
    %slice3A_734 = vector.extract_strided_slice %div3A_716 {offsets = [0, 3, 0], sizes = [4, 1, 256], strides = [1, 1, 1]} : vector<4x10x256xf32> to vector<4x1x256xf32>
    %broadcast_in_dim3A_735 = vector.shape_cast %slice3A_734 : vector<4x1x256xf32> to vector<4x1x256xf32>
    %broadcast_in_dim3A_736 = vector.broadcast %broadcast_in_dim3A_735 : vector<4x1x256xf32> to vector<4x32x256xf32>
    %reshape3A_737 = vector.shape_cast %broadcast_in_dim3A_736 : vector<4x32x256xf32> to vector<128x256xf32>
    %mul3A_738 = arith.mulf %reshape3A_737, %add3A_633 : vector<128x256xf32>
    %add3A_739 = arith.addf %add3A_733, %mul3A_738 : vector<128x256xf32>
    %slice3A_740 = vector.extract_strided_slice %div3A_716 {offsets = [0, 4, 0], sizes = [4, 1, 256], strides = [1, 1, 1]} : vector<4x10x256xf32> to vector<4x1x256xf32>
    %broadcast_in_dim3A_741 = vector.shape_cast %slice3A_740 : vector<4x1x256xf32> to vector<4x1x256xf32>
    %broadcast_in_dim3A_742 = vector.broadcast %broadcast_in_dim3A_741 : vector<4x1x256xf32> to vector<4x32x256xf32>
    %reshape3A_743 = vector.shape_cast %broadcast_in_dim3A_742 : vector<4x32x256xf32> to vector<128x256xf32>
    %mul3A_744 = arith.mulf %reshape3A_743, %add3A_637 : vector<128x256xf32>
    %add3A_745 = arith.addf %add3A_739, %mul3A_744 : vector<128x256xf32>
    %slice3A_746 = vector.extract_strided_slice %div3A_716 {offsets = [0, 5, 0], sizes = [4, 1, 256], strides = [1, 1, 1]} : vector<4x10x256xf32> to vector<4x1x256xf32>
    %broadcast_in_dim3A_747 = vector.shape_cast %slice3A_746 : vector<4x1x256xf32> to vector<4x1x256xf32>
    %broadcast_in_dim3A_748 = vector.broadcast %broadcast_in_dim3A_747 : vector<4x1x256xf32> to vector<4x32x256xf32>
    %reshape3A_749 = vector.shape_cast %broadcast_in_dim3A_748 : vector<4x32x256xf32> to vector<128x256xf32>
    %mul3A_750 = arith.mulf %reshape3A_749, %add3A_641 : vector<128x256xf32>
    %add3A_751 = arith.addf %add3A_745, %mul3A_750 : vector<128x256xf32>
    %slice3A_752 = vector.extract_strided_slice %div3A_716 {offsets = [0, 6, 0], sizes = [4, 1, 256], strides = [1, 1, 1]} : vector<4x10x256xf32> to vector<4x1x256xf32>
    %broadcast_in_dim3A_753 = vector.shape_cast %slice3A_752 : vector<4x1x256xf32> to vector<4x1x256xf32>
    %broadcast_in_dim3A_754 = vector.broadcast %broadcast_in_dim3A_753 : vector<4x1x256xf32> to vector<4x32x256xf32>
    %reshape3A_755 = vector.shape_cast %broadcast_in_dim3A_754 : vector<4x32x256xf32> to vector<128x256xf32>
    %mul3A_756 = arith.mulf %reshape3A_755, %add3A_645 : vector<128x256xf32>
    %add3A_757 = arith.addf %add3A_751, %mul3A_756 : vector<128x256xf32>
    %slice3A_758 = vector.extract_strided_slice %div3A_716 {offsets = [0, 7, 0], sizes = [4, 1, 256], strides = [1, 1, 1]} : vector<4x10x256xf32> to vector<4x1x256xf32>
    %broadcast_in_dim3A_759 = vector.shape_cast %slice3A_758 : vector<4x1x256xf32> to vector<4x1x256xf32>
    %broadcast_in_dim3A_760 = vector.broadcast %broadcast_in_dim3A_759 : vector<4x1x256xf32> to vector<4x32x256xf32>
    %reshape3A_761 = vector.shape_cast %broadcast_in_dim3A_760 : vector<4x32x256xf32> to vector<128x256xf32>
    %mul3A_762 = arith.mulf %reshape3A_761, %add3A_649 : vector<128x256xf32>
    %add3A_763 = arith.addf %add3A_757, %mul3A_762 : vector<128x256xf32>
    %slice3A_764 = vector.extract_strided_slice %div3A_716 {offsets = [0, 8, 0], sizes = [4, 1, 256], strides = [1, 1, 1]} : vector<4x10x256xf32> to vector<4x1x256xf32>
    %broadcast_in_dim3A_765 = vector.shape_cast %slice3A_764 : vector<4x1x256xf32> to vector<4x1x256xf32>
    %broadcast_in_dim3A_766 = vector.broadcast %broadcast_in_dim3A_765 : vector<4x1x256xf32> to vector<4x32x256xf32>
    %reshape3A_767 = vector.shape_cast %broadcast_in_dim3A_766 : vector<4x32x256xf32> to vector<128x256xf32>
    %mul3A_768 = arith.mulf %reshape3A_767, %add3A_653 : vector<128x256xf32>
    %add3A_769 = arith.addf %add3A_763, %mul3A_768 : vector<128x256xf32>
    %slice3A_770 = vector.extract_strided_slice %div3A_716 {offsets = [0, 9, 0], sizes = [4, 1, 256], strides = [1, 1, 1]} : vector<4x10x256xf32> to vector<4x1x256xf32>
    %broadcast_in_dim3A_771 = vector.shape_cast %slice3A_770 : vector<4x1x256xf32> to vector<4x1x256xf32>
    %broadcast_in_dim3A_772 = vector.broadcast %broadcast_in_dim3A_771 : vector<4x1x256xf32> to vector<4x32x256xf32>
    %reshape3A_773 = vector.shape_cast %broadcast_in_dim3A_772 : vector<4x32x256xf32> to vector<128x256xf32>
    %mul3A_774 = arith.mulf %reshape3A_773, %add3A_657 : vector<128x256xf32>
    %add3A_775 = arith.addf %add3A_769, %mul3A_774 : vector<128x256xf32>
    %dot_general3A_776 = arith.constant dense<0.000000e+00> : vector<128x256xf32>
    %dot_general3A_777 = tpu.matmul %get3A_525, %add3A_775, %dot_general3A_776 {dimension_numbers = #tpu.dot_dimension_numbers<[1], [0], [0], [1], [0, 0, 1, 1], [], []>, transpose_lhs_hint = false} : vector<128x128xf32>, vector<128x256xf32>, vector<128x256xf32> -> vector<128x256xf32>
    %add3A_778 = vector.broadcast %get3A_537 : vector<128x1xf32> to vector<128x256xf32>
    %add3A_779 = arith.addf %dot_general3A_777, %add3A_778 : vector<128x256xf32>
    %add3A_780 = arith.addf %add3A_779, %transpose3A : vector<128x256xf32>
    %transpose3A_781 = tpu.transpose %add3A_780, [1, 0] : vector<128x256xf32> -> vector<256x128xf32>
    %swap3A_782 = arith.constant 0 : index
    %swap3A_783 = arith.constant 0 : index
    %swap3A_784 = vector.load %arg14[%swap3A_782, %swap3A_783] : memref<256x1280xf32, #tpu.memory_space<vmem>>, vector<256x128xf32>
    tpu.vector_store %arg14[%swap3A_782, %swap3A_783], %transpose3A_781 {strides = array<i32>} : memref<256x1280xf32, #tpu.memory_space<vmem>>, vector<256x128xf32>,
    %mul3A_785 = arith.mulf %add3A_545, %add3A_581 : vector<128x256xf32>
    %reshape3A_786 = vector.shape_cast %mul3A_785 : vector<128x256xf32> to vector<4x32x256xf32>
    %reduce_sum3A_787 = arith.constant dense<0.000000e+00> : vector<4x256xf32>
    %reduce_sum3A_788 = vector.multi_reduction <add>, %reshape3A_786, %reduce_sum3A_787 [1] : vector<4x32x256xf32> to vector<4x256xf32>
    %mul3A_789 = arith.mulf %add3A_545, %add3A_585 : vector<128x256xf32>
    %reshape3A_790 = vector.shape_cast %mul3A_789 : vector<128x256xf32> to vector<4x32x256xf32>
    %reduce_sum3A_791 = arith.constant dense<0.000000e+00> : vector<4x256xf32>
    %reduce_sum3A_792 = vector.multi_reduction <add>, %reshape3A_790, %reduce_sum3A_791 [1] : vector<4x32x256xf32> to vector<4x256xf32>
    %mul3A_793 = arith.mulf %add3A_545, %add3A_589 : vector<128x256xf32>
    %reshape3A_794 = vector.shape_cast %mul3A_793 : vector<128x256xf32> to vector<4x32x256xf32>
    %reduce_sum3A_795 = arith.constant dense<0.000000e+00> : vector<4x256xf32>
    %reduce_sum3A_796 = vector.multi_reduction <add>, %reshape3A_794, %reduce_sum3A_795 [1] : vector<4x32x256xf32> to vector<4x256xf32>
    %mul3A_797 = arith.mulf %add3A_545, %add3A_593 : vector<128x256xf32>
    %reshape3A_798 = vector.shape_cast %mul3A_797 : vector<128x256xf32> to vector<4x32x256xf32>
    %reduce_sum3A_799 = arith.constant dense<0.000000e+00> : vector<4x256xf32>
    %reduce_sum3A_800 = vector.multi_reduction <add>, %reshape3A_798, %reduce_sum3A_799 [1] : vector<4x32x256xf32> to vector<4x256xf32>
    %mul3A_801 = arith.mulf %add3A_545, %add3A_597 : vector<128x256xf32>
    %reshape3A_802 = vector.shape_cast %mul3A_801 : vector<128x256xf32> to vector<4x32x256xf32>
    %reduce_sum3A_803 = arith.constant dense<0.000000e+00> : vector<4x256xf32>
    %reduce_sum3A_804 = vector.multi_reduction <add>, %reshape3A_802, %reduce_sum3A_803 [1] : vector<4x32x256xf32> to vector<4x256xf32>
    %mul3A_805 = arith.mulf %add3A_545, %add3A_601 : vector<128x256xf32>
    %reshape3A_806 = vector.shape_cast %mul3A_805 : vector<128x256xf32> to vector<4x32x256xf32>
    %reduce_sum3A_807 = arith.constant dense<0.000000e+00> : vector<4x256xf32>
    %reduce_sum3A_808 = vector.multi_reduction <add>, %reshape3A_806, %reduce_sum3A_807 [1] : vector<4x32x256xf32> to vector<4x256xf32>
    %mul3A_809 = arith.mulf %add3A_545, %add3A_605 : vector<128x256xf32>
    %reshape3A_810 = vector.shape_cast %mul3A_809 : vector<128x256xf32> to vector<4x32x256xf32>
    %reduce_sum3A_811 = arith.constant dense<0.000000e+00> : vector<4x256xf32>
    %reduce_sum3A_812 = vector.multi_reduction <add>, %reshape3A_810, %reduce_sum3A_811 [1] : vector<4x32x256xf32> to vector<4x256xf32>
    %mul3A_813 = arith.mulf %add3A_545, %add3A_609 : vector<128x256xf32>
    %reshape3A_814 = vector.shape_cast %mul3A_813 : vector<128x256xf32> to vector<4x32x256xf32>
    %reduce_sum3A_815 = arith.constant dense<0.000000e+00> : vector<4x256xf32>
    %reduce_sum3A_816 = vector.multi_reduction <add>, %reshape3A_814, %reduce_sum3A_815 [1] : vector<4x32x256xf32> to vector<4x256xf32>
    %mul3A_817 = arith.mulf %add3A_545, %add3A_613 : vector<128x256xf32>
    %reshape3A_818 = vector.shape_cast %mul3A_817 : vector<128x256xf32> to vector<4x32x256xf32>
    %reduce_sum3A_819 = arith.constant dense<0.000000e+00> : vector<4x256xf32>
    %reduce_sum3A_820 = vector.multi_reduction <add>, %reshape3A_818, %reduce_sum3A_819 [1] : vector<4x32x256xf32> to vector<4x256xf32>
    %mul3A_821 = arith.mulf %add3A_545, %add3A_617 : vector<128x256xf32>
    %reshape3A_822 = vector.shape_cast %mul3A_821 : vector<128x256xf32> to vector<4x32x256xf32>
    %reduce_sum3A_823 = arith.constant dense<0.000000e+00> : vector<4x256xf32>
    %reduce_sum3A_824 = vector.multi_reduction <add>, %reshape3A_822, %reduce_sum3A_823 [1] : vector<4x32x256xf32> to vector<4x256xf32>
    %stack3A_825 = vector.shape_cast %reduce_sum3A_788 : vector<4x256xf32> to vector<4x1x256xf32>
    %stack3A_826 = vector.shape_cast %reduce_sum3A_792 : vector<4x256xf32> to vector<4x1x256xf32>
    %stack3A_827 = vector.shape_cast %reduce_sum3A_796 : vector<4x256xf32> to vector<4x1x256xf32>
    %stack3A_828 = vector.shape_cast %reduce_sum3A_800 : vector<4x256xf32> to vector<4x1x256xf32>
    %stack3A_829 = vector.shape_cast %reduce_sum3A_804 : vector<4x256xf32> to vector<4x1x256xf32>
    %stack3A_830 = vector.shape_cast %reduce_sum3A_808 : vector<4x256xf32> to vector<4x1x256xf32>
    %stack3A_831 = vector.shape_cast %reduce_sum3A_812 : vector<4x256xf32> to vector<4x1x256xf32>
    %stack3A_832 = vector.shape_cast %reduce_sum3A_816 : vector<4x256xf32> to vector<4x1x256xf32>
    %stack3A_833 = vector.shape_cast %reduce_sum3A_820 : vector<4x256xf32> to vector<4x1x256xf32>
    %stack3A_834 = vector.shape_cast %reduce_sum3A_824 : vector<4x256xf32> to vector<4x1x256xf32>
    %stack3A_835 = tpu.concatenate %stack3A_825, %stack3A_826, %stack3A_827, %stack3A_828, %stack3A_829, %stack3A_830, %stack3A_831, %stack3A_832, %stack3A_833, %stack3A_834 in 1 : vector<4x1x256xf32>, vector<4x1x256xf32>, vector<4x1x256xf32>, vector<4x1x256xf32>, vector<4x1x256xf32>, vector<4x1x256xf32>, vector<4x1x256xf32>, vector<4x1x256xf32>, vector<4x1x256xf32>, vector<4x1x256xf32> -> vector<4x10x256xf32>
    %mul3A_836 = arith.constant 0.176776692 : f32
    %mul3A_837 = vector.broadcast %mul3A_836 : f32 to vector<4x10x256xf32>
    %mul3A_838 = arith.mulf %stack3A_835, %mul3A_837 : vector<4x10x256xf32>
    %reduce_max3A_839 = arith.constant dense<0xFF800000> : vector<4x256xf32>
    %reduce_max3A_840 = vector.multi_reduction <maximumf>, %mul3A_838, %reduce_max3A_839 [1] : vector<4x10x256xf32> to vector<4x256xf32>
    %broadcast_in_dim3A_841 = vector.shape_cast %reduce_max3A_840 : vector<4x256xf32> to vector<4x1x256xf32>
    %sub3A_842 = vector.broadcast %broadcast_in_dim3A_841 : vector<4x1x256xf32> to vector<4x10x256xf32>
    %sub3A_843 = arith.subf %mul3A_838, %sub3A_842 : vector<4x10x256xf32>
    %exp3A_844 = math.exp %sub3A_843 : vector<4x10x256xf32>
    %reduce_sum3A_845 = arith.constant dense<0.000000e+00> : vector<4x256xf32>
    %reduce_sum3A_846 = vector.multi_reduction <add>, %exp3A_844, %reduce_sum3A_845 [1] : vector<4x10x256xf32> to vector<4x256xf32>
    %broadcast_in_dim3A_847 = vector.shape_cast %reduce_sum3A_846 : vector<4x256xf32> to vector<4x1x256xf32>
    %div3A_848 = vector.broadcast %broadcast_in_dim3A_847 : vector<4x1x256xf32> to vector<4x10x256xf32>
    %div3A_849 = arith.divf %exp3A_844, %div3A_848 : vector<4x10x256xf32>
    %slice3A_850 = vector.extract_strided_slice %div3A_849 {offsets = [0, 0, 0], sizes = [4, 1, 256], strides = [1, 1, 1]} : vector<4x10x256xf32> to vector<4x1x256xf32>
    %broadcast_in_dim3A_851 = vector.shape_cast %slice3A_850 : vector<4x1x256xf32> to vector<4x1x256xf32>
    %broadcast_in_dim3A_852 = vector.broadcast %broadcast_in_dim3A_851 : vector<4x1x256xf32> to vector<4x32x256xf32>
    %reshape3A_853 = vector.shape_cast %broadcast_in_dim3A_852 : vector<4x32x256xf32> to vector<128x256xf32>
    %mul3A_854 = arith.mulf %reshape3A_853, %add3A_621 : vector<128x256xf32>
    %slice3A_855 = vector.extract_strided_slice %div3A_849 {offsets = [0, 1, 0], sizes = [4, 1, 256], strides = [1, 1, 1]} : vector<4x10x256xf32> to vector<4x1x256xf32>
    %broadcast_in_dim3A_856 = vector.shape_cast %slice3A_855 : vector<4x1x256xf32> to vector<4x1x256xf32>
    %broadcast_in_dim3A_857 = vector.broadcast %broadcast_in_dim3A_856 : vector<4x1x256xf32> to vector<4x32x256xf32>
    %reshape3A_858 = vector.shape_cast %broadcast_in_dim3A_857 : vector<4x32x256xf32> to vector<128x256xf32>
    %mul3A_859 = arith.mulf %reshape3A_858, %add3A_625 : vector<128x256xf32>
    %add3A_860 = arith.addf %mul3A_854, %mul3A_859 : vector<128x256xf32>
    %slice3A_861 = vector.extract_strided_slice %div3A_849 {offsets = [0, 2, 0], sizes = [4, 1, 256], strides = [1, 1, 1]} : vector<4x10x256xf32> to vector<4x1x256xf32>
    %broadcast_in_dim3A_862 = vector.shape_cast %slice3A_861 : vector<4x1x256xf32> to vector<4x1x256xf32>
    %broadcast_in_dim3A_863 = vector.broadcast %broadcast_in_dim3A_862 : vector<4x1x256xf32> to vector<4x32x256xf32>
    %reshape3A_864 = vector.shape_cast %broadcast_in_dim3A_863 : vector<4x32x256xf32> to vector<128x256xf32>
    %mul3A_865 = arith.mulf %reshape3A_864, %add3A_629 : vector<128x256xf32>
    %add3A_866 = arith.addf %add3A_860, %mul3A_865 : vector<128x256xf32>
    %slice3A_867 = vector.extract_strided_slice %div3A_849 {offsets = [0, 3, 0], sizes = [4, 1, 256], strides = [1, 1, 1]} : vector<4x10x256xf32> to vector<4x1x256xf32>
    %broadcast_in_dim3A_868 = vector.shape_cast %slice3A_867 : vector<4x1x256xf32> to vector<4x1x256xf32>
    %broadcast_in_dim3A_869 = vector.broadcast %broadcast_in_dim3A_868 : vector<4x1x256xf32> to vector<4x32x256xf32>
    %reshape3A_870 = vector.shape_cast %broadcast_in_dim3A_869 : vector<4x32x256xf32> to vector<128x256xf32>
    %mul3A_871 = arith.mulf %reshape3A_870, %add3A_633 : vector<128x256xf32>
    %add3A_872 = arith.addf %add3A_866, %mul3A_871 : vector<128x256xf32>
    %slice3A_873 = vector.extract_strided_slice %div3A_849 {offsets = [0, 4, 0], sizes = [4, 1, 256], strides = [1, 1, 1]} : vector<4x10x256xf32> to vector<4x1x256xf32>
    %broadcast_in_dim3A_874 = vector.shape_cast %slice3A_873 : vector<4x1x256xf32> to vector<4x1x256xf32>
    %broadcast_in_dim3A_875 = vector.broadcast %broadcast_in_dim3A_874 : vector<4x1x256xf32> to vector<4x32x256xf32>
    %reshape3A_876 = vector.shape_cast %broadcast_in_dim3A_875 : vector<4x32x256xf32> to vector<128x256xf32>
    %mul3A_877 = arith.mulf %reshape3A_876, %add3A_637 : vector<128x256xf32>
    %add3A_878 = arith.addf %add3A_872, %mul3A_877 : vector<128x256xf32>
    %slice3A_879 = vector.extract_strided_slice %div3A_849 {offsets = [0, 5, 0], sizes = [4, 1, 256], strides = [1, 1, 1]} : vector<4x10x256xf32> to vector<4x1x256xf32>
    %broadcast_in_dim3A_880 = vector.shape_cast %slice3A_879 : vector<4x1x256xf32> to vector<4x1x256xf32>
    %broadcast_in_dim3A_881 = vector.broadcast %broadcast_in_dim3A_880 : vector<4x1x256xf32> to vector<4x32x256xf32>
    %reshape3A_882 = vector.shape_cast %broadcast_in_dim3A_881 : vector<4x32x256xf32> to vector<128x256xf32>
    %mul3A_883 = arith.mulf %reshape3A_882, %add3A_641 : vector<128x256xf32>
    %add3A_884 = arith.addf %add3A_878, %mul3A_883 : vector<128x256xf32>
    %slice3A_885 = vector.extract_strided_slice %div3A_849 {offsets = [0, 6, 0], sizes = [4, 1, 256], strides = [1, 1, 1]} : vector<4x10x256xf32> to vector<4x1x256xf32>
    %broadcast_in_dim3A_886 = vector.shape_cast %slice3A_885 : vector<4x1x256xf32> to vector<4x1x256xf32>
    %broadcast_in_dim3A_887 = vector.broadcast %broadcast_in_dim3A_886 : vector<4x1x256xf32> to vector<4x32x256xf32>
    %reshape3A_888 = vector.shape_cast %broadcast_in_dim3A_887 : vector<4x32x256xf32> to vector<128x256xf32>
    %mul3A_889 = arith.mulf %reshape3A_888, %add3A_645 : vector<128x256xf32>
    %add3A_890 = arith.addf %add3A_884, %mul3A_889 : vector<128x256xf32>
    %slice3A_891 = vector.extract_strided_slice %div3A_849 {offsets = [0, 7, 0], sizes = [4, 1, 256], strides = [1, 1, 1]} : vector<4x10x256xf32> to vector<4x1x256xf32>
    %broadcast_in_dim3A_892 = vector.shape_cast %slice3A_891 : vector<4x1x256xf32> to vector<4x1x256xf32>
    %broadcast_in_dim3A_893 = vector.broadcast %broadcast_in_dim3A_892 : vector<4x1x256xf32> to vector<4x32x256xf32>
    %reshape3A_894 = vector.shape_cast %broadcast_in_dim3A_893 : vector<4x32x256xf32> to vector<128x256xf32>
    %mul3A_895 = arith.mulf %reshape3A_894, %add3A_649 : vector<128x256xf32>
    %add3A_896 = arith.addf %add3A_890, %mul3A_895 : vector<128x256xf32>
    %slice3A_897 = vector.extract_strided_slice %div3A_849 {offsets = [0, 8, 0], sizes = [4, 1, 256], strides = [1, 1, 1]} : vector<4x10x256xf32> to vector<4x1x256xf32>
    %broadcast_in_dim3A_898 = vector.shape_cast %slice3A_897 : vector<4x1x256xf32> to vector<4x1x256xf32>
    %broadcast_in_dim3A_899 = vector.broadcast %broadcast_in_dim3A_898 : vector<4x1x256xf32> to vector<4x32x256xf32>
    %reshape3A_900 = vector.shape_cast %broadcast_in_dim3A_899 : vector<4x32x256xf32> to vector<128x256xf32>
    %mul3A_901 = arith.mulf %reshape3A_900, %add3A_653 : vector<128x256xf32>
    %add3A_902 = arith.addf %add3A_896, %mul3A_901 : vector<128x256xf32>
    %slice3A_903 = vector.extract_strided_slice %div3A_849 {offsets = [0, 9, 0], sizes = [4, 1, 256], strides = [1, 1, 1]} : vector<4x10x256xf32> to vector<4x1x256xf32>
    %broadcast_in_dim3A_904 = vector.shape_cast %slice3A_903 : vector<4x1x256xf32> to vector<4x1x256xf32>
    %broadcast_in_dim3A_905 = vector.broadcast %broadcast_in_dim3A_904 : vector<4x1x256xf32> to vector<4x32x256xf32>
    %reshape3A_906 = vector.shape_cast %broadcast_in_dim3A_905 : vector<4x32x256xf32> to vector<128x256xf32>
    %mul3A_907 = arith.mulf %reshape3A_906, %add3A_657 : vector<128x256xf32>
    %add3A_908 = arith.addf %add3A_902, %mul3A_907 : vector<128x256xf32>
    %dot_general3A_909 = arith.constant dense<0.000000e+00> : vector<128x256xf32>
    %dot_general3A_910 = tpu.matmul %get3A_525, %add3A_908, %dot_general3A_909 {dimension_numbers = #tpu.dot_dimension_numbers<[1], [0], [0], [1], [0, 0, 1, 1], [], []>, transpose_lhs_hint = false} : vector<128x128xf32>, vector<128x256xf32>, vector<128x256xf32> -> vector<128x256xf32>
    %add3A_911 = vector.broadcast %get3A_537 : vector<128x1xf32> to vector<128x256xf32>
    %add3A_912 = arith.addf %dot_general3A_910, %add3A_911 : vector<128x256xf32>
    %add3A_913 = arith.addf %add3A_912, %transpose3A_97 : vector<128x256xf32>
    %transpose3A_914 = tpu.transpose %add3A_913, [1, 0] : vector<128x256xf32> -> vector<256x128xf32>
    %swap3A_915 = arith.constant 0 : index
    %swap3A_916 = arith.constant 128 : index
    %swap3A_917 = vector.load %arg14[%swap3A_915, %swap3A_916] : memref<256x1280xf32, #tpu.memory_space<vmem>>, vector<256x128xf32>
    tpu.vector_store %arg14[%swap3A_915, %swap3A_916], %transpose3A_914 {strides = array<i32>} : memref<256x1280xf32, #tpu.memory_space<vmem>>, vector<256x128xf32>,
    %mul3A_918 = arith.mulf %add3A_549, %add3A_581 : vector<128x256xf32>
    %reshape3A_919 = vector.shape_cast %mul3A_918 : vector<128x256xf32> to vector<4x32x256xf32>
    %reduce_sum3A_920 = arith.constant dense<0.000000e+00> : vector<4x256xf32>
    %reduce_sum3A_921 = vector.multi_reduction <add>, %reshape3A_919, %reduce_sum3A_920 [1] : vector<4x32x256xf32> to vector<4x256xf32>
    %mul3A_922 = arith.mulf %add3A_549, %add3A_585 : vector<128x256xf32>
    %reshape3A_923 = vector.shape_cast %mul3A_922 : vector<128x256xf32> to vector<4x32x256xf32>
    %reduce_sum3A_924 = arith.constant dense<0.000000e+00> : vector<4x256xf32>
    %reduce_sum3A_925 = vector.multi_reduction <add>, %reshape3A_923, %reduce_sum3A_924 [1] : vector<4x32x256xf32> to vector<4x256xf32>
    %mul3A_926 = arith.mulf %add3A_549, %add3A_589 : vector<128x256xf32>
    %reshape3A_927 = vector.shape_cast %mul3A_926 : vector<128x256xf32> to vector<4x32x256xf32>
    %reduce_sum3A_928 = arith.constant dense<0.000000e+00> : vector<4x256xf32>
    %reduce_sum3A_929 = vector.multi_reduction <add>, %reshape3A_927, %reduce_sum3A_928 [1] : vector<4x32x256xf32> to vector<4x256xf32>
    %mul3A_930 = arith.mulf %add3A_549, %add3A_593 : vector<128x256xf32>
    %reshape3A_931 = vector.shape_cast %mul3A_930 : vector<128x256xf32> to vector<4x32x256xf32>
    %reduce_sum3A_932 = arith.constant dense<0.000000e+00> : vector<4x256xf32>
    %reduce_sum3A_933 = vector.multi_reduction <add>, %reshape3A_931, %reduce_sum3A_932 [1] : vector<4x32x256xf32> to vector<4x256xf32>
    %mul3A_934 = arith.mulf %add3A_549, %add3A_597 : vector<128x256xf32>
    %reshape3A_935 = vector.shape_cast %mul3A_934 : vector<128x256xf32> to vector<4x32x256xf32>
    %reduce_sum3A_936 = arith.constant dense<0.000000e+00> : vector<4x256xf32>
    %reduce_sum3A_937 = vector.multi_reduction <add>, %reshape3A_935, %reduce_sum3A_936 [1] : vector<4x32x256xf32> to vector<4x256xf32>
    %mul3A_938 = arith.mulf %add3A_549, %add3A_601 : vector<128x256xf32>
    %reshape3A_939 = vector.shape_cast %mul3A_938 : vector<128x256xf32> to vector<4x32x256xf32>
    %reduce_sum3A_940 = arith.constant dense<0.000000e+00> : vector<4x256xf32>
    %reduce_sum3A_941 = vector.multi_reduction <add>, %reshape3A_939, %reduce_sum3A_940 [1] : vector<4x32x256xf32> to vector<4x256xf32>
    %mul3A_942 = arith.mulf %add3A_549, %add3A_605 : vector<128x256xf32>
    %reshape3A_943 = vector.shape_cast %mul3A_942 : vector<128x256xf32> to vector<4x32x256xf32>
    %reduce_sum3A_944 = arith.constant dense<0.000000e+00> : vector<4x256xf32>
    %reduce_sum3A_945 = vector.multi_reduction <add>, %reshape3A_943, %reduce_sum3A_944 [1] : vector<4x32x256xf32> to vector<4x256xf32>
    %mul3A_946 = arith.mulf %add3A_549, %add3A_609 : vector<128x256xf32>
    %reshape3A_947 = vector.shape_cast %mul3A_946 : vector<128x256xf32> to vector<4x32x256xf32>
    %reduce_sum3A_948 = arith.constant dense<0.000000e+00> : vector<4x256xf32>
    %reduce_sum3A_949 = vector.multi_reduction <add>, %reshape3A_947, %reduce_sum3A_948 [1] : vector<4x32x256xf32> to vector<4x256xf32>
    %mul3A_950 = arith.mulf %add3A_549, %add3A_613 : vector<128x256xf32>
    %reshape3A_951 = vector.shape_cast %mul3A_950 : vector<128x256xf32> to vector<4x32x256xf32>
    %reduce_sum3A_952 = arith.constant dense<0.000000e+00> : vector<4x256xf32>
    %reduce_sum3A_953 = vector.multi_reduction <add>, %reshape3A_951, %reduce_sum3A_952 [1] : vector<4x32x256xf32> to vector<4x256xf32>
    %mul3A_954 = arith.mulf %add3A_549, %add3A_617 : vector<128x256xf32>
    %reshape3A_955 = vector.shape_cast %mul3A_954 : vector<128x256xf32> to vector<4x32x256xf32>
    %reduce_sum3A_956 = arith.constant dense<0.000000e+00> : vector<4x256xf32>
    %reduce_sum3A_957 = vector.multi_reduction <add>, %reshape3A_955, %reduce_sum3A_956 [1] : vector<4x32x256xf32> to vector<4x256xf32>
    %stack3A_958 = vector.shape_cast %reduce_sum3A_921 : vector<4x256xf32> to vector<4x1x256xf32>
    %stack3A_959 = vector.shape_cast %reduce_sum3A_925 : vector<4x256xf32> to vector<4x1x256xf32>
    %stack3A_960 = vector.shape_cast %reduce_sum3A_929 : vector<4x256xf32> to vector<4x1x256xf32>
    %stack3A_961 = vector.shape_cast %reduce_sum3A_933 : vector<4x256xf32> to vector<4x1x256xf32>
    %stack3A_962 = vector.shape_cast %reduce_sum3A_937 : vector<4x256xf32> to vector<4x1x256xf32>
    %stack3A_963 = vector.shape_cast %reduce_sum3A_941 : vector<4x256xf32> to vector<4x1x256xf32>
    %stack3A_964 = vector.shape_cast %reduce_sum3A_945 : vector<4x256xf32> to vector<4x1x256xf32>
    %stack3A_965 = vector.shape_cast %reduce_sum3A_949 : vector<4x256xf32> to vector<4x1x256xf32>
    %stack3A_966 = vector.shape_cast %reduce_sum3A_953 : vector<4x256xf32> to vector<4x1x256xf32>
    %stack3A_967 = vector.shape_cast %reduce_sum3A_957 : vector<4x256xf32> to vector<4x1x256xf32>
    %stack3A_968 = tpu.concatenate %stack3A_958, %stack3A_959, %stack3A_960, %stack3A_961, %stack3A_962, %stack3A_963, %stack3A_964, %stack3A_965, %stack3A_966, %stack3A_967 in 1 : vector<4x1x256xf32>, vector<4x1x256xf32>, vector<4x1x256xf32>, vector<4x1x256xf32>, vector<4x1x256xf32>, vector<4x1x256xf32>, vector<4x1x256xf32>, vector<4x1x256xf32>, vector<4x1x256xf32>, vector<4x1x256xf32> -> vector<4x10x256xf32>
    %mul3A_969 = arith.constant 0.176776692 : f32
    %mul3A_970 = vector.broadcast %mul3A_969 : f32 to vector<4x10x256xf32>
    %mul3A_971 = arith.mulf %stack3A_968, %mul3A_970 : vector<4x10x256xf32>
    %reduce_max3A_972 = arith.constant dense<0xFF800000> : vector<4x256xf32>
    %reduce_max3A_973 = vector.multi_reduction <maximumf>, %mul3A_971, %reduce_max3A_972 [1] : vector<4x10x256xf32> to vector<4x256xf32>
    %broadcast_in_dim3A_974 = vector.shape_cast %reduce_max3A_973 : vector<4x256xf32> to vector<4x1x256xf32>
    %sub3A_975 = vector.broadcast %broadcast_in_dim3A_974 : vector<4x1x256xf32> to vector<4x10x256xf32>
    %sub3A_976 = arith.subf %mul3A_971, %sub3A_975 : vector<4x10x256xf32>
    %exp3A_977 = math.exp %sub3A_976 : vector<4x10x256xf32>
    %reduce_sum3A_978 = arith.constant dense<0.000000e+00> : vector<4x256xf32>
    %reduce_sum3A_979 = vector.multi_reduction <add>, %exp3A_977, %reduce_sum3A_978 [1] : vector<4x10x256xf32> to vector<4x256xf32>
    %broadcast_in_dim3A_980 = vector.shape_cast %reduce_sum3A_979 : vector<4x256xf32> to vector<4x1x256xf32>
    %div3A_981 = vector.broadcast %broadcast_in_dim3A_980 : vector<4x1x256xf32> to vector<4x10x256xf32>
    %div3A_982 = arith.divf %exp3A_977, %div3A_981 : vector<4x10x256xf32>
    %slice3A_983 = vector.extract_strided_slice %div3A_982 {offsets = [0, 0, 0], sizes = [4, 1, 256], strides = [1, 1, 1]} : vector<4x10x256xf32> to vector<4x1x256xf32>
    %broadcast_in_dim3A_984 = vector.shape_cast %slice3A_983 : vector<4x1x256xf32> to vector<4x1x256xf32>
    %broadcast_in_dim3A_985 = vector.broadcast %broadcast_in_dim3A_984 : vector<4x1x256xf32> to vector<4x32x256xf32>
    %reshape3A_986 = vector.shape_cast %broadcast_in_dim3A_985 : vector<4x32x256xf32> to vector<128x256xf32>
    %mul3A_987 = arith.mulf %reshape3A_986, %add3A_621 : vector<128x256xf32>
    %slice3A_988 = vector.extract_strided_slice %div3A_982 {offsets = [0, 1, 0], sizes = [4, 1, 256], strides = [1, 1, 1]} : vector<4x10x256xf32> to vector<4x1x256xf32>
    %broadcast_in_dim3A_989 = vector.shape_cast %slice3A_988 : vector<4x1x256xf32> to vector<4x1x256xf32>
    %broadcast_in_dim3A_990 = vector.broadcast %broadcast_in_dim3A_989 : vector<4x1x256xf32> to vector<4x32x256xf32>
    %reshape3A_991 = vector.shape_cast %broadcast_in_dim3A_990 : vector<4x32x256xf32> to vector<128x256xf32>
    %mul3A_992 = arith.mulf %reshape3A_991, %add3A_625 : vector<128x256xf32>
    %add3A_993 = arith.addf %mul3A_987, %mul3A_992 : vector<128x256xf32>
    %slice3A_994 = vector.extract_strided_slice %div3A_982 {offsets = [0, 2, 0], sizes = [4, 1, 256], strides = [1, 1, 1]} : vector<4x10x256xf32> to vector<4x1x256xf32>
    %broadcast_in_dim3A_995 = vector.shape_cast %slice3A_994 : vector<4x1x256xf32> to vector<4x1x256xf32>
    %broadcast_in_dim3A_996 = vector.broadcast %broadcast_in_dim3A_995 : vector<4x1x256xf32> to vector<4x32x256xf32>
    %reshape3A_997 = vector.shape_cast %broadcast_in_dim3A_996 : vector<4x32x256xf32> to vector<128x256xf32>
    %mul3A_998 = arith.mulf %reshape3A_997, %add3A_629 : vector<128x256xf32>
    %add3A_999 = arith.addf %add3A_993, %mul3A_998 : vector<128x256xf32>
    %slice3A_1000 = vector.extract_strided_slice %div3A_982 {offsets = [0, 3, 0], sizes = [4, 1, 256], strides = [1, 1, 1]} : vector<4x10x256xf32> to vector<4x1x256xf32>
    %broadcast_in_dim3A_1001 = vector.shape_cast %slice3A_1000 : vector<4x1x256xf32> to vector<4x1x256xf32>
    %broadcast_in_dim3A_1002 = vector.broadcast %broadcast_in_dim3A_1001 : vector<4x1x256xf32> to vector<4x32x256xf32>
    %reshape3A_1003 = vector.shape_cast %broadcast_in_dim3A_1002 : vector<4x32x256xf32> to vector<128x256xf32>
    %mul3A_1004 = arith.mulf %reshape3A_1003, %add3A_633 : vector<128x256xf32>
    %add3A_1005 = arith.addf %add3A_999, %mul3A_1004 : vector<128x256xf32>
    %slice3A_1006 = vector.extract_strided_slice %div3A_982 {offsets = [0, 4, 0], sizes = [4, 1, 256], strides = [1, 1, 1]} : vector<4x10x256xf32> to vector<4x1x256xf32>
    %broadcast_in_dim3A_1007 = vector.shape_cast %slice3A_1006 : vector<4x1x256xf32> to vector<4x1x256xf32>
    %broadcast_in_dim3A_1008 = vector.broadcast %broadcast_in_dim3A_1007 : vector<4x1x256xf32> to vector<4x32x256xf32>
    %reshape3A_1009 = vector.shape_cast %broadcast_in_dim3A_1008 : vector<4x32x256xf32> to vector<128x256xf32>
    %mul3A_1010 = arith.mulf %reshape3A_1009, %add3A_637 : vector<128x256xf32>
    %add3A_1011 = arith.addf %add3A_1005, %mul3A_1010 : vector<128x256xf32>
    %slice3A_1012 = vector.extract_strided_slice %div3A_982 {offsets = [0, 5, 0], sizes = [4, 1, 256], strides = [1, 1, 1]} : vector<4x10x256xf32> to vector<4x1x256xf32>
    %broadcast_in_dim3A_1013 = vector.shape_cast %slice3A_1012 : vector<4x1x256xf32> to vector<4x1x256xf32>
    %broadcast_in_dim3A_1014 = vector.broadcast %broadcast_in_dim3A_1013 : vector<4x1x256xf32> to vector<4x32x256xf32>
    %reshape3A_1015 = vector.shape_cast %broadcast_in_dim3A_1014 : vector<4x32x256xf32> to vector<128x256xf32>
    %mul3A_1016 = arith.mulf %reshape3A_1015, %add3A_641 : vector<128x256xf32>
    %add3A_1017 = arith.addf %add3A_1011, %mul3A_1016 : vector<128x256xf32>
    %slice3A_1018 = vector.extract_strided_slice %div3A_982 {offsets = [0, 6, 0], sizes = [4, 1, 256], strides = [1, 1, 1]} : vector<4x10x256xf32> to vector<4x1x256xf32>
    %broadcast_in_dim3A_1019 = vector.shape_cast %slice3A_1018 : vector<4x1x256xf32> to vector<4x1x256xf32>
    %broadcast_in_dim3A_1020 = vector.broadcast %broadcast_in_dim3A_1019 : vector<4x1x256xf32> to vector<4x32x256xf32>
    %reshape3A_1021 = vector.shape_cast %broadcast_in_dim3A_1020 : vector<4x32x256xf32> to vector<128x256xf32>
    %mul3A_1022 = arith.mulf %reshape3A_1021, %add3A_645 : vector<128x256xf32>
    %add3A_1023 = arith.addf %add3A_1017, %mul3A_1022 : vector<128x256xf32>
    %slice3A_1024 = vector.extract_strided_slice %div3A_982 {offsets = [0, 7, 0], sizes = [4, 1, 256], strides = [1, 1, 1]} : vector<4x10x256xf32> to vector<4x1x256xf32>
    %broadcast_in_dim3A_1025 = vector.shape_cast %slice3A_1024 : vector<4x1x256xf32> to vector<4x1x256xf32>
    %broadcast_in_dim3A_1026 = vector.broadcast %broadcast_in_dim3A_1025 : vector<4x1x256xf32> to vector<4x32x256xf32>
    %reshape3A_1027 = vector.shape_cast %broadcast_in_dim3A_1026 : vector<4x32x256xf32> to vector<128x256xf32>
    %mul3A_1028 = arith.mulf %reshape3A_1027, %add3A_649 : vector<128x256xf32>
    %add3A_1029 = arith.addf %add3A_1023, %mul3A_1028 : vector<128x256xf32>
    %slice3A_1030 = vector.extract_strided_slice %div3A_982 {offsets = [0, 8, 0], sizes = [4, 1, 256], strides = [1, 1, 1]} : vector<4x10x256xf32> to vector<4x1x256xf32>
    %broadcast_in_dim3A_1031 = vector.shape_cast %slice3A_1030 : vector<4x1x256xf32> to vector<4x1x256xf32>
    %broadcast_in_dim3A_1032 = vector.broadcast %broadcast_in_dim3A_1031 : vector<4x1x256xf32> to vector<4x32x256xf32>
    %reshape3A_1033 = vector.shape_cast %broadcast_in_dim3A_1032 : vector<4x32x256xf32> to vector<128x256xf32>
    %mul3A_1034 = arith.mulf %reshape3A_1033, %add3A_653 : vector<128x256xf32>
    %add3A_1035 = arith.addf %add3A_1029, %mul3A_1034 : vector<128x256xf32>
    %slice3A_1036 = vector.extract_strided_slice %div3A_982 {offsets = [0, 9, 0], sizes = [4, 1, 256], strides = [1, 1, 1]} : vector<4x10x256xf32> to vector<4x1x256xf32>
    %broadcast_in_dim3A_1037 = vector.shape_cast %slice3A_1036 : vector<4x1x256xf32> to vector<4x1x256xf32>
    %broadcast_in_dim3A_1038 = vector.broadcast %broadcast_in_dim3A_1037 : vector<4x1x256xf32> to vector<4x32x256xf32>
    %reshape3A_1039 = vector.shape_cast %broadcast_in_dim3A_1038 : vector<4x32x256xf32> to vector<128x256xf32>
    %mul3A_1040 = arith.mulf %reshape3A_1039, %add3A_657 : vector<128x256xf32>
    %add3A_1041 = arith.addf %add3A_1035, %mul3A_1040 : vector<128x256xf32>
    %dot_general3A_1042 = arith.constant dense<0.000000e+00> : vector<128x256xf32>
    %dot_general3A_1043 = tpu.matmul %get3A_525, %add3A_1041, %dot_general3A_1042 {dimension_numbers = #tpu.dot_dimension_numbers<[1], [0], [0], [1], [0, 0, 1, 1], [], []>, transpose_lhs_hint = false} : vector<128x128xf32>, vector<128x256xf32>, vector<128x256xf32> -> vector<128x256xf32>
    %add3A_1044 = vector.broadcast %get3A_537 : vector<128x1xf32> to vector<128x256xf32>
    %add3A_1045 = arith.addf %dot_general3A_1043, %add3A_1044 : vector<128x256xf32>
    %add3A_1046 = arith.addf %add3A_1045, %transpose3A_149 : vector<128x256xf32>
    %transpose3A_1047 = tpu.transpose %add3A_1046, [1, 0] : vector<128x256xf32> -> vector<256x128xf32>
    %swap3A_1048 = arith.constant 0 : index
    %swap3A_1049 = arith.constant 256 : index
    %swap3A_1050 = vector.load %arg14[%swap3A_1048, %swap3A_1049] : memref<256x1280xf32, #tpu.memory_space<vmem>>, vector<256x128xf32>
    tpu.vector_store %arg14[%swap3A_1048, %swap3A_1049], %transpose3A_1047 {strides = array<i32>} : memref<256x1280xf32, #tpu.memory_space<vmem>>, vector<256x128xf32>,
    %mul3A_1051 = arith.mulf %add3A_553, %add3A_581 : vector<128x256xf32>
    %reshape3A_1052 = vector.shape_cast %mul3A_1051 : vector<128x256xf32> to vector<4x32x256xf32>
    %reduce_sum3A_1053 = arith.constant dense<0.000000e+00> : vector<4x256xf32>
    %reduce_sum3A_1054 = vector.multi_reduction <add>, %reshape3A_1052, %reduce_sum3A_1053 [1] : vector<4x32x256xf32> to vector<4x256xf32>
    %mul3A_1055 = arith.mulf %add3A_553, %add3A_585 : vector<128x256xf32>
    %reshape3A_1056 = vector.shape_cast %mul3A_1055 : vector<128x256xf32> to vector<4x32x256xf32>
    %reduce_sum3A_1057 = arith.constant dense<0.000000e+00> : vector<4x256xf32>
    %reduce_sum3A_1058 = vector.multi_reduction <add>, %reshape3A_1056, %reduce_sum3A_1057 [1] : vector<4x32x256xf32> to vector<4x256xf32>
    %mul3A_1059 = arith.mulf %add3A_553, %add3A_589 : vector<128x256xf32>
    %reshape3A_1060 = vector.shape_cast %mul3A_1059 : vector<128x256xf32> to vector<4x32x256xf32>
    %reduce_sum3A_1061 = arith.constant dense<0.000000e+00> : vector<4x256xf32>
    %reduce_sum3A_1062 = vector.multi_reduction <add>, %reshape3A_1060, %reduce_sum3A_1061 [1] : vector<4x32x256xf32> to vector<4x256xf32>
    %mul3A_1063 = arith.mulf %add3A_553, %add3A_593 : vector<128x256xf32>
    %reshape3A_1064 = vector.shape_cast %mul3A_1063 : vector<128x256xf32> to vector<4x32x256xf32>
    %reduce_sum3A_1065 = arith.constant dense<0.000000e+00> : vector<4x256xf32>
    %reduce_sum3A_1066 = vector.multi_reduction <add>, %reshape3A_1064, %reduce_sum3A_1065 [1] : vector<4x32x256xf32> to vector<4x256xf32>
    %mul3A_1067 = arith.mulf %add3A_553, %add3A_597 : vector<128x256xf32>
    %reshape3A_1068 = vector.shape_cast %mul3A_1067 : vector<128x256xf32> to vector<4x32x256xf32>
    %reduce_sum3A_1069 = arith.constant dense<0.000000e+00> : vector<4x256xf32>
    %reduce_sum3A_1070 = vector.multi_reduction <add>, %reshape3A_1068, %reduce_sum3A_1069 [1] : vector<4x32x256xf32> to vector<4x256xf32>
    %mul3A_1071 = arith.mulf %add3A_553, %add3A_601 : vector<128x256xf32>
    %reshape3A_1072 = vector.shape_cast %mul3A_1071 : vector<128x256xf32> to vector<4x32x256xf32>
    %reduce_sum3A_1073 = arith.constant dense<0.000000e+00> : vector<4x256xf32>
    %reduce_sum3A_1074 = vector.multi_reduction <add>, %reshape3A_1072, %reduce_sum3A_1073 [1] : vector<4x32x256xf32> to vector<4x256xf32>
    %mul3A_1075 = arith.mulf %add3A_553, %add3A_605 : vector<128x256xf32>
    %reshape3A_1076 = vector.shape_cast %mul3A_1075 : vector<128x256xf32> to vector<4x32x256xf32>
    %reduce_sum3A_1077 = arith.constant dense<0.000000e+00> : vector<4x256xf32>
    %reduce_sum3A_1078 = vector.multi_reduction <add>, %reshape3A_1076, %reduce_sum3A_1077 [1] : vector<4x32x256xf32> to vector<4x256xf32>
    %mul3A_1079 = arith.mulf %add3A_553, %add3A_609 : vector<128x256xf32>
    %reshape3A_1080 = vector.shape_cast %mul3A_1079 : vector<128x256xf32> to vector<4x32x256xf32>
    %reduce_sum3A_1081 = arith.constant dense<0.000000e+00> : vector<4x256xf32>
    %reduce_sum3A_1082 = vector.multi_reduction <add>, %reshape3A_1080, %reduce_sum3A_1081 [1] : vector<4x32x256xf32> to vector<4x256xf32>
    %mul3A_1083 = arith.mulf %add3A_553, %add3A_613 : vector<128x256xf32>
    %reshape3A_1084 = vector.shape_cast %mul3A_1083 : vector<128x256xf32> to vector<4x32x256xf32>
    %reduce_sum3A_1085 = arith.constant dense<0.000000e+00> : vector<4x256xf32>
    %reduce_sum3A_1086 = vector.multi_reduction <add>, %reshape3A_1084, %reduce_sum3A_1085 [1] : vector<4x32x256xf32> to vector<4x256xf32>
    %mul3A_1087 = arith.mulf %add3A_553, %add3A_617 : vector<128x256xf32>
    %reshape3A_1088 = vector.shape_cast %mul3A_1087 : vector<128x256xf32> to vector<4x32x256xf32>
    %reduce_sum3A_1089 = arith.constant dense<0.000000e+00> : vector<4x256xf32>
    %reduce_sum3A_1090 = vector.multi_reduction <add>, %reshape3A_1088, %reduce_sum3A_1089 [1] : vector<4x32x256xf32> to vector<4x256xf32>
    %stack3A_1091 = vector.shape_cast %reduce_sum3A_1054 : vector<4x256xf32> to vector<4x1x256xf32>
    %stack3A_1092 = vector.shape_cast %reduce_sum3A_1058 : vector<4x256xf32> to vector<4x1x256xf32>
    %stack3A_1093 = vector.shape_cast %reduce_sum3A_1062 : vector<4x256xf32> to vector<4x1x256xf32>
    %stack3A_1094 = vector.shape_cast %reduce_sum3A_1066 : vector<4x256xf32> to vector<4x1x256xf32>
    %stack3A_1095 = vector.shape_cast %reduce_sum3A_1070 : vector<4x256xf32> to vector<4x1x256xf32>
    %stack3A_1096 = vector.shape_cast %reduce_sum3A_1074 : vector<4x256xf32> to vector<4x1x256xf32>
    %stack3A_1097 = vector.shape_cast %reduce_sum3A_1078 : vector<4x256xf32> to vector<4x1x256xf32>
    %stack3A_1098 = vector.shape_cast %reduce_sum3A_1082 : vector<4x256xf32> to vector<4x1x256xf32>
    %stack3A_1099 = vector.shape_cast %reduce_sum3A_1086 : vector<4x256xf32> to vector<4x1x256xf32>
    %stack3A_1100 = vector.shape_cast %reduce_sum3A_1090 : vector<4x256xf32> to vector<4x1x256xf32>
    %stack3A_1101 = tpu.concatenate %stack3A_1091, %stack3A_1092, %stack3A_1093, %stack3A_1094, %stack3A_1095, %stack3A_1096, %stack3A_1097, %stack3A_1098, %stack3A_1099, %stack3A_1100 in 1 : vector<4x1x256xf32>, vector<4x1x256xf32>, vector<4x1x256xf32>, vector<4x1x256xf32>, vector<4x1x256xf32>, vector<4x1x256xf32>, vector<4x1x256xf32>, vector<4x1x256xf32>, vector<4x1x256xf32>, vector<4x1x256xf32> -> vector<4x10x256xf32>
    %mul3A_1102 = arith.constant 0.176776692 : f32
    %mul3A_1103 = vector.broadcast %mul3A_1102 : f32 to vector<4x10x256xf32>
    %mul3A_1104 = arith.mulf %stack3A_1101, %mul3A_1103 : vector<4x10x256xf32>
    %reduce_max3A_1105 = arith.constant dense<0xFF800000> : vector<4x256xf32>
    %reduce_max3A_1106 = vector.multi_reduction <maximumf>, %mul3A_1104, %reduce_max3A_1105 [1] : vector<4x10x256xf32> to vector<4x256xf32>
    %broadcast_in_dim3A_1107 = vector.shape_cast %reduce_max3A_1106 : vector<4x256xf32> to vector<4x1x256xf32>
    %sub3A_1108 = vector.broadcast %broadcast_in_dim3A_1107 : vector<4x1x256xf32> to vector<4x10x256xf32>
    %sub3A_1109 = arith.subf %mul3A_1104, %sub3A_1108 : vector<4x10x256xf32>
    %exp3A_1110 = math.exp %sub3A_1109 : vector<4x10x256xf32>
    %reduce_sum3A_1111 = arith.constant dense<0.000000e+00> : vector<4x256xf32>
    %reduce_sum3A_1112 = vector.multi_reduction <add>, %exp3A_1110, %reduce_sum3A_1111 [1] : vector<4x10x256xf32> to vector<4x256xf32>
    %broadcast_in_dim3A_1113 = vector.shape_cast %reduce_sum3A_1112 : vector<4x256xf32> to vector<4x1x256xf32>
    %div3A_1114 = vector.broadcast %broadcast_in_dim3A_1113 : vector<4x1x256xf32> to vector<4x10x256xf32>
    %div3A_1115 = arith.divf %exp3A_1110, %div3A_1114 : vector<4x10x256xf32>
    %slice3A_1116 = vector.extract_strided_slice %div3A_1115 {offsets = [0, 0, 0], sizes = [4, 1, 256], strides = [1, 1, 1]} : vector<4x10x256xf32> to vector<4x1x256xf32>
    %broadcast_in_dim3A_1117 = vector.shape_cast %slice3A_1116 : vector<4x1x256xf32> to vector<4x1x256xf32>
    %broadcast_in_dim3A_1118 = vector.broadcast %broadcast_in_dim3A_1117 : vector<4x1x256xf32> to vector<4x32x256xf32>
    %reshape3A_1119 = vector.shape_cast %broadcast_in_dim3A_1118 : vector<4x32x256xf32> to vector<128x256xf32>
    %mul3A_1120 = arith.mulf %reshape3A_1119, %add3A_621 : vector<128x256xf32>
    %slice3A_1121 = vector.extract_strided_slice %div3A_1115 {offsets = [0, 1, 0], sizes = [4, 1, 256], strides = [1, 1, 1]} : vector<4x10x256xf32> to vector<4x1x256xf32>
    %broadcast_in_dim3A_1122 = vector.shape_cast %slice3A_1121 : vector<4x1x256xf32> to vector<4x1x256xf32>
    %broadcast_in_dim3A_1123 = vector.broadcast %broadcast_in_dim3A_1122 : vector<4x1x256xf32> to vector<4x32x256xf32>
    %reshape3A_1124 = vector.shape_cast %broadcast_in_dim3A_1123 : vector<4x32x256xf32> to vector<128x256xf32>
    %mul3A_1125 = arith.mulf %reshape3A_1124, %add3A_625 : vector<128x256xf32>
    %add3A_1126 = arith.addf %mul3A_1120, %mul3A_1125 : vector<128x256xf32>
    %slice3A_1127 = vector.extract_strided_slice %div3A_1115 {offsets = [0, 2, 0], sizes = [4, 1, 256], strides = [1, 1, 1]} : vector<4x10x256xf32> to vector<4x1x256xf32>
    %broadcast_in_dim3A_1128 = vector.shape_cast %slice3A_1127 : vector<4x1x256xf32> to vector<4x1x256xf32>
    %broadcast_in_dim3A_1129 = vector.broadcast %broadcast_in_dim3A_1128 : vector<4x1x256xf32> to vector<4x32x256xf32>
    %reshape3A_1130 = vector.shape_cast %broadcast_in_dim3A_1129 : vector<4x32x256xf32> to vector<128x256xf32>
    %mul3A_1131 = arith.mulf %reshape3A_1130, %add3A_629 : vector<128x256xf32>
    %add3A_1132 = arith.addf %add3A_1126, %mul3A_1131 : vector<128x256xf32>
    %slice3A_1133 = vector.extract_strided_slice %div3A_1115 {offsets = [0, 3, 0], sizes = [4, 1, 256], strides = [1, 1, 1]} : vector<4x10x256xf32> to vector<4x1x256xf32>
    %broadcast_in_dim3A_1134 = vector.shape_cast %slice3A_1133 : vector<4x1x256xf32> to vector<4x1x256xf32>
    %broadcast_in_dim3A_1135 = vector.broadcast %broadcast_in_dim3A_1134 : vector<4x1x256xf32> to vector<4x32x256xf32>
    %reshape3A_1136 = vector.shape_cast %broadcast_in_dim3A_1135 : vector<4x32x256xf32> to vector<128x256xf32>
    %mul3A_1137 = arith.mulf %reshape3A_1136, %add3A_633 : vector<128x256xf32>
    %add3A_1138 = arith.addf %add3A_1132, %mul3A_1137 : vector<128x256xf32>
    %slice3A_1139 = vector.extract_strided_slice %div3A_1115 {offsets = [0, 4, 0], sizes = [4, 1, 256], strides = [1, 1, 1]} : vector<4x10x256xf32> to vector<4x1x256xf32>
    %broadcast_in_dim3A_1140 = vector.shape_cast %slice3A_1139 : vector<4x1x256xf32> to vector<4x1x256xf32>
    %broadcast_in_dim3A_1141 = vector.broadcast %broadcast_in_dim3A_1140 : vector<4x1x256xf32> to vector<4x32x256xf32>
    %reshape3A_1142 = vector.shape_cast %broadcast_in_dim3A_1141 : vector<4x32x256xf32> to vector<128x256xf32>
    %mul3A_1143 = arith.mulf %reshape3A_1142, %add3A_637 : vector<128x256xf32>
    %add3A_1144 = arith.addf %add3A_1138, %mul3A_1143 : vector<128x256xf32>
    %slice3A_1145 = vector.extract_strided_slice %div3A_1115 {offsets = [0, 5, 0], sizes = [4, 1, 256], strides = [1, 1, 1]} : vector<4x10x256xf32> to vector<4x1x256xf32>
    %broadcast_in_dim3A_1146 = vector.shape_cast %slice3A_1145 : vector<4x1x256xf32> to vector<4x1x256xf32>
    %broadcast_in_dim3A_1147 = vector.broadcast %broadcast_in_dim3A_1146 : vector<4x1x256xf32> to vector<4x32x256xf32>
    %reshape3A_1148 = vector.shape_cast %broadcast_in_dim3A_1147 : vector<4x32x256xf32> to vector<128x256xf32>
    %mul3A_1149 = arith.mulf %reshape3A_1148, %add3A_641 : vector<128x256xf32>
    %add3A_1150 = arith.addf %add3A_1144, %mul3A_1149 : vector<128x256xf32>
    %slice3A_1151 = vector.extract_strided_slice %div3A_1115 {offsets = [0, 6, 0], sizes = [4, 1, 256], strides = [1, 1, 1]} : vector<4x10x256xf32> to vector<4x1x256xf32>
    %broadcast_in_dim3A_1152 = vector.shape_cast %slice3A_1151 : vector<4x1x256xf32> to vector<4x1x256xf32>
    %broadcast_in_dim3A_1153 = vector.broadcast %broadcast_in_dim3A_1152 : vector<4x1x256xf32> to vector<4x32x256xf32>
    %reshape3A_1154 = vector.shape_cast %broadcast_in_dim3A_1153 : vector<4x32x256xf32> to vector<128x256xf32>
    %mul3A_1155 = arith.mulf %reshape3A_1154, %add3A_645 : vector<128x256xf32>
    %add3A_1156 = arith.addf %add3A_1150, %mul3A_1155 : vector<128x256xf32>
    %slice3A_1157 = vector.extract_strided_slice %div3A_1115 {offsets = [0, 7, 0], sizes = [4, 1, 256], strides = [1, 1, 1]} : vector<4x10x256xf32> to vector<4x1x256xf32>
    %broadcast_in_dim3A_1158 = vector.shape_cast %slice3A_1157 : vector<4x1x256xf32> to vector<4x1x256xf32>
    %broadcast_in_dim3A_1159 = vector.broadcast %broadcast_in_dim3A_1158 : vector<4x1x256xf32> to vector<4x32x256xf32>
    %reshape3A_1160 = vector.shape_cast %broadcast_in_dim3A_1159 : vector<4x32x256xf32> to vector<128x256xf32>
    %mul3A_1161 = arith.mulf %reshape3A_1160, %add3A_649 : vector<128x256xf32>
    %add3A_1162 = arith.addf %add3A_1156, %mul3A_1161 : vector<128x256xf32>
    %slice3A_1163 = vector.extract_strided_slice %div3A_1115 {offsets = [0, 8, 0], sizes = [4, 1, 256], strides = [1, 1, 1]} : vector<4x10x256xf32> to vector<4x1x256xf32>
    %broadcast_in_dim3A_1164 = vector.shape_cast %slice3A_1163 : vector<4x1x256xf32> to vector<4x1x256xf32>
    %broadcast_in_dim3A_1165 = vector.broadcast %broadcast_in_dim3A_1164 : vector<4x1x256xf32> to vector<4x32x256xf32>
    %reshape3A_1166 = vector.shape_cast %broadcast_in_dim3A_1165 : vector<4x32x256xf32> to vector<128x256xf32>
    %mul3A_1167 = arith.mulf %reshape3A_1166, %add3A_653 : vector<128x256xf32>
    %add3A_1168 = arith.addf %add3A_1162, %mul3A_1167 : vector<128x256xf32>
    %slice3A_1169 = vector.extract_strided_slice %div3A_1115 {offsets = [0, 9, 0], sizes = [4, 1, 256], strides = [1, 1, 1]} : vector<4x10x256xf32> to vector<4x1x256xf32>
    %broadcast_in_dim3A_1170 = vector.shape_cast %slice3A_1169 : vector<4x1x256xf32> to vector<4x1x256xf32>
    %broadcast_in_dim3A_1171 = vector.broadcast %broadcast_in_dim3A_1170 : vector<4x1x256xf32> to vector<4x32x256xf32>
    %reshape3A_1172 = vector.shape_cast %broadcast_in_dim3A_1171 : vector<4x32x256xf32> to vector<128x256xf32>
    %mul3A_1173 = arith.mulf %reshape3A_1172, %add3A_657 : vector<128x256xf32>
    %add3A_1174 = arith.addf %add3A_1168, %mul3A_1173 : vector<128x256xf32>
    %dot_general3A_1175 = arith.constant dense<0.000000e+00> : vector<128x256xf32>
    %dot_general3A_1176 = tpu.matmul %get3A_525, %add3A_1174, %dot_general3A_1175 {dimension_numbers = #tpu.dot_dimension_numbers<[1], [0], [0], [1], [0, 0, 1, 1], [], []>, transpose_lhs_hint = false} : vector<128x128xf32>, vector<128x256xf32>, vector<128x256xf32> -> vector<128x256xf32>
    %add3A_1177 = vector.broadcast %get3A_537 : vector<128x1xf32> to vector<128x256xf32>
    %add3A_1178 = arith.addf %dot_general3A_1176, %add3A_1177 : vector<128x256xf32>
    %add3A_1179 = arith.addf %add3A_1178, %transpose3A_201 : vector<128x256xf32>
    %transpose3A_1180 = tpu.transpose %add3A_1179, [1, 0] : vector<128x256xf32> -> vector<256x128xf32>
    %swap3A_1181 = arith.constant 0 : index
    %swap3A_1182 = arith.constant 384 : index
    %swap3A_1183 = vector.load %arg14[%swap3A_1181, %swap3A_1182] : memref<256x1280xf32, #tpu.memory_space<vmem>>, vector<256x128xf32>
    tpu.vector_store %arg14[%swap3A_1181, %swap3A_1182], %transpose3A_1180 {strides = array<i32>} : memref<256x1280xf32, #tpu.memory_space<vmem>>, vector<256x128xf32>,
    %mul3A_1184 = arith.mulf %add3A_557, %add3A_581 : vector<128x256xf32>
    %reshape3A_1185 = vector.shape_cast %mul3A_1184 : vector<128x256xf32> to vector<4x32x256xf32>
    %reduce_sum3A_1186 = arith.constant dense<0.000000e+00> : vector<4x256xf32>
    %reduce_sum3A_1187 = vector.multi_reduction <add>, %reshape3A_1185, %reduce_sum3A_1186 [1] : vector<4x32x256xf32> to vector<4x256xf32>
    %mul3A_1188 = arith.mulf %add3A_557, %add3A_585 : vector<128x256xf32>
    %reshape3A_1189 = vector.shape_cast %mul3A_1188 : vector<128x256xf32> to vector<4x32x256xf32>
    %reduce_sum3A_1190 = arith.constant dense<0.000000e+00> : vector<4x256xf32>
    %reduce_sum3A_1191 = vector.multi_reduction <add>, %reshape3A_1189, %reduce_sum3A_1190 [1] : vector<4x32x256xf32> to vector<4x256xf32>
    %mul3A_1192 = arith.mulf %add3A_557, %add3A_589 : vector<128x256xf32>
    %reshape3A_1193 = vector.shape_cast %mul3A_1192 : vector<128x256xf32> to vector<4x32x256xf32>
    %reduce_sum3A_1194 = arith.constant dense<0.000000e+00> : vector<4x256xf32>
    %reduce_sum3A_1195 = vector.multi_reduction <add>, %reshape3A_1193, %reduce_sum3A_1194 [1] : vector<4x32x256xf32> to vector<4x256xf32>
    %mul3A_1196 = arith.mulf %add3A_557, %add3A_593 : vector<128x256xf32>
    %reshape3A_1197 = vector.shape_cast %mul3A_1196 : vector<128x256xf32> to vector<4x32x256xf32>
    %reduce_sum3A_1198 = arith.constant dense<0.000000e+00> : vector<4x256xf32>
    %reduce_sum3A_1199 = vector.multi_reduction <add>, %reshape3A_1197, %reduce_sum3A_1198 [1] : vector<4x32x256xf32> to vector<4x256xf32>
    %mul3A_1200 = arith.mulf %add3A_557, %add3A_597 : vector<128x256xf32>
    %reshape3A_1201 = vector.shape_cast %mul3A_1200 : vector<128x256xf32> to vector<4x32x256xf32>
    %reduce_sum3A_1202 = arith.constant dense<0.000000e+00> : vector<4x256xf32>
    %reduce_sum3A_1203 = vector.multi_reduction <add>, %reshape3A_1201, %reduce_sum3A_1202 [1] : vector<4x32x256xf32> to vector<4x256xf32>
    %mul3A_1204 = arith.mulf %add3A_557, %add3A_601 : vector<128x256xf32>
    %reshape3A_1205 = vector.shape_cast %mul3A_1204 : vector<128x256xf32> to vector<4x32x256xf32>
    %reduce_sum3A_1206 = arith.constant dense<0.000000e+00> : vector<4x256xf32>
    %reduce_sum3A_1207 = vector.multi_reduction <add>, %reshape3A_1205, %reduce_sum3A_1206 [1] : vector<4x32x256xf32> to vector<4x256xf32>
    %mul3A_1208 = arith.mulf %add3A_557, %add3A_605 : vector<128x256xf32>
    %reshape3A_1209 = vector.shape_cast %mul3A_1208 : vector<128x256xf32> to vector<4x32x256xf32>
    %reduce_sum3A_1210 = arith.constant dense<0.000000e+00> : vector<4x256xf32>
    %reduce_sum3A_1211 = vector.multi_reduction <add>, %reshape3A_1209, %reduce_sum3A_1210 [1] : vector<4x32x256xf32> to vector<4x256xf32>
    %mul3A_1212 = arith.mulf %add3A_557, %add3A_609 : vector<128x256xf32>
    %reshape3A_1213 = vector.shape_cast %mul3A_1212 : vector<128x256xf32> to vector<4x32x256xf32>
    %reduce_sum3A_1214 = arith.constant dense<0.000000e+00> : vector<4x256xf32>
    %reduce_sum3A_1215 = vector.multi_reduction <add>, %reshape3A_1213, %reduce_sum3A_1214 [1] : vector<4x32x256xf32> to vector<4x256xf32>
    %mul3A_1216 = arith.mulf %add3A_557, %add3A_613 : vector<128x256xf32>
    %reshape3A_1217 = vector.shape_cast %mul3A_1216 : vector<128x256xf32> to vector<4x32x256xf32>
    %reduce_sum3A_1218 = arith.constant dense<0.000000e+00> : vector<4x256xf32>
    %reduce_sum3A_1219 = vector.multi_reduction <add>, %reshape3A_1217, %reduce_sum3A_1218 [1] : vector<4x32x256xf32> to vector<4x256xf32>
    %mul3A_1220 = arith.mulf %add3A_557, %add3A_617 : vector<128x256xf32>
    %reshape3A_1221 = vector.shape_cast %mul3A_1220 : vector<128x256xf32> to vector<4x32x256xf32>
    %reduce_sum3A_1222 = arith.constant dense<0.000000e+00> : vector<4x256xf32>
    %reduce_sum3A_1223 = vector.multi_reduction <add>, %reshape3A_1221, %reduce_sum3A_1222 [1] : vector<4x32x256xf32> to vector<4x256xf32>
    %stack3A_1224 = vector.shape_cast %reduce_sum3A_1187 : vector<4x256xf32> to vector<4x1x256xf32>
    %stack3A_1225 = vector.shape_cast %reduce_sum3A_1191 : vector<4x256xf32> to vector<4x1x256xf32>
    %stack3A_1226 = vector.shape_cast %reduce_sum3A_1195 : vector<4x256xf32> to vector<4x1x256xf32>
    %stack3A_1227 = vector.shape_cast %reduce_sum3A_1199 : vector<4x256xf32> to vector<4x1x256xf32>
    %stack3A_1228 = vector.shape_cast %reduce_sum3A_1203 : vector<4x256xf32> to vector<4x1x256xf32>
    %stack3A_1229 = vector.shape_cast %reduce_sum3A_1207 : vector<4x256xf32> to vector<4x1x256xf32>
    %stack3A_1230 = vector.shape_cast %reduce_sum3A_1211 : vector<4x256xf32> to vector<4x1x256xf32>
    %stack3A_1231 = vector.shape_cast %reduce_sum3A_1215 : vector<4x256xf32> to vector<4x1x256xf32>
    %stack3A_1232 = vector.shape_cast %reduce_sum3A_1219 : vector<4x256xf32> to vector<4x1x256xf32>
    %stack3A_1233 = vector.shape_cast %reduce_sum3A_1223 : vector<4x256xf32> to vector<4x1x256xf32>
    %stack3A_1234 = tpu.concatenate %stack3A_1224, %stack3A_1225, %stack3A_1226, %stack3A_1227, %stack3A_1228, %stack3A_1229, %stack3A_1230, %stack3A_1231, %stack3A_1232, %stack3A_1233 in 1 : vector<4x1x256xf32>, vector<4x1x256xf32>, vector<4x1x256xf32>, vector<4x1x256xf32>, vector<4x1x256xf32>, vector<4x1x256xf32>, vector<4x1x256xf32>, vector<4x1x256xf32>, vector<4x1x256xf32>, vector<4x1x256xf32> -> vector<4x10x256xf32>
    %mul3A_1235 = arith.constant 0.176776692 : f32
    %mul3A_1236 = vector.broadcast %mul3A_1235 : f32 to vector<4x10x256xf32>
    %mul3A_1237 = arith.mulf %stack3A_1234, %mul3A_1236 : vector<4x10x256xf32>
    %reduce_max3A_1238 = arith.constant dense<0xFF800000> : vector<4x256xf32>
    %reduce_max3A_1239 = vector.multi_reduction <maximumf>, %mul3A_1237, %reduce_max3A_1238 [1] : vector<4x10x256xf32> to vector<4x256xf32>
    %broadcast_in_dim3A_1240 = vector.shape_cast %reduce_max3A_1239 : vector<4x256xf32> to vector<4x1x256xf32>
    %sub3A_1241 = vector.broadcast %broadcast_in_dim3A_1240 : vector<4x1x256xf32> to vector<4x10x256xf32>
    %sub3A_1242 = arith.subf %mul3A_1237, %sub3A_1241 : vector<4x10x256xf32>
    %exp3A_1243 = math.exp %sub3A_1242 : vector<4x10x256xf32>
    %reduce_sum3A_1244 = arith.constant dense<0.000000e+00> : vector<4x256xf32>
    %reduce_sum3A_1245 = vector.multi_reduction <add>, %exp3A_1243, %reduce_sum3A_1244 [1] : vector<4x10x256xf32> to vector<4x256xf32>
    %broadcast_in_dim3A_1246 = vector.shape_cast %reduce_sum3A_1245 : vector<4x256xf32> to vector<4x1x256xf32>
    %div3A_1247 = vector.broadcast %broadcast_in_dim3A_1246 : vector<4x1x256xf32> to vector<4x10x256xf32>
    %div3A_1248 = arith.divf %exp3A_1243, %div3A_1247 : vector<4x10x256xf32>
    %slice3A_1249 = vector.extract_strided_slice %div3A_1248 {offsets = [0, 0, 0], sizes = [4, 1, 256], strides = [1, 1, 1]} : vector<4x10x256xf32> to vector<4x1x256xf32>
    %broadcast_in_dim3A_1250 = vector.shape_cast %slice3A_1249 : vector<4x1x256xf32> to vector<4x1x256xf32>
    %broadcast_in_dim3A_1251 = vector.broadcast %broadcast_in_dim3A_1250 : vector<4x1x256xf32> to vector<4x32x256xf32>
    %reshape3A_1252 = vector.shape_cast %broadcast_in_dim3A_1251 : vector<4x32x256xf32> to vector<128x256xf32>
    %mul3A_1253 = arith.mulf %reshape3A_1252, %add3A_621 : vector<128x256xf32>
    %slice3A_1254 = vector.extract_strided_slice %div3A_1248 {offsets = [0, 1, 0], sizes = [4, 1, 256], strides = [1, 1, 1]} : vector<4x10x256xf32> to vector<4x1x256xf32>
    %broadcast_in_dim3A_1255 = vector.shape_cast %slice3A_1254 : vector<4x1x256xf32> to vector<4x1x256xf32>
    %broadcast_in_dim3A_1256 = vector.broadcast %broadcast_in_dim3A_1255 : vector<4x1x256xf32> to vector<4x32x256xf32>
    %reshape3A_1257 = vector.shape_cast %broadcast_in_dim3A_1256 : vector<4x32x256xf32> to vector<128x256xf32>
    %mul3A_1258 = arith.mulf %reshape3A_1257, %add3A_625 : vector<128x256xf32>
    %add3A_1259 = arith.addf %mul3A_1253, %mul3A_1258 : vector<128x256xf32>
    %slice3A_1260 = vector.extract_strided_slice %div3A_1248 {offsets = [0, 2, 0], sizes = [4, 1, 256], strides = [1, 1, 1]} : vector<4x10x256xf32> to vector<4x1x256xf32>
    %broadcast_in_dim3A_1261 = vector.shape_cast %slice3A_1260 : vector<4x1x256xf32> to vector<4x1x256xf32>
    %broadcast_in_dim3A_1262 = vector.broadcast %broadcast_in_dim3A_1261 : vector<4x1x256xf32> to vector<4x32x256xf32>
    %reshape3A_1263 = vector.shape_cast %broadcast_in_dim3A_1262 : vector<4x32x256xf32> to vector<128x256xf32>
    %mul3A_1264 = arith.mulf %reshape3A_1263, %add3A_629 : vector<128x256xf32>
    %add3A_1265 = arith.addf %add3A_1259, %mul3A_1264 : vector<128x256xf32>
    %slice3A_1266 = vector.extract_strided_slice %div3A_1248 {offsets = [0, 3, 0], sizes = [4, 1, 256], strides = [1, 1, 1]} : vector<4x10x256xf32> to vector<4x1x256xf32>
    %broadcast_in_dim3A_1267 = vector.shape_cast %slice3A_1266 : vector<4x1x256xf32> to vector<4x1x256xf32>
    %broadcast_in_dim3A_1268 = vector.broadcast %broadcast_in_dim3A_1267 : vector<4x1x256xf32> to vector<4x32x256xf32>
    %reshape3A_1269 = vector.shape_cast %broadcast_in_dim3A_1268 : vector<4x32x256xf32> to vector<128x256xf32>
    %mul3A_1270 = arith.mulf %reshape3A_1269, %add3A_633 : vector<128x256xf32>
    %add3A_1271 = arith.addf %add3A_1265, %mul3A_1270 : vector<128x256xf32>
    %slice3A_1272 = vector.extract_strided_slice %div3A_1248 {offsets = [0, 4, 0], sizes = [4, 1, 256], strides = [1, 1, 1]} : vector<4x10x256xf32> to vector<4x1x256xf32>
    %broadcast_in_dim3A_1273 = vector.shape_cast %slice3A_1272 : vector<4x1x256xf32> to vector<4x1x256xf32>
    %broadcast_in_dim3A_1274 = vector.broadcast %broadcast_in_dim3A_1273 : vector<4x1x256xf32> to vector<4x32x256xf32>
    %reshape3A_1275 = vector.shape_cast %broadcast_in_dim3A_1274 : vector<4x32x256xf32> to vector<128x256xf32>
    %mul3A_1276 = arith.mulf %reshape3A_1275, %add3A_637 : vector<128x256xf32>
    %add3A_1277 = arith.addf %add3A_1271, %mul3A_1276 : vector<128x256xf32>
    %slice3A_1278 = vector.extract_strided_slice %div3A_1248 {offsets = [0, 5, 0], sizes = [4, 1, 256], strides = [1, 1, 1]} : vector<4x10x256xf32> to vector<4x1x256xf32>
    %broadcast_in_dim3A_1279 = vector.shape_cast %slice3A_1278 : vector<4x1x256xf32> to vector<4x1x256xf32>
    %broadcast_in_dim3A_1280 = vector.broadcast %broadcast_in_dim3A_1279 : vector<4x1x256xf32> to vector<4x32x256xf32>
    %reshape3A_1281 = vector.shape_cast %broadcast_in_dim3A_1280 : vector<4x32x256xf32> to vector<128x256xf32>
    %mul3A_1282 = arith.mulf %reshape3A_1281, %add3A_641 : vector<128x256xf32>
    %add3A_1283 = arith.addf %add3A_1277, %mul3A_1282 : vector<128x256xf32>
    %slice3A_1284 = vector.extract_strided_slice %div3A_1248 {offsets = [0, 6, 0], sizes = [4, 1, 256], strides = [1, 1, 1]} : vector<4x10x256xf32> to vector<4x1x256xf32>
    %broadcast_in_dim3A_1285 = vector.shape_cast %slice3A_1284 : vector<4x1x256xf32> to vector<4x1x256xf32>
    %broadcast_in_dim3A_1286 = vector.broadcast %broadcast_in_dim3A_1285 : vector<4x1x256xf32> to vector<4x32x256xf32>
    %reshape3A_1287 = vector.shape_cast %broadcast_in_dim3A_1286 : vector<4x32x256xf32> to vector<128x256xf32>
    %mul3A_1288 = arith.mulf %reshape3A_1287, %add3A_645 : vector<128x256xf32>
    %add3A_1289 = arith.addf %add3A_1283, %mul3A_1288 : vector<128x256xf32>
    %slice3A_1290 = vector.extract_strided_slice %div3A_1248 {offsets = [0, 7, 0], sizes = [4, 1, 256], strides = [1, 1, 1]} : vector<4x10x256xf32> to vector<4x1x256xf32>
    %broadcast_in_dim3A_1291 = vector.shape_cast %slice3A_1290 : vector<4x1x256xf32> to vector<4x1x256xf32>
    %broadcast_in_dim3A_1292 = vector.broadcast %broadcast_in_dim3A_1291 : vector<4x1x256xf32> to vector<4x32x256xf32>
    %reshape3A_1293 = vector.shape_cast %broadcast_in_dim3A_1292 : vector<4x32x256xf32> to vector<128x256xf32>
    %mul3A_1294 = arith.mulf %reshape3A_1293, %add3A_649 : vector<128x256xf32>
    %add3A_1295 = arith.addf %add3A_1289, %mul3A_1294 : vector<128x256xf32>
    %slice3A_1296 = vector.extract_strided_slice %div3A_1248 {offsets = [0, 8, 0], sizes = [4, 1, 256], strides = [1, 1, 1]} : vector<4x10x256xf32> to vector<4x1x256xf32>
    %broadcast_in_dim3A_1297 = vector.shape_cast %slice3A_1296 : vector<4x1x256xf32> to vector<4x1x256xf32>
    %broadcast_in_dim3A_1298 = vector.broadcast %broadcast_in_dim3A_1297 : vector<4x1x256xf32> to vector<4x32x256xf32>
    %reshape3A_1299 = vector.shape_cast %broadcast_in_dim3A_1298 : vector<4x32x256xf32> to vector<128x256xf32>
    %mul3A_1300 = arith.mulf %reshape3A_1299, %add3A_653 : vector<128x256xf32>
    %add3A_1301 = arith.addf %add3A_1295, %mul3A_1300 : vector<128x256xf32>
    %slice3A_1302 = vector.extract_strided_slice %div3A_1248 {offsets = [0, 9, 0], sizes = [4, 1, 256], strides = [1, 1, 1]} : vector<4x10x256xf32> to vector<4x1x256xf32>
    %broadcast_in_dim3A_1303 = vector.shape_cast %slice3A_1302 : vector<4x1x256xf32> to vector<4x1x256xf32>
    %broadcast_in_dim3A_1304 = vector.broadcast %broadcast_in_dim3A_1303 : vector<4x1x256xf32> to vector<4x32x256xf32>
    %reshape3A_1305 = vector.shape_cast %broadcast_in_dim3A_1304 : vector<4x32x256xf32> to vector<128x256xf32>
    %mul3A_1306 = arith.mulf %reshape3A_1305, %add3A_657 : vector<128x256xf32>
    %add3A_1307 = arith.addf %add3A_1301, %mul3A_1306 : vector<128x256xf32>
    %dot_general3A_1308 = arith.constant dense<0.000000e+00> : vector<128x256xf32>
    %dot_general3A_1309 = tpu.matmul %get3A_525, %add3A_1307, %dot_general3A_1308 {dimension_numbers = #tpu.dot_dimension_numbers<[1], [0], [0], [1], [0, 0, 1, 1], [], []>, transpose_lhs_hint = false} : vector<128x128xf32>, vector<128x256xf32>, vector<128x256xf32> -> vector<128x256xf32>
    %add3A_1310 = vector.broadcast %get3A_537 : vector<128x1xf32> to vector<128x256xf32>
    %add3A_1311 = arith.addf %dot_general3A_1309, %add3A_1310 : vector<128x256xf32>
    %add3A_1312 = arith.addf %add3A_1311, %transpose3A_253 : vector<128x256xf32>
    %transpose3A_1313 = tpu.transpose %add3A_1312, [1, 0] : vector<128x256xf32> -> vector<256x128xf32>
    %swap3A_1314 = arith.constant 0 : index
    %swap3A_1315 = arith.constant 512 : index
    %swap3A_1316 = vector.load %arg14[%swap3A_1314, %swap3A_1315] : memref<256x1280xf32, #tpu.memory_space<vmem>>, vector<256x128xf32>
    tpu.vector_store %arg14[%swap3A_1314, %swap3A_1315], %transpose3A_1313 {strides = array<i32>} : memref<256x1280xf32, #tpu.memory_space<vmem>>, vector<256x128xf32>,
    %mul3A_1317 = arith.mulf %add3A_561, %add3A_581 : vector<128x256xf32>
    %reshape3A_1318 = vector.shape_cast %mul3A_1317 : vector<128x256xf32> to vector<4x32x256xf32>
    %reduce_sum3A_1319 = arith.constant dense<0.000000e+00> : vector<4x256xf32>
    %reduce_sum3A_1320 = vector.multi_reduction <add>, %reshape3A_1318, %reduce_sum3A_1319 [1] : vector<4x32x256xf32> to vector<4x256xf32>
    %mul3A_1321 = arith.mulf %add3A_561, %add3A_585 : vector<128x256xf32>
    %reshape3A_1322 = vector.shape_cast %mul3A_1321 : vector<128x256xf32> to vector<4x32x256xf32>
    %reduce_sum3A_1323 = arith.constant dense<0.000000e+00> : vector<4x256xf32>
    %reduce_sum3A_1324 = vector.multi_reduction <add>, %reshape3A_1322, %reduce_sum3A_1323 [1] : vector<4x32x256xf32> to vector<4x256xf32>
    %mul3A_1325 = arith.mulf %add3A_561, %add3A_589 : vector<128x256xf32>
    %reshape3A_1326 = vector.shape_cast %mul3A_1325 : vector<128x256xf32> to vector<4x32x256xf32>
    %reduce_sum3A_1327 = arith.constant dense<0.000000e+00> : vector<4x256xf32>
    %reduce_sum3A_1328 = vector.multi_reduction <add>, %reshape3A_1326, %reduce_sum3A_1327 [1] : vector<4x32x256xf32> to vector<4x256xf32>
    %mul3A_1329 = arith.mulf %add3A_561, %add3A_593 : vector<128x256xf32>
    %reshape3A_1330 = vector.shape_cast %mul3A_1329 : vector<128x256xf32> to vector<4x32x256xf32>
    %reduce_sum3A_1331 = arith.constant dense<0.000000e+00> : vector<4x256xf32>
    %reduce_sum3A_1332 = vector.multi_reduction <add>, %reshape3A_1330, %reduce_sum3A_1331 [1] : vector<4x32x256xf32> to vector<4x256xf32>
    %mul3A_1333 = arith.mulf %add3A_561, %add3A_597 : vector<128x256xf32>
    %reshape3A_1334 = vector.shape_cast %mul3A_1333 : vector<128x256xf32> to vector<4x32x256xf32>
    %reduce_sum3A_1335 = arith.constant dense<0.000000e+00> : vector<4x256xf32>
    %reduce_sum3A_1336 = vector.multi_reduction <add>, %reshape3A_1334, %reduce_sum3A_1335 [1] : vector<4x32x256xf32> to vector<4x256xf32>
    %mul3A_1337 = arith.mulf %add3A_561, %add3A_601 : vector<128x256xf32>
    %reshape3A_1338 = vector.shape_cast %mul3A_1337 : vector<128x256xf32> to vector<4x32x256xf32>
    %reduce_sum3A_1339 = arith.constant dense<0.000000e+00> : vector<4x256xf32>
    %reduce_sum3A_1340 = vector.multi_reduction <add>, %reshape3A_1338, %reduce_sum3A_1339 [1] : vector<4x32x256xf32> to vector<4x256xf32>
    %mul3A_1341 = arith.mulf %add3A_561, %add3A_605 : vector<128x256xf32>
    %reshape3A_1342 = vector.shape_cast %mul3A_1341 : vector<128x256xf32> to vector<4x32x256xf32>
    %reduce_sum3A_1343 = arith.constant dense<0.000000e+00> : vector<4x256xf32>
    %reduce_sum3A_1344 = vector.multi_reduction <add>, %reshape3A_1342, %reduce_sum3A_1343 [1] : vector<4x32x256xf32> to vector<4x256xf32>
    %mul3A_1345 = arith.mulf %add3A_561, %add3A_609 : vector<128x256xf32>
    %reshape3A_1346 = vector.shape_cast %mul3A_1345 : vector<128x256xf32> to vector<4x32x256xf32>
    %reduce_sum3A_1347 = arith.constant dense<0.000000e+00> : vector<4x256xf32>
    %reduce_sum3A_1348 = vector.multi_reduction <add>, %reshape3A_1346, %reduce_sum3A_1347 [1] : vector<4x32x256xf32> to vector<4x256xf32>
    %mul3A_1349 = arith.mulf %add3A_561, %add3A_613 : vector<128x256xf32>
    %reshape3A_1350 = vector.shape_cast %mul3A_1349 : vector<128x256xf32> to vector<4x32x256xf32>
    %reduce_sum3A_1351 = arith.constant dense<0.000000e+00> : vector<4x256xf32>
    %reduce_sum3A_1352 = vector.multi_reduction <add>, %reshape3A_1350, %reduce_sum3A_1351 [1] : vector<4x32x256xf32> to vector<4x256xf32>
    %mul3A_1353 = arith.mulf %add3A_561, %add3A_617 : vector<128x256xf32>
    %reshape3A_1354 = vector.shape_cast %mul3A_1353 : vector<128x256xf32> to vector<4x32x256xf32>
    %reduce_sum3A_1355 = arith.constant dense<0.000000e+00> : vector<4x256xf32>
    %reduce_sum3A_1356 = vector.multi_reduction <add>, %reshape3A_1354, %reduce_sum3A_1355 [1] : vector<4x32x256xf32> to vector<4x256xf32>
    %stack3A_1357 = vector.shape_cast %reduce_sum3A_1320 : vector<4x256xf32> to vector<4x1x256xf32>
    %stack3A_1358 = vector.shape_cast %reduce_sum3A_1324 : vector<4x256xf32> to vector<4x1x256xf32>
    %stack3A_1359 = vector.shape_cast %reduce_sum3A_1328 : vector<4x256xf32> to vector<4x1x256xf32>
    %stack3A_1360 = vector.shape_cast %reduce_sum3A_1332 : vector<4x256xf32> to vector<4x1x256xf32>
    %stack3A_1361 = vector.shape_cast %reduce_sum3A_1336 : vector<4x256xf32> to vector<4x1x256xf32>
    %stack3A_1362 = vector.shape_cast %reduce_sum3A_1340 : vector<4x256xf32> to vector<4x1x256xf32>
    %stack3A_1363 = vector.shape_cast %reduce_sum3A_1344 : vector<4x256xf32> to vector<4x1x256xf32>
    %stack3A_1364 = vector.shape_cast %reduce_sum3A_1348 : vector<4x256xf32> to vector<4x1x256xf32>
    %stack3A_1365 = vector.shape_cast %reduce_sum3A_1352 : vector<4x256xf32> to vector<4x1x256xf32>
    %stack3A_1366 = vector.shape_cast %reduce_sum3A_1356 : vector<4x256xf32> to vector<4x1x256xf32>
    %stack3A_1367 = tpu.concatenate %stack3A_1357, %stack3A_1358, %stack3A_1359, %stack3A_1360, %stack3A_1361, %stack3A_1362, %stack3A_1363, %stack3A_1364, %stack3A_1365, %stack3A_1366 in 1 : vector<4x1x256xf32>, vector<4x1x256xf32>, vector<4x1x256xf32>, vector<4x1x256xf32>, vector<4x1x256xf32>, vector<4x1x256xf32>, vector<4x1x256xf32>, vector<4x1x256xf32>, vector<4x1x256xf32>, vector<4x1x256xf32> -> vector<4x10x256xf32>
    %mul3A_1368 = arith.constant 0.176776692 : f32
    %mul3A_1369 = vector.broadcast %mul3A_1368 : f32 to vector<4x10x256xf32>
    %mul3A_1370 = arith.mulf %stack3A_1367, %mul3A_1369 : vector<4x10x256xf32>
    %reduce_max3A_1371 = arith.constant dense<0xFF800000> : vector<4x256xf32>
    %reduce_max3A_1372 = vector.multi_reduction <maximumf>, %mul3A_1370, %reduce_max3A_1371 [1] : vector<4x10x256xf32> to vector<4x256xf32>
    %broadcast_in_dim3A_1373 = vector.shape_cast %reduce_max3A_1372 : vector<4x256xf32> to vector<4x1x256xf32>
    %sub3A_1374 = vector.broadcast %broadcast_in_dim3A_1373 : vector<4x1x256xf32> to vector<4x10x256xf32>
    %sub3A_1375 = arith.subf %mul3A_1370, %sub3A_1374 : vector<4x10x256xf32>
    %exp3A_1376 = math.exp %sub3A_1375 : vector<4x10x256xf32>
    %reduce_sum3A_1377 = arith.constant dense<0.000000e+00> : vector<4x256xf32>
    %reduce_sum3A_1378 = vector.multi_reduction <add>, %exp3A_1376, %reduce_sum3A_1377 [1] : vector<4x10x256xf32> to vector<4x256xf32>
    %broadcast_in_dim3A_1379 = vector.shape_cast %reduce_sum3A_1378 : vector<4x256xf32> to vector<4x1x256xf32>
    %div3A_1380 = vector.broadcast %broadcast_in_dim3A_1379 : vector<4x1x256xf32> to vector<4x10x256xf32>
    %div3A_1381 = arith.divf %exp3A_1376, %div3A_1380 : vector<4x10x256xf32>
    %slice3A_1382 = vector.extract_strided_slice %div3A_1381 {offsets = [0, 0, 0], sizes = [4, 1, 256], strides = [1, 1, 1]} : vector<4x10x256xf32> to vector<4x1x256xf32>
    %broadcast_in_dim3A_1383 = vector.shape_cast %slice3A_1382 : vector<4x1x256xf32> to vector<4x1x256xf32>
    %broadcast_in_dim3A_1384 = vector.broadcast %broadcast_in_dim3A_1383 : vector<4x1x256xf32> to vector<4x32x256xf32>
    %reshape3A_1385 = vector.shape_cast %broadcast_in_dim3A_1384 : vector<4x32x256xf32> to vector<128x256xf32>
    %mul3A_1386 = arith.mulf %reshape3A_1385, %add3A_621 : vector<128x256xf32>
    %slice3A_1387 = vector.extract_strided_slice %div3A_1381 {offsets = [0, 1, 0], sizes = [4, 1, 256], strides = [1, 1, 1]} : vector<4x10x256xf32> to vector<4x1x256xf32>
    %broadcast_in_dim3A_1388 = vector.shape_cast %slice3A_1387 : vector<4x1x256xf32> to vector<4x1x256xf32>
    %broadcast_in_dim3A_1389 = vector.broadcast %broadcast_in_dim3A_1388 : vector<4x1x256xf32> to vector<4x32x256xf32>
    %reshape3A_1390 = vector.shape_cast %broadcast_in_dim3A_1389 : vector<4x32x256xf32> to vector<128x256xf32>
    %mul3A_1391 = arith.mulf %reshape3A_1390, %add3A_625 : vector<128x256xf32>
    %add3A_1392 = arith.addf %mul3A_1386, %mul3A_1391 : vector<128x256xf32>
    %slice3A_1393 = vector.extract_strided_slice %div3A_1381 {offsets = [0, 2, 0], sizes = [4, 1, 256], strides = [1, 1, 1]} : vector<4x10x256xf32> to vector<4x1x256xf32>
    %broadcast_in_dim3A_1394 = vector.shape_cast %slice3A_1393 : vector<4x1x256xf32> to vector<4x1x256xf32>
    %broadcast_in_dim3A_1395 = vector.broadcast %broadcast_in_dim3A_1394 : vector<4x1x256xf32> to vector<4x32x256xf32>
    %reshape3A_1396 = vector.shape_cast %broadcast_in_dim3A_1395 : vector<4x32x256xf32> to vector<128x256xf32>
    %mul3A_1397 = arith.mulf %reshape3A_1396, %add3A_629 : vector<128x256xf32>
    %add3A_1398 = arith.addf %add3A_1392, %mul3A_1397 : vector<128x256xf32>
    %slice3A_1399 = vector.extract_strided_slice %div3A_1381 {offsets = [0, 3, 0], sizes = [4, 1, 256], strides = [1, 1, 1]} : vector<4x10x256xf32> to vector<4x1x256xf32>
    %broadcast_in_dim3A_1400 = vector.shape_cast %slice3A_1399 : vector<4x1x256xf32> to vector<4x1x256xf32>
    %broadcast_in_dim3A_1401 = vector.broadcast %broadcast_in_dim3A_1400 : vector<4x1x256xf32> to vector<4x32x256xf32>
    %reshape3A_1402 = vector.shape_cast %broadcast_in_dim3A_1401 : vector<4x32x256xf32> to vector<128x256xf32>
    %mul3A_1403 = arith.mulf %reshape3A_1402, %add3A_633 : vector<128x256xf32>
    %add3A_1404 = arith.addf %add3A_1398, %mul3A_1403 : vector<128x256xf32>
    %slice3A_1405 = vector.extract_strided_slice %div3A_1381 {offsets = [0, 4, 0], sizes = [4, 1, 256], strides = [1, 1, 1]} : vector<4x10x256xf32> to vector<4x1x256xf32>
    %broadcast_in_dim3A_1406 = vector.shape_cast %slice3A_1405 : vector<4x1x256xf32> to vector<4x1x256xf32>
    %broadcast_in_dim3A_1407 = vector.broadcast %broadcast_in_dim3A_1406 : vector<4x1x256xf32> to vector<4x32x256xf32>
    %reshape3A_1408 = vector.shape_cast %broadcast_in_dim3A_1407 : vector<4x32x256xf32> to vector<128x256xf32>
    %mul3A_1409 = arith.mulf %reshape3A_1408, %add3A_637 : vector<128x256xf32>
    %add3A_1410 = arith.addf %add3A_1404, %mul3A_1409 : vector<128x256xf32>
    %slice3A_1411 = vector.extract_strided_slice %div3A_1381 {offsets = [0, 5, 0], sizes = [4, 1, 256], strides = [1, 1, 1]} : vector<4x10x256xf32> to vector<4x1x256xf32>
    %broadcast_in_dim3A_1412 = vector.shape_cast %slice3A_1411 : vector<4x1x256xf32> to vector<4x1x256xf32>
    %broadcast_in_dim3A_1413 = vector.broadcast %broadcast_in_dim3A_1412 : vector<4x1x256xf32> to vector<4x32x256xf32>
    %reshape3A_1414 = vector.shape_cast %broadcast_in_dim3A_1413 : vector<4x32x256xf32> to vector<128x256xf32>
    %mul3A_1415 = arith.mulf %reshape3A_1414, %add3A_641 : vector<128x256xf32>
    %add3A_1416 = arith.addf %add3A_1410, %mul3A_1415 : vector<128x256xf32>
    %slice3A_1417 = vector.extract_strided_slice %div3A_1381 {offsets = [0, 6, 0], sizes = [4, 1, 256], strides = [1, 1, 1]} : vector<4x10x256xf32> to vector<4x1x256xf32>
    %broadcast_in_dim3A_1418 = vector.shape_cast %slice3A_1417 : vector<4x1x256xf32> to vector<4x1x256xf32>
    %broadcast_in_dim3A_1419 = vector.broadcast %broadcast_in_dim3A_1418 : vector<4x1x256xf32> to vector<4x32x256xf32>
    %reshape3A_1420 = vector.shape_cast %broadcast_in_dim3A_1419 : vector<4x32x256xf32> to vector<128x256xf32>
    %mul3A_1421 = arith.mulf %reshape3A_1420, %add3A_645 : vector<128x256xf32>
    %add3A_1422 = arith.addf %add3A_1416, %mul3A_1421 : vector<128x256xf32>
    %slice3A_1423 = vector.extract_strided_slice %div3A_1381 {offsets = [0, 7, 0], sizes = [4, 1, 256], strides = [1, 1, 1]} : vector<4x10x256xf32> to vector<4x1x256xf32>
    %broadcast_in_dim3A_1424 = vector.shape_cast %slice3A_1423 : vector<4x1x256xf32> to vector<4x1x256xf32>
    %broadcast_in_dim3A_1425 = vector.broadcast %broadcast_in_dim3A_1424 : vector<4x1x256xf32> to vector<4x32x256xf32>
    %reshape3A_1426 = vector.shape_cast %broadcast_in_dim3A_1425 : vector<4x32x256xf32> to vector<128x256xf32>
    %mul3A_1427 = arith.mulf %reshape3A_1426, %add3A_649 : vector<128x256xf32>
    %add3A_1428 = arith.addf %add3A_1422, %mul3A_1427 : vector<128x256xf32>
    %slice3A_1429 = vector.extract_strided_slice %div3A_1381 {offsets = [0, 8, 0], sizes = [4, 1, 256], strides = [1, 1, 1]} : vector<4x10x256xf32> to vector<4x1x256xf32>
    %broadcast_in_dim3A_1430 = vector.shape_cast %slice3A_1429 : vector<4x1x256xf32> to vector<4x1x256xf32>
    %broadcast_in_dim3A_1431 = vector.broadcast %broadcast_in_dim3A_1430 : vector<4x1x256xf32> to vector<4x32x256xf32>
    %reshape3A_1432 = vector.shape_cast %broadcast_in_dim3A_1431 : vector<4x32x256xf32> to vector<128x256xf32>
    %mul3A_1433 = arith.mulf %reshape3A_1432, %add3A_653 : vector<128x256xf32>
    %add3A_1434 = arith.addf %add3A_1428, %mul3A_1433 : vector<128x256xf32>
    %slice3A_1435 = vector.extract_strided_slice %div3A_1381 {offsets = [0, 9, 0], sizes = [4, 1, 256], strides = [1, 1, 1]} : vector<4x10x256xf32> to vector<4x1x256xf32>
    %broadcast_in_dim3A_1436 = vector.shape_cast %slice3A_1435 : vector<4x1x256xf32> to vector<4x1x256xf32>
    %broadcast_in_dim3A_1437 = vector.broadcast %broadcast_in_dim3A_1436 : vector<4x1x256xf32> to vector<4x32x256xf32>
    %reshape3A_1438 = vector.shape_cast %broadcast_in_dim3A_1437 : vector<4x32x256xf32> to vector<128x256xf32>
    %mul3A_1439 = arith.mulf %reshape3A_1438, %add3A_657 : vector<128x256xf32>
    %add3A_1440 = arith.addf %add3A_1434, %mul3A_1439 : vector<128x256xf32>
    %dot_general3A_1441 = arith.constant dense<0.000000e+00> : vector<128x256xf32>
    %dot_general3A_1442 = tpu.matmul %get3A_525, %add3A_1440, %dot_general3A_1441 {dimension_numbers = #tpu.dot_dimension_numbers<[1], [0], [0], [1], [0, 0, 1, 1], [], []>, transpose_lhs_hint = false} : vector<128x128xf32>, vector<128x256xf32>, vector<128x256xf32> -> vector<128x256xf32>
    %add3A_1443 = vector.broadcast %get3A_537 : vector<128x1xf32> to vector<128x256xf32>
    %add3A_1444 = arith.addf %dot_general3A_1442, %add3A_1443 : vector<128x256xf32>
    %add3A_1445 = arith.addf %add3A_1444, %transpose3A_305 : vector<128x256xf32>
    %transpose3A_1446 = tpu.transpose %add3A_1445, [1, 0] : vector<128x256xf32> -> vector<256x128xf32>
    %swap3A_1447 = arith.constant 0 : index
    %swap3A_1448 = arith.constant 640 : index
    %swap3A_1449 = vector.load %arg14[%swap3A_1447, %swap3A_1448] : memref<256x1280xf32, #tpu.memory_space<vmem>>, vector<256x128xf32>
    tpu.vector_store %arg14[%swap3A_1447, %swap3A_1448], %transpose3A_1446 {strides = array<i32>} : memref<256x1280xf32, #tpu.memory_space<vmem>>, vector<256x128xf32>,
    %mul3A_1450 = arith.mulf %add3A_565, %add3A_581 : vector<128x256xf32>
    %reshape3A_1451 = vector.shape_cast %mul3A_1450 : vector<128x256xf32> to vector<4x32x256xf32>
    %reduce_sum3A_1452 = arith.constant dense<0.000000e+00> : vector<4x256xf32>
    %reduce_sum3A_1453 = vector.multi_reduction <add>, %reshape3A_1451, %reduce_sum3A_1452 [1] : vector<4x32x256xf32> to vector<4x256xf32>
    %mul3A_1454 = arith.mulf %add3A_565, %add3A_585 : vector<128x256xf32>
    %reshape3A_1455 = vector.shape_cast %mul3A_1454 : vector<128x256xf32> to vector<4x32x256xf32>
    %reduce_sum3A_1456 = arith.constant dense<0.000000e+00> : vector<4x256xf32>
    %reduce_sum3A_1457 = vector.multi_reduction <add>, %reshape3A_1455, %reduce_sum3A_1456 [1] : vector<4x32x256xf32> to vector<4x256xf32>
    %mul3A_1458 = arith.mulf %add3A_565, %add3A_589 : vector<128x256xf32>
    %reshape3A_1459 = vector.shape_cast %mul3A_1458 : vector<128x256xf32> to vector<4x32x256xf32>
    %reduce_sum3A_1460 = arith.constant dense<0.000000e+00> : vector<4x256xf32>
    %reduce_sum3A_1461 = vector.multi_reduction <add>, %reshape3A_1459, %reduce_sum3A_1460 [1] : vector<4x32x256xf32> to vector<4x256xf32>
    %mul3A_1462 = arith.mulf %add3A_565, %add3A_593 : vector<128x256xf32>
    %reshape3A_1463 = vector.shape_cast %mul3A_1462 : vector<128x256xf32> to vector<4x32x256xf32>
    %reduce_sum3A_1464 = arith.constant dense<0.000000e+00> : vector<4x256xf32>
    %reduce_sum3A_1465 = vector.multi_reduction <add>, %reshape3A_1463, %reduce_sum3A_1464 [1] : vector<4x32x256xf32> to vector<4x256xf32>
    %mul3A_1466 = arith.mulf %add3A_565, %add3A_597 : vector<128x256xf32>
    %reshape3A_1467 = vector.shape_cast %mul3A_1466 : vector<128x256xf32> to vector<4x32x256xf32>
    %reduce_sum3A_1468 = arith.constant dense<0.000000e+00> : vector<4x256xf32>
    %reduce_sum3A_1469 = vector.multi_reduction <add>, %reshape3A_1467, %reduce_sum3A_1468 [1] : vector<4x32x256xf32> to vector<4x256xf32>
    %mul3A_1470 = arith.mulf %add3A_565, %add3A_601 : vector<128x256xf32>
    %reshape3A_1471 = vector.shape_cast %mul3A_1470 : vector<128x256xf32> to vector<4x32x256xf32>
    %reduce_sum3A_1472 = arith.constant dense<0.000000e+00> : vector<4x256xf32>
    %reduce_sum3A_1473 = vector.multi_reduction <add>, %reshape3A_1471, %reduce_sum3A_1472 [1] : vector<4x32x256xf32> to vector<4x256xf32>
    %mul3A_1474 = arith.mulf %add3A_565, %add3A_605 : vector<128x256xf32>
    %reshape3A_1475 = vector.shape_cast %mul3A_1474 : vector<128x256xf32> to vector<4x32x256xf32>
    %reduce_sum3A_1476 = arith.constant dense<0.000000e+00> : vector<4x256xf32>
    %reduce_sum3A_1477 = vector.multi_reduction <add>, %reshape3A_1475, %reduce_sum3A_1476 [1] : vector<4x32x256xf32> to vector<4x256xf32>
    %mul3A_1478 = arith.mulf %add3A_565, %add3A_609 : vector<128x256xf32>
    %reshape3A_1479 = vector.shape_cast %mul3A_1478 : vector<128x256xf32> to vector<4x32x256xf32>
    %reduce_sum3A_1480 = arith.constant dense<0.000000e+00> : vector<4x256xf32>
    %reduce_sum3A_1481 = vector.multi_reduction <add>, %reshape3A_1479, %reduce_sum3A_1480 [1] : vector<4x32x256xf32> to vector<4x256xf32>
    %mul3A_1482 = arith.mulf %add3A_565, %add3A_613 : vector<128x256xf32>
    %reshape3A_1483 = vector.shape_cast %mul3A_1482 : vector<128x256xf32> to vector<4x32x256xf32>
    %reduce_sum3A_1484 = arith.constant dense<0.000000e+00> : vector<4x256xf32>
    %reduce_sum3A_1485 = vector.multi_reduction <add>, %reshape3A_1483, %reduce_sum3A_1484 [1] : vector<4x32x256xf32> to vector<4x256xf32>
    %mul3A_1486 = arith.mulf %add3A_565, %add3A_617 : vector<128x256xf32>
    %reshape3A_1487 = vector.shape_cast %mul3A_1486 : vector<128x256xf32> to vector<4x32x256xf32>
    %reduce_sum3A_1488 = arith.constant dense<0.000000e+00> : vector<4x256xf32>
    %reduce_sum3A_1489 = vector.multi_reduction <add>, %reshape3A_1487, %reduce_sum3A_1488 [1] : vector<4x32x256xf32> to vector<4x256xf32>
    %stack3A_1490 = vector.shape_cast %reduce_sum3A_1453 : vector<4x256xf32> to vector<4x1x256xf32>
    %stack3A_1491 = vector.shape_cast %reduce_sum3A_1457 : vector<4x256xf32> to vector<4x1x256xf32>
    %stack3A_1492 = vector.shape_cast %reduce_sum3A_1461 : vector<4x256xf32> to vector<4x1x256xf32>
    %stack3A_1493 = vector.shape_cast %reduce_sum3A_1465 : vector<4x256xf32> to vector<4x1x256xf32>
    %stack3A_1494 = vector.shape_cast %reduce_sum3A_1469 : vector<4x256xf32> to vector<4x1x256xf32>
    %stack3A_1495 = vector.shape_cast %reduce_sum3A_1473 : vector<4x256xf32> to vector<4x1x256xf32>
    %stack3A_1496 = vector.shape_cast %reduce_sum3A_1477 : vector<4x256xf32> to vector<4x1x256xf32>
    %stack3A_1497 = vector.shape_cast %reduce_sum3A_1481 : vector<4x256xf32> to vector<4x1x256xf32>
    %stack3A_1498 = vector.shape_cast %reduce_sum3A_1485 : vector<4x256xf32> to vector<4x1x256xf32>
    %stack3A_1499 = vector.shape_cast %reduce_sum3A_1489 : vector<4x256xf32> to vector<4x1x256xf32>
    %stack3A_1500 = tpu.concatenate %stack3A_1490, %stack3A_1491, %stack3A_1492, %stack3A_1493, %stack3A_1494, %stack3A_1495, %stack3A_1496, %stack3A_1497, %stack3A_1498, %stack3A_1499 in 1 : vector<4x1x256xf32>, vector<4x1x256xf32>, vector<4x1x256xf32>, vector<4x1x256xf32>, vector<4x1x256xf32>, vector<4x1x256xf32>, vector<4x1x256xf32>, vector<4x1x256xf32>, vector<4x1x256xf32>, vector<4x1x256xf32> -> vector<4x10x256xf32>
    %mul3A_1501 = arith.constant 0.176776692 : f32
    %mul3A_1502 = vector.broadcast %mul3A_1501 : f32 to vector<4x10x256xf32>
    %mul3A_1503 = arith.mulf %stack3A_1500, %mul3A_1502 : vector<4x10x256xf32>
    %reduce_max3A_1504 = arith.constant dense<0xFF800000> : vector<4x256xf32>
    %reduce_max3A_1505 = vector.multi_reduction <maximumf>, %mul3A_1503, %reduce_max3A_1504 [1] : vector<4x10x256xf32> to vector<4x256xf32>
    %broadcast_in_dim3A_1506 = vector.shape_cast %reduce_max3A_1505 : vector<4x256xf32> to vector<4x1x256xf32>
    %sub3A_1507 = vector.broadcast %broadcast_in_dim3A_1506 : vector<4x1x256xf32> to vector<4x10x256xf32>
    %sub3A_1508 = arith.subf %mul3A_1503, %sub3A_1507 : vector<4x10x256xf32>
    %exp3A_1509 = math.exp %sub3A_1508 : vector<4x10x256xf32>
    %reduce_sum3A_1510 = arith.constant dense<0.000000e+00> : vector<4x256xf32>
    %reduce_sum3A_1511 = vector.multi_reduction <add>, %exp3A_1509, %reduce_sum3A_1510 [1] : vector<4x10x256xf32> to vector<4x256xf32>
    %broadcast_in_dim3A_1512 = vector.shape_cast %reduce_sum3A_1511 : vector<4x256xf32> to vector<4x1x256xf32>
    %div3A_1513 = vector.broadcast %broadcast_in_dim3A_1512 : vector<4x1x256xf32> to vector<4x10x256xf32>
    %div3A_1514 = arith.divf %exp3A_1509, %div3A_1513 : vector<4x10x256xf32>
    %slice3A_1515 = vector.extract_strided_slice %div3A_1514 {offsets = [0, 0, 0], sizes = [4, 1, 256], strides = [1, 1, 1]} : vector<4x10x256xf32> to vector<4x1x256xf32>
    %broadcast_in_dim3A_1516 = vector.shape_cast %slice3A_1515 : vector<4x1x256xf32> to vector<4x1x256xf32>
    %broadcast_in_dim3A_1517 = vector.broadcast %broadcast_in_dim3A_1516 : vector<4x1x256xf32> to vector<4x32x256xf32>
    %reshape3A_1518 = vector.shape_cast %broadcast_in_dim3A_1517 : vector<4x32x256xf32> to vector<128x256xf32>
    %mul3A_1519 = arith.mulf %reshape3A_1518, %add3A_621 : vector<128x256xf32>
    %slice3A_1520 = vector.extract_strided_slice %div3A_1514 {offsets = [0, 1, 0], sizes = [4, 1, 256], strides = [1, 1, 1]} : vector<4x10x256xf32> to vector<4x1x256xf32>
    %broadcast_in_dim3A_1521 = vector.shape_cast %slice3A_1520 : vector<4x1x256xf32> to vector<4x1x256xf32>
    %broadcast_in_dim3A_1522 = vector.broadcast %broadcast_in_dim3A_1521 : vector<4x1x256xf32> to vector<4x32x256xf32>
    %reshape3A_1523 = vector.shape_cast %broadcast_in_dim3A_1522 : vector<4x32x256xf32> to vector<128x256xf32>
    %mul3A_1524 = arith.mulf %reshape3A_1523, %add3A_625 : vector<128x256xf32>
    %add3A_1525 = arith.addf %mul3A_1519, %mul3A_1524 : vector<128x256xf32>
    %slice3A_1526 = vector.extract_strided_slice %div3A_1514 {offsets = [0, 2, 0], sizes = [4, 1, 256], strides = [1, 1, 1]} : vector<4x10x256xf32> to vector<4x1x256xf32>
    %broadcast_in_dim3A_1527 = vector.shape_cast %slice3A_1526 : vector<4x1x256xf32> to vector<4x1x256xf32>
    %broadcast_in_dim3A_1528 = vector.broadcast %broadcast_in_dim3A_1527 : vector<4x1x256xf32> to vector<4x32x256xf32>
    %reshape3A_1529 = vector.shape_cast %broadcast_in_dim3A_1528 : vector<4x32x256xf32> to vector<128x256xf32>
    %mul3A_1530 = arith.mulf %reshape3A_1529, %add3A_629 : vector<128x256xf32>
    %add3A_1531 = arith.addf %add3A_1525, %mul3A_1530 : vector<128x256xf32>
    %slice3A_1532 = vector.extract_strided_slice %div3A_1514 {offsets = [0, 3, 0], sizes = [4, 1, 256], strides = [1, 1, 1]} : vector<4x10x256xf32> to vector<4x1x256xf32>
    %broadcast_in_dim3A_1533 = vector.shape_cast %slice3A_1532 : vector<4x1x256xf32> to vector<4x1x256xf32>
    %broadcast_in_dim3A_1534 = vector.broadcast %broadcast_in_dim3A_1533 : vector<4x1x256xf32> to vector<4x32x256xf32>
    %reshape3A_1535 = vector.shape_cast %broadcast_in_dim3A_1534 : vector<4x32x256xf32> to vector<128x256xf32>
    %mul3A_1536 = arith.mulf %reshape3A_1535, %add3A_633 : vector<128x256xf32>
    %add3A_1537 = arith.addf %add3A_1531, %mul3A_1536 : vector<128x256xf32>
    %slice3A_1538 = vector.extract_strided_slice %div3A_1514 {offsets = [0, 4, 0], sizes = [4, 1, 256], strides = [1, 1, 1]} : vector<4x10x256xf32> to vector<4x1x256xf32>
    %broadcast_in_dim3A_1539 = vector.shape_cast %slice3A_1538 : vector<4x1x256xf32> to vector<4x1x256xf32>
    %broadcast_in_dim3A_1540 = vector.broadcast %broadcast_in_dim3A_1539 : vector<4x1x256xf32> to vector<4x32x256xf32>
    %reshape3A_1541 = vector.shape_cast %broadcast_in_dim3A_1540 : vector<4x32x256xf32> to vector<128x256xf32>
    %mul3A_1542 = arith.mulf %reshape3A_1541, %add3A_637 : vector<128x256xf32>
    %add3A_1543 = arith.addf %add3A_1537, %mul3A_1542 : vector<128x256xf32>
    %slice3A_1544 = vector.extract_strided_slice %div3A_1514 {offsets = [0, 5, 0], sizes = [4, 1, 256], strides = [1, 1, 1]} : vector<4x10x256xf32> to vector<4x1x256xf32>
    %broadcast_in_dim3A_1545 = vector.shape_cast %slice3A_1544 : vector<4x1x256xf32> to vector<4x1x256xf32>
    %broadcast_in_dim3A_1546 = vector.broadcast %broadcast_in_dim3A_1545 : vector<4x1x256xf32> to vector<4x32x256xf32>
    %reshape3A_1547 = vector.shape_cast %broadcast_in_dim3A_1546 : vector<4x32x256xf32> to vector<128x256xf32>
    %mul3A_1548 = arith.mulf %reshape3A_1547, %add3A_641 : vector<128x256xf32>
    %add3A_1549 = arith.addf %add3A_1543, %mul3A_1548 : vector<128x256xf32>
    %slice3A_1550 = vector.extract_strided_slice %div3A_1514 {offsets = [0, 6, 0], sizes = [4, 1, 256], strides = [1, 1, 1]} : vector<4x10x256xf32> to vector<4x1x256xf32>
    %broadcast_in_dim3A_1551 = vector.shape_cast %slice3A_1550 : vector<4x1x256xf32> to vector<4x1x256xf32>
    %broadcast_in_dim3A_1552 = vector.broadcast %broadcast_in_dim3A_1551 : vector<4x1x256xf32> to vector<4x32x256xf32>
    %reshape3A_1553 = vector.shape_cast %broadcast_in_dim3A_1552 : vector<4x32x256xf32> to vector<128x256xf32>
    %mul3A_1554 = arith.mulf %reshape3A_1553, %add3A_645 : vector<128x256xf32>
    %add3A_1555 = arith.addf %add3A_1549, %mul3A_1554 : vector<128x256xf32>
    %slice3A_1556 = vector.extract_strided_slice %div3A_1514 {offsets = [0, 7, 0], sizes = [4, 1, 256], strides = [1, 1, 1]} : vector<4x10x256xf32> to vector<4x1x256xf32>
    %broadcast_in_dim3A_1557 = vector.shape_cast %slice3A_1556 : vector<4x1x256xf32> to vector<4x1x256xf32>
    %broadcast_in_dim3A_1558 = vector.broadcast %broadcast_in_dim3A_1557 : vector<4x1x256xf32> to vector<4x32x256xf32>
    %reshape3A_1559 = vector.shape_cast %broadcast_in_dim3A_1558 : vector<4x32x256xf32> to vector<128x256xf32>
    %mul3A_1560 = arith.mulf %reshape3A_1559, %add3A_649 : vector<128x256xf32>
    %add3A_1561 = arith.addf %add3A_1555, %mul3A_1560 : vector<128x256xf32>
    %slice3A_1562 = vector.extract_strided_slice %div3A_1514 {offsets = [0, 8, 0], sizes = [4, 1, 256], strides = [1, 1, 1]} : vector<4x10x256xf32> to vector<4x1x256xf32>
    %broadcast_in_dim3A_1563 = vector.shape_cast %slice3A_1562 : vector<4x1x256xf32> to vector<4x1x256xf32>
    %broadcast_in_dim3A_1564 = vector.broadcast %broadcast_in_dim3A_1563 : vector<4x1x256xf32> to vector<4x32x256xf32>
    %reshape3A_1565 = vector.shape_cast %broadcast_in_dim3A_1564 : vector<4x32x256xf32> to vector<128x256xf32>
    %mul3A_1566 = arith.mulf %reshape3A_1565, %add3A_653 : vector<128x256xf32>
    %add3A_1567 = arith.addf %add3A_1561, %mul3A_1566 : vector<128x256xf32>
    %slice3A_1568 = vector.extract_strided_slice %div3A_1514 {offsets = [0, 9, 0], sizes = [4, 1, 256], strides = [1, 1, 1]} : vector<4x10x256xf32> to vector<4x1x256xf32>
    %broadcast_in_dim3A_1569 = vector.shape_cast %slice3A_1568 : vector<4x1x256xf32> to vector<4x1x256xf32>
    %broadcast_in_dim3A_1570 = vector.broadcast %broadcast_in_dim3A_1569 : vector<4x1x256xf32> to vector<4x32x256xf32>
    %reshape3A_1571 = vector.shape_cast %broadcast_in_dim3A_1570 : vector<4x32x256xf32> to vector<128x256xf32>
    %mul3A_1572 = arith.mulf %reshape3A_1571, %add3A_657 : vector<128x256xf32>
    %add3A_1573 = arith.addf %add3A_1567, %mul3A_1572 : vector<128x256xf32>
    %dot_general3A_1574 = arith.constant dense<0.000000e+00> : vector<128x256xf32>
    %dot_general3A_1575 = tpu.matmul %get3A_525, %add3A_1573, %dot_general3A_1574 {dimension_numbers = #tpu.dot_dimension_numbers<[1], [0], [0], [1], [0, 0, 1, 1], [], []>, transpose_lhs_hint = false} : vector<128x128xf32>, vector<128x256xf32>, vector<128x256xf32> -> vector<128x256xf32>
    %add3A_1576 = vector.broadcast %get3A_537 : vector<128x1xf32> to vector<128x256xf32>
    %add3A_1577 = arith.addf %dot_general3A_1575, %add3A_1576 : vector<128x256xf32>
    %add3A_1578 = arith.addf %add3A_1577, %transpose3A_357 : vector<128x256xf32>
    %transpose3A_1579 = tpu.transpose %add3A_1578, [1, 0] : vector<128x256xf32> -> vector<256x128xf32>
    %swap3A_1580 = arith.constant 0 : index
    %swap3A_1581 = arith.constant 768 : index
    %swap3A_1582 = vector.load %arg14[%swap3A_1580, %swap3A_1581] : memref<256x1280xf32, #tpu.memory_space<vmem>>, vector<256x128xf32>
    tpu.vector_store %arg14[%swap3A_1580, %swap3A_1581], %transpose3A_1579 {strides = array<i32>} : memref<256x1280xf32, #tpu.memory_space<vmem>>, vector<256x128xf32>,
    %mul3A_1583 = arith.mulf %add3A_569, %add3A_581 : vector<128x256xf32>
    %reshape3A_1584 = vector.shape_cast %mul3A_1583 : vector<128x256xf32> to vector<4x32x256xf32>
    %reduce_sum3A_1585 = arith.constant dense<0.000000e+00> : vector<4x256xf32>
    %reduce_sum3A_1586 = vector.multi_reduction <add>, %reshape3A_1584, %reduce_sum3A_1585 [1] : vector<4x32x256xf32> to vector<4x256xf32>
    %mul3A_1587 = arith.mulf %add3A_569, %add3A_585 : vector<128x256xf32>
    %reshape3A_1588 = vector.shape_cast %mul3A_1587 : vector<128x256xf32> to vector<4x32x256xf32>
    %reduce_sum3A_1589 = arith.constant dense<0.000000e+00> : vector<4x256xf32>
    %reduce_sum3A_1590 = vector.multi_reduction <add>, %reshape3A_1588, %reduce_sum3A_1589 [1] : vector<4x32x256xf32> to vector<4x256xf32>
    %mul3A_1591 = arith.mulf %add3A_569, %add3A_589 : vector<128x256xf32>
    %reshape3A_1592 = vector.shape_cast %mul3A_1591 : vector<128x256xf32> to vector<4x32x256xf32>
    %reduce_sum3A_1593 = arith.constant dense<0.000000e+00> : vector<4x256xf32>
    %reduce_sum3A_1594 = vector.multi_reduction <add>, %reshape3A_1592, %reduce_sum3A_1593 [1] : vector<4x32x256xf32> to vector<4x256xf32>
    %mul3A_1595 = arith.mulf %add3A_569, %add3A_593 : vector<128x256xf32>
    %reshape3A_1596 = vector.shape_cast %mul3A_1595 : vector<128x256xf32> to vector<4x32x256xf32>
    %reduce_sum3A_1597 = arith.constant dense<0.000000e+00> : vector<4x256xf32>
    %reduce_sum3A_1598 = vector.multi_reduction <add>, %reshape3A_1596, %reduce_sum3A_1597 [1] : vector<4x32x256xf32> to vector<4x256xf32>
    %mul3A_1599 = arith.mulf %add3A_569, %add3A_597 : vector<128x256xf32>
    %reshape3A_1600 = vector.shape_cast %mul3A_1599 : vector<128x256xf32> to vector<4x32x256xf32>
    %reduce_sum3A_1601 = arith.constant dense<0.000000e+00> : vector<4x256xf32>
    %reduce_sum3A_1602 = vector.multi_reduction <add>, %reshape3A_1600, %reduce_sum3A_1601 [1] : vector<4x32x256xf32> to vector<4x256xf32>
    %mul3A_1603 = arith.mulf %add3A_569, %add3A_601 : vector<128x256xf32>
    %reshape3A_1604 = vector.shape_cast %mul3A_1603 : vector<128x256xf32> to vector<4x32x256xf32>
    %reduce_sum3A_1605 = arith.constant dense<0.000000e+00> : vector<4x256xf32>
    %reduce_sum3A_1606 = vector.multi_reduction <add>, %reshape3A_1604, %reduce_sum3A_1605 [1] : vector<4x32x256xf32> to vector<4x256xf32>
    %mul3A_1607 = arith.mulf %add3A_569, %add3A_605 : vector<128x256xf32>
    %reshape3A_1608 = vector.shape_cast %mul3A_1607 : vector<128x256xf32> to vector<4x32x256xf32>
    %reduce_sum3A_1609 = arith.constant dense<0.000000e+00> : vector<4x256xf32>
    %reduce_sum3A_1610 = vector.multi_reduction <add>, %reshape3A_1608, %reduce_sum3A_1609 [1] : vector<4x32x256xf32> to vector<4x256xf32>
    %mul3A_1611 = arith.mulf %add3A_569, %add3A_609 : vector<128x256xf32>
    %reshape3A_1612 = vector.shape_cast %mul3A_1611 : vector<128x256xf32> to vector<4x32x256xf32>
    %reduce_sum3A_1613 = arith.constant dense<0.000000e+00> : vector<4x256xf32>
    %reduce_sum3A_1614 = vector.multi_reduction <add>, %reshape3A_1612, %reduce_sum3A_1613 [1] : vector<4x32x256xf32> to vector<4x256xf32>
    %mul3A_1615 = arith.mulf %add3A_569, %add3A_613 : vector<128x256xf32>
    %reshape3A_1616 = vector.shape_cast %mul3A_1615 : vector<128x256xf32> to vector<4x32x256xf32>
    %reduce_sum3A_1617 = arith.constant dense<0.000000e+00> : vector<4x256xf32>
    %reduce_sum3A_1618 = vector.multi_reduction <add>, %reshape3A_1616, %reduce_sum3A_1617 [1] : vector<4x32x256xf32> to vector<4x256xf32>
    %mul3A_1619 = arith.mulf %add3A_569, %add3A_617 : vector<128x256xf32>
    %reshape3A_1620 = vector.shape_cast %mul3A_1619 : vector<128x256xf32> to vector<4x32x256xf32>
    %reduce_sum3A_1621 = arith.constant dense<0.000000e+00> : vector<4x256xf32>
    %reduce_sum3A_1622 = vector.multi_reduction <add>, %reshape3A_1620, %reduce_sum3A_1621 [1] : vector<4x32x256xf32> to vector<4x256xf32>
    %stack3A_1623 = vector.shape_cast %reduce_sum3A_1586 : vector<4x256xf32> to vector<4x1x256xf32>
    %stack3A_1624 = vector.shape_cast %reduce_sum3A_1590 : vector<4x256xf32> to vector<4x1x256xf32>
    %stack3A_1625 = vector.shape_cast %reduce_sum3A_1594 : vector<4x256xf32> to vector<4x1x256xf32>
    %stack3A_1626 = vector.shape_cast %reduce_sum3A_1598 : vector<4x256xf32> to vector<4x1x256xf32>
    %stack3A_1627 = vector.shape_cast %reduce_sum3A_1602 : vector<4x256xf32> to vector<4x1x256xf32>
    %stack3A_1628 = vector.shape_cast %reduce_sum3A_1606 : vector<4x256xf32> to vector<4x1x256xf32>
    %stack3A_1629 = vector.shape_cast %reduce_sum3A_1610 : vector<4x256xf32> to vector<4x1x256xf32>
    %stack3A_1630 = vector.shape_cast %reduce_sum3A_1614 : vector<4x256xf32> to vector<4x1x256xf32>
    %stack3A_1631 = vector.shape_cast %reduce_sum3A_1618 : vector<4x256xf32> to vector<4x1x256xf32>
    %stack3A_1632 = vector.shape_cast %reduce_sum3A_1622 : vector<4x256xf32> to vector<4x1x256xf32>
    %stack3A_1633 = tpu.concatenate %stack3A_1623, %stack3A_1624, %stack3A_1625, %stack3A_1626, %stack3A_1627, %stack3A_1628, %stack3A_1629, %stack3A_1630, %stack3A_1631, %stack3A_1632 in 1 : vector<4x1x256xf32>, vector<4x1x256xf32>, vector<4x1x256xf32>, vector<4x1x256xf32>, vector<4x1x256xf32>, vector<4x1x256xf32>, vector<4x1x256xf32>, vector<4x1x256xf32>, vector<4x1x256xf32>, vector<4x1x256xf32> -> vector<4x10x256xf32>
    %mul3A_1634 = arith.constant 0.176776692 : f32
    %mul3A_1635 = vector.broadcast %mul3A_1634 : f32 to vector<4x10x256xf32>
    %mul3A_1636 = arith.mulf %stack3A_1633, %mul3A_1635 : vector<4x10x256xf32>
    %reduce_max3A_1637 = arith.constant dense<0xFF800000> : vector<4x256xf32>
    %reduce_max3A_1638 = vector.multi_reduction <maximumf>, %mul3A_1636, %reduce_max3A_1637 [1] : vector<4x10x256xf32> to vector<4x256xf32>
    %broadcast_in_dim3A_1639 = vector.shape_cast %reduce_max3A_1638 : vector<4x256xf32> to vector<4x1x256xf32>
    %sub3A_1640 = vector.broadcast %broadcast_in_dim3A_1639 : vector<4x1x256xf32> to vector<4x10x256xf32>
    %sub3A_1641 = arith.subf %mul3A_1636, %sub3A_1640 : vector<4x10x256xf32>
    %exp3A_1642 = math.exp %sub3A_1641 : vector<4x10x256xf32>
    %reduce_sum3A_1643 = arith.constant dense<0.000000e+00> : vector<4x256xf32>
    %reduce_sum3A_1644 = vector.multi_reduction <add>, %exp3A_1642, %reduce_sum3A_1643 [1] : vector<4x10x256xf32> to vector<4x256xf32>
    %broadcast_in_dim3A_1645 = vector.shape_cast %reduce_sum3A_1644 : vector<4x256xf32> to vector<4x1x256xf32>
    %div3A_1646 = vector.broadcast %broadcast_in_dim3A_1645 : vector<4x1x256xf32> to vector<4x10x256xf32>
    %div3A_1647 = arith.divf %exp3A_1642, %div3A_1646 : vector<4x10x256xf32>
    %slice3A_1648 = vector.extract_strided_slice %div3A_1647 {offsets = [0, 0, 0], sizes = [4, 1, 256], strides = [1, 1, 1]} : vector<4x10x256xf32> to vector<4x1x256xf32>
    %broadcast_in_dim3A_1649 = vector.shape_cast %slice3A_1648 : vector<4x1x256xf32> to vector<4x1x256xf32>
    %broadcast_in_dim3A_1650 = vector.broadcast %broadcast_in_dim3A_1649 : vector<4x1x256xf32> to vector<4x32x256xf32>
    %reshape3A_1651 = vector.shape_cast %broadcast_in_dim3A_1650 : vector<4x32x256xf32> to vector<128x256xf32>
    %mul3A_1652 = arith.mulf %reshape3A_1651, %add3A_621 : vector<128x256xf32>
    %slice3A_1653 = vector.extract_strided_slice %div3A_1647 {offsets = [0, 1, 0], sizes = [4, 1, 256], strides = [1, 1, 1]} : vector<4x10x256xf32> to vector<4x1x256xf32>
    %broadcast_in_dim3A_1654 = vector.shape_cast %slice3A_1653 : vector<4x1x256xf32> to vector<4x1x256xf32>
    %broadcast_in_dim3A_1655 = vector.broadcast %broadcast_in_dim3A_1654 : vector<4x1x256xf32> to vector<4x32x256xf32>
    %reshape3A_1656 = vector.shape_cast %broadcast_in_dim3A_1655 : vector<4x32x256xf32> to vector<128x256xf32>
    %mul3A_1657 = arith.mulf %reshape3A_1656, %add3A_625 : vector<128x256xf32>
    %add3A_1658 = arith.addf %mul3A_1652, %mul3A_1657 : vector<128x256xf32>
    %slice3A_1659 = vector.extract_strided_slice %div3A_1647 {offsets = [0, 2, 0], sizes = [4, 1, 256], strides = [1, 1, 1]} : vector<4x10x256xf32> to vector<4x1x256xf32>
    %broadcast_in_dim3A_1660 = vector.shape_cast %slice3A_1659 : vector<4x1x256xf32> to vector<4x1x256xf32>
    %broadcast_in_dim3A_1661 = vector.broadcast %broadcast_in_dim3A_1660 : vector<4x1x256xf32> to vector<4x32x256xf32>
    %reshape3A_1662 = vector.shape_cast %broadcast_in_dim3A_1661 : vector<4x32x256xf32> to vector<128x256xf32>
    %mul3A_1663 = arith.mulf %reshape3A_1662, %add3A_629 : vector<128x256xf32>
    %add3A_1664 = arith.addf %add3A_1658, %mul3A_1663 : vector<128x256xf32>
    %slice3A_1665 = vector.extract_strided_slice %div3A_1647 {offsets = [0, 3, 0], sizes = [4, 1, 256], strides = [1, 1, 1]} : vector<4x10x256xf32> to vector<4x1x256xf32>
    %broadcast_in_dim3A_1666 = vector.shape_cast %slice3A_1665 : vector<4x1x256xf32> to vector<4x1x256xf32>
    %broadcast_in_dim3A_1667 = vector.broadcast %broadcast_in_dim3A_1666 : vector<4x1x256xf32> to vector<4x32x256xf32>
    %reshape3A_1668 = vector.shape_cast %broadcast_in_dim3A_1667 : vector<4x32x256xf32> to vector<128x256xf32>
    %mul3A_1669 = arith.mulf %reshape3A_1668, %add3A_633 : vector<128x256xf32>
    %add3A_1670 = arith.addf %add3A_1664, %mul3A_1669 : vector<128x256xf32>
    %slice3A_1671 = vector.extract_strided_slice %div3A_1647 {offsets = [0, 4, 0], sizes = [4, 1, 256], strides = [1, 1, 1]} : vector<4x10x256xf32> to vector<4x1x256xf32>
    %broadcast_in_dim3A_1672 = vector.shape_cast %slice3A_1671 : vector<4x1x256xf32> to vector<4x1x256xf32>
    %broadcast_in_dim3A_1673 = vector.broadcast %broadcast_in_dim3A_1672 : vector<4x1x256xf32> to vector<4x32x256xf32>
    %reshape3A_1674 = vector.shape_cast %broadcast_in_dim3A_1673 : vector<4x32x256xf32> to vector<128x256xf32>
    %mul3A_1675 = arith.mulf %reshape3A_1674, %add3A_637 : vector<128x256xf32>
    %add3A_1676 = arith.addf %add3A_1670, %mul3A_1675 : vector<128x256xf32>
    %slice3A_1677 = vector.extract_strided_slice %div3A_1647 {offsets = [0, 5, 0], sizes = [4, 1, 256], strides = [1, 1, 1]} : vector<4x10x256xf32> to vector<4x1x256xf32>
    %broadcast_in_dim3A_1678 = vector.shape_cast %slice3A_1677 : vector<4x1x256xf32> to vector<4x1x256xf32>
    %broadcast_in_dim3A_1679 = vector.broadcast %broadcast_in_dim3A_1678 : vector<4x1x256xf32> to vector<4x32x256xf32>
    %reshape3A_1680 = vector.shape_cast %broadcast_in_dim3A_1679 : vector<4x32x256xf32> to vector<128x256xf32>
    %mul3A_1681 = arith.mulf %reshape3A_1680, %add3A_641 : vector<128x256xf32>
    %add3A_1682 = arith.addf %add3A_1676, %mul3A_1681 : vector<128x256xf32>
    %slice3A_1683 = vector.extract_strided_slice %div3A_1647 {offsets = [0, 6, 0], sizes = [4, 1, 256], strides = [1, 1, 1]} : vector<4x10x256xf32> to vector<4x1x256xf32>
    %broadcast_in_dim3A_1684 = vector.shape_cast %slice3A_1683 : vector<4x1x256xf32> to vector<4x1x256xf32>
    %broadcast_in_dim3A_1685 = vector.broadcast %broadcast_in_dim3A_1684 : vector<4x1x256xf32> to vector<4x32x256xf32>
    %reshape3A_1686 = vector.shape_cast %broadcast_in_dim3A_1685 : vector<4x32x256xf32> to vector<128x256xf32>
    %mul3A_1687 = arith.mulf %reshape3A_1686, %add3A_645 : vector<128x256xf32>
    %add3A_1688 = arith.addf %add3A_1682, %mul3A_1687 : vector<128x256xf32>
    %slice3A_1689 = vector.extract_strided_slice %div3A_1647 {offsets = [0, 7, 0], sizes = [4, 1, 256], strides = [1, 1, 1]} : vector<4x10x256xf32> to vector<4x1x256xf32>
    %broadcast_in_dim3A_1690 = vector.shape_cast %slice3A_1689 : vector<4x1x256xf32> to vector<4x1x256xf32>
    %broadcast_in_dim3A_1691 = vector.broadcast %broadcast_in_dim3A_1690 : vector<4x1x256xf32> to vector<4x32x256xf32>
    %reshape3A_1692 = vector.shape_cast %broadcast_in_dim3A_1691 : vector<4x32x256xf32> to vector<128x256xf32>
    %mul3A_1693 = arith.mulf %reshape3A_1692, %add3A_649 : vector<128x256xf32>
    %add3A_1694 = arith.addf %add3A_1688, %mul3A_1693 : vector<128x256xf32>
    %slice3A_1695 = vector.extract_strided_slice %div3A_1647 {offsets = [0, 8, 0], sizes = [4, 1, 256], strides = [1, 1, 1]} : vector<4x10x256xf32> to vector<4x1x256xf32>
    %broadcast_in_dim3A_1696 = vector.shape_cast %slice3A_1695 : vector<4x1x256xf32> to vector<4x1x256xf32>
    %broadcast_in_dim3A_1697 = vector.broadcast %broadcast_in_dim3A_1696 : vector<4x1x256xf32> to vector<4x32x256xf32>
    %reshape3A_1698 = vector.shape_cast %broadcast_in_dim3A_1697 : vector<4x32x256xf32> to vector<128x256xf32>
    %mul3A_1699 = arith.mulf %reshape3A_1698, %add3A_653 : vector<128x256xf32>
    %add3A_1700 = arith.addf %add3A_1694, %mul3A_1699 : vector<128x256xf32>
    %slice3A_1701 = vector.extract_strided_slice %div3A_1647 {offsets = [0, 9, 0], sizes = [4, 1, 256], strides = [1, 1, 1]} : vector<4x10x256xf32> to vector<4x1x256xf32>
    %broadcast_in_dim3A_1702 = vector.shape_cast %slice3A_1701 : vector<4x1x256xf32> to vector<4x1x256xf32>
    %broadcast_in_dim3A_1703 = vector.broadcast %broadcast_in_dim3A_1702 : vector<4x1x256xf32> to vector<4x32x256xf32>
    %reshape3A_1704 = vector.shape_cast %broadcast_in_dim3A_1703 : vector<4x32x256xf32> to vector<128x256xf32>
    %mul3A_1705 = arith.mulf %reshape3A_1704, %add3A_657 : vector<128x256xf32>
    %add3A_1706 = arith.addf %add3A_1700, %mul3A_1705 : vector<128x256xf32>
    %dot_general3A_1707 = arith.constant dense<0.000000e+00> : vector<128x256xf32>
    %dot_general3A_1708 = tpu.matmul %get3A_525, %add3A_1706, %dot_general3A_1707 {dimension_numbers = #tpu.dot_dimension_numbers<[1], [0], [0], [1], [0, 0, 1, 1], [], []>, transpose_lhs_hint = false} : vector<128x128xf32>, vector<128x256xf32>, vector<128x256xf32> -> vector<128x256xf32>
    %add3A_1709 = vector.broadcast %get3A_537 : vector<128x1xf32> to vector<128x256xf32>
    %add3A_1710 = arith.addf %dot_general3A_1708, %add3A_1709 : vector<128x256xf32>
    %add3A_1711 = arith.addf %add3A_1710, %transpose3A_409 : vector<128x256xf32>
    %transpose3A_1712 = tpu.transpose %add3A_1711, [1, 0] : vector<128x256xf32> -> vector<256x128xf32>
    %swap3A_1713 = arith.constant 0 : index
    %swap3A_1714 = arith.constant 896 : index
    %swap3A_1715 = vector.load %arg14[%swap3A_1713, %swap3A_1714] : memref<256x1280xf32, #tpu.memory_space<vmem>>, vector<256x128xf32>
    tpu.vector_store %arg14[%swap3A_1713, %swap3A_1714], %transpose3A_1712 {strides = array<i32>} : memref<256x1280xf32, #tpu.memory_space<vmem>>, vector<256x128xf32>,
    %mul3A_1716 = arith.mulf %add3A_573, %add3A_581 : vector<128x256xf32>
    %reshape3A_1717 = vector.shape_cast %mul3A_1716 : vector<128x256xf32> to vector<4x32x256xf32>
    %reduce_sum3A_1718 = arith.constant dense<0.000000e+00> : vector<4x256xf32>
    %reduce_sum3A_1719 = vector.multi_reduction <add>, %reshape3A_1717, %reduce_sum3A_1718 [1] : vector<4x32x256xf32> to vector<4x256xf32>
    %mul3A_1720 = arith.mulf %add3A_573, %add3A_585 : vector<128x256xf32>
    %reshape3A_1721 = vector.shape_cast %mul3A_1720 : vector<128x256xf32> to vector<4x32x256xf32>
    %reduce_sum3A_1722 = arith.constant dense<0.000000e+00> : vector<4x256xf32>
    %reduce_sum3A_1723 = vector.multi_reduction <add>, %reshape3A_1721, %reduce_sum3A_1722 [1] : vector<4x32x256xf32> to vector<4x256xf32>
    %mul3A_1724 = arith.mulf %add3A_573, %add3A_589 : vector<128x256xf32>
    %reshape3A_1725 = vector.shape_cast %mul3A_1724 : vector<128x256xf32> to vector<4x32x256xf32>
    %reduce_sum3A_1726 = arith.constant dense<0.000000e+00> : vector<4x256xf32>
    %reduce_sum3A_1727 = vector.multi_reduction <add>, %reshape3A_1725, %reduce_sum3A_1726 [1] : vector<4x32x256xf32> to vector<4x256xf32>
    %mul3A_1728 = arith.mulf %add3A_573, %add3A_593 : vector<128x256xf32>
    %reshape3A_1729 = vector.shape_cast %mul3A_1728 : vector<128x256xf32> to vector<4x32x256xf32>
    %reduce_sum3A_1730 = arith.constant dense<0.000000e+00> : vector<4x256xf32>
    %reduce_sum3A_1731 = vector.multi_reduction <add>, %reshape3A_1729, %reduce_sum3A_1730 [1] : vector<4x32x256xf32> to vector<4x256xf32>
    %mul3A_1732 = arith.mulf %add3A_573, %add3A_597 : vector<128x256xf32>
    %reshape3A_1733 = vector.shape_cast %mul3A_1732 : vector<128x256xf32> to vector<4x32x256xf32>
    %reduce_sum3A_1734 = arith.constant dense<0.000000e+00> : vector<4x256xf32>
    %reduce_sum3A_1735 = vector.multi_reduction <add>, %reshape3A_1733, %reduce_sum3A_1734 [1] : vector<4x32x256xf32> to vector<4x256xf32>
    %mul3A_1736 = arith.mulf %add3A_573, %add3A_601 : vector<128x256xf32>
    %reshape3A_1737 = vector.shape_cast %mul3A_1736 : vector<128x256xf32> to vector<4x32x256xf32>
    %reduce_sum3A_1738 = arith.constant dense<0.000000e+00> : vector<4x256xf32>
    %reduce_sum3A_1739 = vector.multi_reduction <add>, %reshape3A_1737, %reduce_sum3A_1738 [1] : vector<4x32x256xf32> to vector<4x256xf32>
    %mul3A_1740 = arith.mulf %add3A_573, %add3A_605 : vector<128x256xf32>
    %reshape3A_1741 = vector.shape_cast %mul3A_1740 : vector<128x256xf32> to vector<4x32x256xf32>
    %reduce_sum3A_1742 = arith.constant dense<0.000000e+00> : vector<4x256xf32>
    %reduce_sum3A_1743 = vector.multi_reduction <add>, %reshape3A_1741, %reduce_sum3A_1742 [1] : vector<4x32x256xf32> to vector<4x256xf32>
    %mul3A_1744 = arith.mulf %add3A_573, %add3A_609 : vector<128x256xf32>
    %reshape3A_1745 = vector.shape_cast %mul3A_1744 : vector<128x256xf32> to vector<4x32x256xf32>
    %reduce_sum3A_1746 = arith.constant dense<0.000000e+00> : vector<4x256xf32>
    %reduce_sum3A_1747 = vector.multi_reduction <add>, %reshape3A_1745, %reduce_sum3A_1746 [1] : vector<4x32x256xf32> to vector<4x256xf32>
    %mul3A_1748 = arith.mulf %add3A_573, %add3A_613 : vector<128x256xf32>
    %reshape3A_1749 = vector.shape_cast %mul3A_1748 : vector<128x256xf32> to vector<4x32x256xf32>
    %reduce_sum3A_1750 = arith.constant dense<0.000000e+00> : vector<4x256xf32>
    %reduce_sum3A_1751 = vector.multi_reduction <add>, %reshape3A_1749, %reduce_sum3A_1750 [1] : vector<4x32x256xf32> to vector<4x256xf32>
    %mul3A_1752 = arith.mulf %add3A_573, %add3A_617 : vector<128x256xf32>
    %reshape3A_1753 = vector.shape_cast %mul3A_1752 : vector<128x256xf32> to vector<4x32x256xf32>
    %reduce_sum3A_1754 = arith.constant dense<0.000000e+00> : vector<4x256xf32>
    %reduce_sum3A_1755 = vector.multi_reduction <add>, %reshape3A_1753, %reduce_sum3A_1754 [1] : vector<4x32x256xf32> to vector<4x256xf32>
    %stack3A_1756 = vector.shape_cast %reduce_sum3A_1719 : vector<4x256xf32> to vector<4x1x256xf32>
    %stack3A_1757 = vector.shape_cast %reduce_sum3A_1723 : vector<4x256xf32> to vector<4x1x256xf32>
    %stack3A_1758 = vector.shape_cast %reduce_sum3A_1727 : vector<4x256xf32> to vector<4x1x256xf32>
    %stack3A_1759 = vector.shape_cast %reduce_sum3A_1731 : vector<4x256xf32> to vector<4x1x256xf32>
    %stack3A_1760 = vector.shape_cast %reduce_sum3A_1735 : vector<4x256xf32> to vector<4x1x256xf32>
    %stack3A_1761 = vector.shape_cast %reduce_sum3A_1739 : vector<4x256xf32> to vector<4x1x256xf32>
    %stack3A_1762 = vector.shape_cast %reduce_sum3A_1743 : vector<4x256xf32> to vector<4x1x256xf32>
    %stack3A_1763 = vector.shape_cast %reduce_sum3A_1747 : vector<4x256xf32> to vector<4x1x256xf32>
    %stack3A_1764 = vector.shape_cast %reduce_sum3A_1751 : vector<4x256xf32> to vector<4x1x256xf32>
    %stack3A_1765 = vector.shape_cast %reduce_sum3A_1755 : vector<4x256xf32> to vector<4x1x256xf32>
    %stack3A_1766 = tpu.concatenate %stack3A_1756, %stack3A_1757, %stack3A_1758, %stack3A_1759, %stack3A_1760, %stack3A_1761, %stack3A_1762, %stack3A_1763, %stack3A_1764, %stack3A_1765 in 1 : vector<4x1x256xf32>, vector<4x1x256xf32>, vector<4x1x256xf32>, vector<4x1x256xf32>, vector<4x1x256xf32>, vector<4x1x256xf32>, vector<4x1x256xf32>, vector<4x1x256xf32>, vector<4x1x256xf32>, vector<4x1x256xf32> -> vector<4x10x256xf32>
    %mul3A_1767 = arith.constant 0.176776692 : f32
    %mul3A_1768 = vector.broadcast %mul3A_1767 : f32 to vector<4x10x256xf32>
    %mul3A_1769 = arith.mulf %stack3A_1766, %mul3A_1768 : vector<4x10x256xf32>
    %reduce_max3A_1770 = arith.constant dense<0xFF800000> : vector<4x256xf32>
    %reduce_max3A_1771 = vector.multi_reduction <maximumf>, %mul3A_1769, %reduce_max3A_1770 [1] : vector<4x10x256xf32> to vector<4x256xf32>
    %broadcast_in_dim3A_1772 = vector.shape_cast %reduce_max3A_1771 : vector<4x256xf32> to vector<4x1x256xf32>
    %sub3A_1773 = vector.broadcast %broadcast_in_dim3A_1772 : vector<4x1x256xf32> to vector<4x10x256xf32>
    %sub3A_1774 = arith.subf %mul3A_1769, %sub3A_1773 : vector<4x10x256xf32>
    %exp3A_1775 = math.exp %sub3A_1774 : vector<4x10x256xf32>
    %reduce_sum3A_1776 = arith.constant dense<0.000000e+00> : vector<4x256xf32>
    %reduce_sum3A_1777 = vector.multi_reduction <add>, %exp3A_1775, %reduce_sum3A_1776 [1] : vector<4x10x256xf32> to vector<4x256xf32>
    %broadcast_in_dim3A_1778 = vector.shape_cast %reduce_sum3A_1777 : vector<4x256xf32> to vector<4x1x256xf32>
    %div3A_1779 = vector.broadcast %broadcast_in_dim3A_1778 : vector<4x1x256xf32> to vector<4x10x256xf32>
    %div3A_1780 = arith.divf %exp3A_1775, %div3A_1779 : vector<4x10x256xf32>
    %slice3A_1781 = vector.extract_strided_slice %div3A_1780 {offsets = [0, 0, 0], sizes = [4, 1, 256], strides = [1, 1, 1]} : vector<4x10x256xf32> to vector<4x1x256xf32>
    %broadcast_in_dim3A_1782 = vector.shape_cast %slice3A_1781 : vector<4x1x256xf32> to vector<4x1x256xf32>
    %broadcast_in_dim3A_1783 = vector.broadcast %broadcast_in_dim3A_1782 : vector<4x1x256xf32> to vector<4x32x256xf32>
    %reshape3A_1784 = vector.shape_cast %broadcast_in_dim3A_1783 : vector<4x32x256xf32> to vector<128x256xf32>
    %mul3A_1785 = arith.mulf %reshape3A_1784, %add3A_621 : vector<128x256xf32>
    %slice3A_1786 = vector.extract_strided_slice %div3A_1780 {offsets = [0, 1, 0], sizes = [4, 1, 256], strides = [1, 1, 1]} : vector<4x10x256xf32> to vector<4x1x256xf32>
    %broadcast_in_dim3A_1787 = vector.shape_cast %slice3A_1786 : vector<4x1x256xf32> to vector<4x1x256xf32>
    %broadcast_in_dim3A_1788 = vector.broadcast %broadcast_in_dim3A_1787 : vector<4x1x256xf32> to vector<4x32x256xf32>
    %reshape3A_1789 = vector.shape_cast %broadcast_in_dim3A_1788 : vector<4x32x256xf32> to vector<128x256xf32>
    %mul3A_1790 = arith.mulf %reshape3A_1789, %add3A_625 : vector<128x256xf32>
    %add3A_1791 = arith.addf %mul3A_1785, %mul3A_1790 : vector<128x256xf32>
    %slice3A_1792 = vector.extract_strided_slice %div3A_1780 {offsets = [0, 2, 0], sizes = [4, 1, 256], strides = [1, 1, 1]} : vector<4x10x256xf32> to vector<4x1x256xf32>
    %broadcast_in_dim3A_1793 = vector.shape_cast %slice3A_1792 : vector<4x1x256xf32> to vector<4x1x256xf32>
    %broadcast_in_dim3A_1794 = vector.broadcast %broadcast_in_dim3A_1793 : vector<4x1x256xf32> to vector<4x32x256xf32>
    %reshape3A_1795 = vector.shape_cast %broadcast_in_dim3A_1794 : vector<4x32x256xf32> to vector<128x256xf32>
    %mul3A_1796 = arith.mulf %reshape3A_1795, %add3A_629 : vector<128x256xf32>
    %add3A_1797 = arith.addf %add3A_1791, %mul3A_1796 : vector<128x256xf32>
    %slice3A_1798 = vector.extract_strided_slice %div3A_1780 {offsets = [0, 3, 0], sizes = [4, 1, 256], strides = [1, 1, 1]} : vector<4x10x256xf32> to vector<4x1x256xf32>
    %broadcast_in_dim3A_1799 = vector.shape_cast %slice3A_1798 : vector<4x1x256xf32> to vector<4x1x256xf32>
    %broadcast_in_dim3A_1800 = vector.broadcast %broadcast_in_dim3A_1799 : vector<4x1x256xf32> to vector<4x32x256xf32>
    %reshape3A_1801 = vector.shape_cast %broadcast_in_dim3A_1800 : vector<4x32x256xf32> to vector<128x256xf32>
    %mul3A_1802 = arith.mulf %reshape3A_1801, %add3A_633 : vector<128x256xf32>
    %add3A_1803 = arith.addf %add3A_1797, %mul3A_1802 : vector<128x256xf32>
    %slice3A_1804 = vector.extract_strided_slice %div3A_1780 {offsets = [0, 4, 0], sizes = [4, 1, 256], strides = [1, 1, 1]} : vector<4x10x256xf32> to vector<4x1x256xf32>
    %broadcast_in_dim3A_1805 = vector.shape_cast %slice3A_1804 : vector<4x1x256xf32> to vector<4x1x256xf32>
    %broadcast_in_dim3A_1806 = vector.broadcast %broadcast_in_dim3A_1805 : vector<4x1x256xf32> to vector<4x32x256xf32>
    %reshape3A_1807 = vector.shape_cast %broadcast_in_dim3A_1806 : vector<4x32x256xf32> to vector<128x256xf32>
    %mul3A_1808 = arith.mulf %reshape3A_1807, %add3A_637 : vector<128x256xf32>
    %add3A_1809 = arith.addf %add3A_1803, %mul3A_1808 : vector<128x256xf32>
    %slice3A_1810 = vector.extract_strided_slice %div3A_1780 {offsets = [0, 5, 0], sizes = [4, 1, 256], strides = [1, 1, 1]} : vector<4x10x256xf32> to vector<4x1x256xf32>
    %broadcast_in_dim3A_1811 = vector.shape_cast %slice3A_1810 : vector<4x1x256xf32> to vector<4x1x256xf32>
    %broadcast_in_dim3A_1812 = vector.broadcast %broadcast_in_dim3A_1811 : vector<4x1x256xf32> to vector<4x32x256xf32>
    %reshape3A_1813 = vector.shape_cast %broadcast_in_dim3A_1812 : vector<4x32x256xf32> to vector<128x256xf32>
    %mul3A_1814 = arith.mulf %reshape3A_1813, %add3A_641 : vector<128x256xf32>
    %add3A_1815 = arith.addf %add3A_1809, %mul3A_1814 : vector<128x256xf32>
    %slice3A_1816 = vector.extract_strided_slice %div3A_1780 {offsets = [0, 6, 0], sizes = [4, 1, 256], strides = [1, 1, 1]} : vector<4x10x256xf32> to vector<4x1x256xf32>
    %broadcast_in_dim3A_1817 = vector.shape_cast %slice3A_1816 : vector<4x1x256xf32> to vector<4x1x256xf32>
    %broadcast_in_dim3A_1818 = vector.broadcast %broadcast_in_dim3A_1817 : vector<4x1x256xf32> to vector<4x32x256xf32>
    %reshape3A_1819 = vector.shape_cast %broadcast_in_dim3A_1818 : vector<4x32x256xf32> to vector<128x256xf32>
    %mul3A_1820 = arith.mulf %reshape3A_1819, %add3A_645 : vector<128x256xf32>
    %add3A_1821 = arith.addf %add3A_1815, %mul3A_1820 : vector<128x256xf32>
    %slice3A_1822 = vector.extract_strided_slice %div3A_1780 {offsets = [0, 7, 0], sizes = [4, 1, 256], strides = [1, 1, 1]} : vector<4x10x256xf32> to vector<4x1x256xf32>
    %broadcast_in_dim3A_1823 = vector.shape_cast %slice3A_1822 : vector<4x1x256xf32> to vector<4x1x256xf32>
    %broadcast_in_dim3A_1824 = vector.broadcast %broadcast_in_dim3A_1823 : vector<4x1x256xf32> to vector<4x32x256xf32>
    %reshape3A_1825 = vector.shape_cast %broadcast_in_dim3A_1824 : vector<4x32x256xf32> to vector<128x256xf32>
    %mul3A_1826 = arith.mulf %reshape3A_1825, %add3A_649 : vector<128x256xf32>
    %add3A_1827 = arith.addf %add3A_1821, %mul3A_1826 : vector<128x256xf32>
    %slice3A_1828 = vector.extract_strided_slice %div3A_1780 {offsets = [0, 8, 0], sizes = [4, 1, 256], strides = [1, 1, 1]} : vector<4x10x256xf32> to vector<4x1x256xf32>
    %broadcast_in_dim3A_1829 = vector.shape_cast %slice3A_1828 : vector<4x1x256xf32> to vector<4x1x256xf32>
    %broadcast_in_dim3A_1830 = vector.broadcast %broadcast_in_dim3A_1829 : vector<4x1x256xf32> to vector<4x32x256xf32>
    %reshape3A_1831 = vector.shape_cast %broadcast_in_dim3A_1830 : vector<4x32x256xf32> to vector<128x256xf32>
    %mul3A_1832 = arith.mulf %reshape3A_1831, %add3A_653 : vector<128x256xf32>
    %add3A_1833 = arith.addf %add3A_1827, %mul3A_1832 : vector<128x256xf32>
    %slice3A_1834 = vector.extract_strided_slice %div3A_1780 {offsets = [0, 9, 0], sizes = [4, 1, 256], strides = [1, 1, 1]} : vector<4x10x256xf32> to vector<4x1x256xf32>
    %broadcast_in_dim3A_1835 = vector.shape_cast %slice3A_1834 : vector<4x1x256xf32> to vector<4x1x256xf32>
    %broadcast_in_dim3A_1836 = vector.broadcast %broadcast_in_dim3A_1835 : vector<4x1x256xf32> to vector<4x32x256xf32>
    %reshape3A_1837 = vector.shape_cast %broadcast_in_dim3A_1836 : vector<4x32x256xf32> to vector<128x256xf32>
    %mul3A_1838 = arith.mulf %reshape3A_1837, %add3A_657 : vector<128x256xf32>
    %add3A_1839 = arith.addf %add3A_1833, %mul3A_1838 : vector<128x256xf32>
    %dot_general3A_1840 = arith.constant dense<0.000000e+00> : vector<128x256xf32>
    %dot_general3A_1841 = tpu.matmul %get3A_525, %add3A_1839, %dot_general3A_1840 {dimension_numbers = #tpu.dot_dimension_numbers<[1], [0], [0], [1], [0, 0, 1, 1], [], []>, transpose_lhs_hint = false} : vector<128x128xf32>, vector<128x256xf32>, vector<128x256xf32> -> vector<128x256xf32>
    %add3A_1842 = vector.broadcast %get3A_537 : vector<128x1xf32> to vector<128x256xf32>
    %add3A_1843 = arith.addf %dot_general3A_1841, %add3A_1842 : vector<128x256xf32>
    %add3A_1844 = arith.addf %add3A_1843, %transpose3A_461 : vector<128x256xf32>
    %transpose3A_1845 = tpu.transpose %add3A_1844, [1, 0] : vector<128x256xf32> -> vector<256x128xf32>
    %swap3A_1846 = arith.constant 0 : index
    %swap3A_1847 = arith.constant 1024 : index
    %swap3A_1848 = vector.load %arg14[%swap3A_1846, %swap3A_1847] : memref<256x1280xf32, #tpu.memory_space<vmem>>, vector<256x128xf32>
    tpu.vector_store %arg14[%swap3A_1846, %swap3A_1847], %transpose3A_1845 {strides = array<i32>} : memref<256x1280xf32, #tpu.memory_space<vmem>>, vector<256x128xf32>,
    %mul3A_1849 = arith.mulf %add3A_577, %add3A_581 : vector<128x256xf32>
    %reshape3A_1850 = vector.shape_cast %mul3A_1849 : vector<128x256xf32> to vector<4x32x256xf32>
    %reduce_sum3A_1851 = arith.constant dense<0.000000e+00> : vector<4x256xf32>
    %reduce_sum3A_1852 = vector.multi_reduction <add>, %reshape3A_1850, %reduce_sum3A_1851 [1] : vector<4x32x256xf32> to vector<4x256xf32>
    %mul3A_1853 = arith.mulf %add3A_577, %add3A_585 : vector<128x256xf32>
    %reshape3A_1854 = vector.shape_cast %mul3A_1853 : vector<128x256xf32> to vector<4x32x256xf32>
    %reduce_sum3A_1855 = arith.constant dense<0.000000e+00> : vector<4x256xf32>
    %reduce_sum3A_1856 = vector.multi_reduction <add>, %reshape3A_1854, %reduce_sum3A_1855 [1] : vector<4x32x256xf32> to vector<4x256xf32>
    %mul3A_1857 = arith.mulf %add3A_577, %add3A_589 : vector<128x256xf32>
    %reshape3A_1858 = vector.shape_cast %mul3A_1857 : vector<128x256xf32> to vector<4x32x256xf32>
    %reduce_sum3A_1859 = arith.constant dense<0.000000e+00> : vector<4x256xf32>
    %reduce_sum3A_1860 = vector.multi_reduction <add>, %reshape3A_1858, %reduce_sum3A_1859 [1] : vector<4x32x256xf32> to vector<4x256xf32>
    %mul3A_1861 = arith.mulf %add3A_577, %add3A_593 : vector<128x256xf32>
    %reshape3A_1862 = vector.shape_cast %mul3A_1861 : vector<128x256xf32> to vector<4x32x256xf32>
    %reduce_sum3A_1863 = arith.constant dense<0.000000e+00> : vector<4x256xf32>
    %reduce_sum3A_1864 = vector.multi_reduction <add>, %reshape3A_1862, %reduce_sum3A_1863 [1] : vector<4x32x256xf32> to vector<4x256xf32>
    %mul3A_1865 = arith.mulf %add3A_577, %add3A_597 : vector<128x256xf32>
    %reshape3A_1866 = vector.shape_cast %mul3A_1865 : vector<128x256xf32> to vector<4x32x256xf32>
    %reduce_sum3A_1867 = arith.constant dense<0.000000e+00> : vector<4x256xf32>
    %reduce_sum3A_1868 = vector.multi_reduction <add>, %reshape3A_1866, %reduce_sum3A_1867 [1] : vector<4x32x256xf32> to vector<4x256xf32>
    %mul3A_1869 = arith.mulf %add3A_577, %add3A_601 : vector<128x256xf32>
    %reshape3A_1870 = vector.shape_cast %mul3A_1869 : vector<128x256xf32> to vector<4x32x256xf32>
    %reduce_sum3A_1871 = arith.constant dense<0.000000e+00> : vector<4x256xf32>
    %reduce_sum3A_1872 = vector.multi_reduction <add>, %reshape3A_1870, %reduce_sum3A_1871 [1] : vector<4x32x256xf32> to vector<4x256xf32>
    %mul3A_1873 = arith.mulf %add3A_577, %add3A_605 : vector<128x256xf32>
    %reshape3A_1874 = vector.shape_cast %mul3A_1873 : vector<128x256xf32> to vector<4x32x256xf32>
    %reduce_sum3A_1875 = arith.constant dense<0.000000e+00> : vector<4x256xf32>
    %reduce_sum3A_1876 = vector.multi_reduction <add>, %reshape3A_1874, %reduce_sum3A_1875 [1] : vector<4x32x256xf32> to vector<4x256xf32>
    %mul3A_1877 = arith.mulf %add3A_577, %add3A_609 : vector<128x256xf32>
    %reshape3A_1878 = vector.shape_cast %mul3A_1877 : vector<128x256xf32> to vector<4x32x256xf32>
    %reduce_sum3A_1879 = arith.constant dense<0.000000e+00> : vector<4x256xf32>
    %reduce_sum3A_1880 = vector.multi_reduction <add>, %reshape3A_1878, %reduce_sum3A_1879 [1] : vector<4x32x256xf32> to vector<4x256xf32>
    %mul3A_1881 = arith.mulf %add3A_577, %add3A_613 : vector<128x256xf32>
    %reshape3A_1882 = vector.shape_cast %mul3A_1881 : vector<128x256xf32> to vector<4x32x256xf32>
    %reduce_sum3A_1883 = arith.constant dense<0.000000e+00> : vector<4x256xf32>
    %reduce_sum3A_1884 = vector.multi_reduction <add>, %reshape3A_1882, %reduce_sum3A_1883 [1] : vector<4x32x256xf32> to vector<4x256xf32>
    %mul3A_1885 = arith.mulf %add3A_577, %add3A_617 : vector<128x256xf32>
    %reshape3A_1886 = vector.shape_cast %mul3A_1885 : vector<128x256xf32> to vector<4x32x256xf32>
    %reduce_sum3A_1887 = arith.constant dense<0.000000e+00> : vector<4x256xf32>
    %reduce_sum3A_1888 = vector.multi_reduction <add>, %reshape3A_1886, %reduce_sum3A_1887 [1] : vector<4x32x256xf32> to vector<4x256xf32>
    %stack3A_1889 = vector.shape_cast %reduce_sum3A_1852 : vector<4x256xf32> to vector<4x1x256xf32>
    %stack3A_1890 = vector.shape_cast %reduce_sum3A_1856 : vector<4x256xf32> to vector<4x1x256xf32>
    %stack3A_1891 = vector.shape_cast %reduce_sum3A_1860 : vector<4x256xf32> to vector<4x1x256xf32>
    %stack3A_1892 = vector.shape_cast %reduce_sum3A_1864 : vector<4x256xf32> to vector<4x1x256xf32>
    %stack3A_1893 = vector.shape_cast %reduce_sum3A_1868 : vector<4x256xf32> to vector<4x1x256xf32>
    %stack3A_1894 = vector.shape_cast %reduce_sum3A_1872 : vector<4x256xf32> to vector<4x1x256xf32>
    %stack3A_1895 = vector.shape_cast %reduce_sum3A_1876 : vector<4x256xf32> to vector<4x1x256xf32>
    %stack3A_1896 = vector.shape_cast %reduce_sum3A_1880 : vector<4x256xf32> to vector<4x1x256xf32>
    %stack3A_1897 = vector.shape_cast %reduce_sum3A_1884 : vector<4x256xf32> to vector<4x1x256xf32>
    %stack3A_1898 = vector.shape_cast %reduce_sum3A_1888 : vector<4x256xf32> to vector<4x1x256xf32>
    %stack3A_1899 = tpu.concatenate %stack3A_1889, %stack3A_1890, %stack3A_1891, %stack3A_1892, %stack3A_1893, %stack3A_1894, %stack3A_1895, %stack3A_1896, %stack3A_1897, %stack3A_1898 in 1 : vector<4x1x256xf32>, vector<4x1x256xf32>, vector<4x1x256xf32>, vector<4x1x256xf32>, vector<4x1x256xf32>, vector<4x1x256xf32>, vector<4x1x256xf32>, vector<4x1x256xf32>, vector<4x1x256xf32>, vector<4x1x256xf32> -> vector<4x10x256xf32>
    %mul3A_1900 = arith.constant 0.176776692 : f32
    %mul3A_1901 = vector.broadcast %mul3A_1900 : f32 to vector<4x10x256xf32>
    %mul3A_1902 = arith.mulf %stack3A_1899, %mul3A_1901 : vector<4x10x256xf32>
    %reduce_max3A_1903 = arith.constant dense<0xFF800000> : vector<4x256xf32>
    %reduce_max3A_1904 = vector.multi_reduction <maximumf>, %mul3A_1902, %reduce_max3A_1903 [1] : vector<4x10x256xf32> to vector<4x256xf32>
    %broadcast_in_dim3A_1905 = vector.shape_cast %reduce_max3A_1904 : vector<4x256xf32> to vector<4x1x256xf32>
    %sub3A_1906 = vector.broadcast %broadcast_in_dim3A_1905 : vector<4x1x256xf32> to vector<4x10x256xf32>
    %sub3A_1907 = arith.subf %mul3A_1902, %sub3A_1906 : vector<4x10x256xf32>
    %exp3A_1908 = math.exp %sub3A_1907 : vector<4x10x256xf32>
    %reduce_sum3A_1909 = arith.constant dense<0.000000e+00> : vector<4x256xf32>
    %reduce_sum3A_1910 = vector.multi_reduction <add>, %exp3A_1908, %reduce_sum3A_1909 [1] : vector<4x10x256xf32> to vector<4x256xf32>
    %broadcast_in_dim3A_1911 = vector.shape_cast %reduce_sum3A_1910 : vector<4x256xf32> to vector<4x1x256xf32>
    %div3A_1912 = vector.broadcast %broadcast_in_dim3A_1911 : vector<4x1x256xf32> to vector<4x10x256xf32>
    %div3A_1913 = arith.divf %exp3A_1908, %div3A_1912 : vector<4x10x256xf32>
    %slice3A_1914 = vector.extract_strided_slice %div3A_1913 {offsets = [0, 0, 0], sizes = [4, 1, 256], strides = [1, 1, 1]} : vector<4x10x256xf32> to vector<4x1x256xf32>
    %broadcast_in_dim3A_1915 = vector.shape_cast %slice3A_1914 : vector<4x1x256xf32> to vector<4x1x256xf32>
    %broadcast_in_dim3A_1916 = vector.broadcast %broadcast_in_dim3A_1915 : vector<4x1x256xf32> to vector<4x32x256xf32>
    %reshape3A_1917 = vector.shape_cast %broadcast_in_dim3A_1916 : vector<4x32x256xf32> to vector<128x256xf32>
    %mul3A_1918 = arith.mulf %reshape3A_1917, %add3A_621 : vector<128x256xf32>
    %slice3A_1919 = vector.extract_strided_slice %div3A_1913 {offsets = [0, 1, 0], sizes = [4, 1, 256], strides = [1, 1, 1]} : vector<4x10x256xf32> to vector<4x1x256xf32>
    %broadcast_in_dim3A_1920 = vector.shape_cast %slice3A_1919 : vector<4x1x256xf32> to vector<4x1x256xf32>
    %broadcast_in_dim3A_1921 = vector.broadcast %broadcast_in_dim3A_1920 : vector<4x1x256xf32> to vector<4x32x256xf32>
    %reshape3A_1922 = vector.shape_cast %broadcast_in_dim3A_1921 : vector<4x32x256xf32> to vector<128x256xf32>
    %mul3A_1923 = arith.mulf %reshape3A_1922, %add3A_625 : vector<128x256xf32>
    %add3A_1924 = arith.addf %mul3A_1918, %mul3A_1923 : vector<128x256xf32>
    %slice3A_1925 = vector.extract_strided_slice %div3A_1913 {offsets = [0, 2, 0], sizes = [4, 1, 256], strides = [1, 1, 1]} : vector<4x10x256xf32> to vector<4x1x256xf32>
    %broadcast_in_dim3A_1926 = vector.shape_cast %slice3A_1925 : vector<4x1x256xf32> to vector<4x1x256xf32>
    %broadcast_in_dim3A_1927 = vector.broadcast %broadcast_in_dim3A_1926 : vector<4x1x256xf32> to vector<4x32x256xf32>
    %reshape3A_1928 = vector.shape_cast %broadcast_in_dim3A_1927 : vector<4x32x256xf32> to vector<128x256xf32>
    %mul3A_1929 = arith.mulf %reshape3A_1928, %add3A_629 : vector<128x256xf32>
    %add3A_1930 = arith.addf %add3A_1924, %mul3A_1929 : vector<128x256xf32>
    %slice3A_1931 = vector.extract_strided_slice %div3A_1913 {offsets = [0, 3, 0], sizes = [4, 1, 256], strides = [1, 1, 1]} : vector<4x10x256xf32> to vector<4x1x256xf32>
    %broadcast_in_dim3A_1932 = vector.shape_cast %slice3A_1931 : vector<4x1x256xf32> to vector<4x1x256xf32>
    %broadcast_in_dim3A_1933 = vector.broadcast %broadcast_in_dim3A_1932 : vector<4x1x256xf32> to vector<4x32x256xf32>
    %reshape3A_1934 = vector.shape_cast %broadcast_in_dim3A_1933 : vector<4x32x256xf32> to vector<128x256xf32>
    %mul3A_1935 = arith.mulf %reshape3A_1934, %add3A_633 : vector<128x256xf32>
    %add3A_1936 = arith.addf %add3A_1930, %mul3A_1935 : vector<128x256xf32>
    %slice3A_1937 = vector.extract_strided_slice %div3A_1913 {offsets = [0, 4, 0], sizes = [4, 1, 256], strides = [1, 1, 1]} : vector<4x10x256xf32> to vector<4x1x256xf32>
    %broadcast_in_dim3A_1938 = vector.shape_cast %slice3A_1937 : vector<4x1x256xf32> to vector<4x1x256xf32>
    %broadcast_in_dim3A_1939 = vector.broadcast %broadcast_in_dim3A_1938 : vector<4x1x256xf32> to vector<4x32x256xf32>
    %reshape3A_1940 = vector.shape_cast %broadcast_in_dim3A_1939 : vector<4x32x256xf32> to vector<128x256xf32>
    %mul3A_1941 = arith.mulf %reshape3A_1940, %add3A_637 : vector<128x256xf32>
    %add3A_1942 = arith.addf %add3A_1936, %mul3A_1941 : vector<128x256xf32>
    %slice3A_1943 = vector.extract_strided_slice %div3A_1913 {offsets = [0, 5, 0], sizes = [4, 1, 256], strides = [1, 1, 1]} : vector<4x10x256xf32> to vector<4x1x256xf32>
    %broadcast_in_dim3A_1944 = vector.shape_cast %slice3A_1943 : vector<4x1x256xf32> to vector<4x1x256xf32>
    %broadcast_in_dim3A_1945 = vector.broadcast %broadcast_in_dim3A_1944 : vector<4x1x256xf32> to vector<4x32x256xf32>
    %reshape3A_1946 = vector.shape_cast %broadcast_in_dim3A_1945 : vector<4x32x256xf32> to vector<128x256xf32>
    %mul3A_1947 = arith.mulf %reshape3A_1946, %add3A_641 : vector<128x256xf32>
    %add3A_1948 = arith.addf %add3A_1942, %mul3A_1947 : vector<128x256xf32>
    %slice3A_1949 = vector.extract_strided_slice %div3A_1913 {offsets = [0, 6, 0], sizes = [4, 1, 256], strides = [1, 1, 1]} : vector<4x10x256xf32> to vector<4x1x256xf32>
    %broadcast_in_dim3A_1950 = vector.shape_cast %slice3A_1949 : vector<4x1x256xf32> to vector<4x1x256xf32>
    %broadcast_in_dim3A_1951 = vector.broadcast %broadcast_in_dim3A_1950 : vector<4x1x256xf32> to vector<4x32x256xf32>
    %reshape3A_1952 = vector.shape_cast %broadcast_in_dim3A_1951 : vector<4x32x256xf32> to vector<128x256xf32>
    %mul3A_1953 = arith.mulf %reshape3A_1952, %add3A_645 : vector<128x256xf32>
    %add3A_1954 = arith.addf %add3A_1948, %mul3A_1953 : vector<128x256xf32>
    %slice3A_1955 = vector.extract_strided_slice %div3A_1913 {offsets = [0, 7, 0], sizes = [4, 1, 256], strides = [1, 1, 1]} : vector<4x10x256xf32> to vector<4x1x256xf32>
    %broadcast_in_dim3A_1956 = vector.shape_cast %slice3A_1955 : vector<4x1x256xf32> to vector<4x1x256xf32>
    %broadcast_in_dim3A_1957 = vector.broadcast %broadcast_in_dim3A_1956 : vector<4x1x256xf32> to vector<4x32x256xf32>
    %reshape3A_1958 = vector.shape_cast %broadcast_in_dim3A_1957 : vector<4x32x256xf32> to vector<128x256xf32>
    %mul3A_1959 = arith.mulf %reshape3A_1958, %add3A_649 : vector<128x256xf32>
    %add3A_1960 = arith.addf %add3A_1954, %mul3A_1959 : vector<128x256xf32>
    %slice3A_1961 = vector.extract_strided_slice %div3A_1913 {offsets = [0, 8, 0], sizes = [4, 1, 256], strides = [1, 1, 1]} : vector<4x10x256xf32> to vector<4x1x256xf32>
    %broadcast_in_dim3A_1962 = vector.shape_cast %slice3A_1961 : vector<4x1x256xf32> to vector<4x1x256xf32>
    %broadcast_in_dim3A_1963 = vector.broadcast %broadcast_in_dim3A_1962 : vector<4x1x256xf32> to vector<4x32x256xf32>
    %reshape3A_1964 = vector.shape_cast %broadcast_in_dim3A_1963 : vector<4x32x256xf32> to vector<128x256xf32>
    %mul3A_1965 = arith.mulf %reshape3A_1964, %add3A_653 : vector<128x256xf32>
    %add3A_1966 = arith.addf %add3A_1960, %mul3A_1965 : vector<128x256xf32>
    %slice3A_1967 = vector.extract_strided_slice %div3A_1913 {offsets = [0, 9, 0], sizes = [4, 1, 256], strides = [1, 1, 1]} : vector<4x10x256xf32> to vector<4x1x256xf32>
    %broadcast_in_dim3A_1968 = vector.shape_cast %slice3A_1967 : vector<4x1x256xf32> to vector<4x1x256xf32>
    %broadcast_in_dim3A_1969 = vector.broadcast %broadcast_in_dim3A_1968 : vector<4x1x256xf32> to vector<4x32x256xf32>
    %reshape3A_1970 = vector.shape_cast %broadcast_in_dim3A_1969 : vector<4x32x256xf32> to vector<128x256xf32>
    %mul3A_1971 = arith.mulf %reshape3A_1970, %add3A_657 : vector<128x256xf32>
    %add3A_1972 = arith.addf %add3A_1966, %mul3A_1971 : vector<128x256xf32>
    %dot_general3A_1973 = arith.constant dense<0.000000e+00> : vector<128x256xf32>
    %dot_general3A_1974 = tpu.matmul %get3A_525, %add3A_1972, %dot_general3A_1973 {dimension_numbers = #tpu.dot_dimension_numbers<[1], [0], [0], [1], [0, 0, 1, 1], [], []>, transpose_lhs_hint = false} : vector<128x128xf32>, vector<128x256xf32>, vector<128x256xf32> -> vector<128x256xf32>
    %add3A_1975 = vector.broadcast %get3A_537 : vector<128x1xf32> to vector<128x256xf32>
    %add3A_1976 = arith.addf %dot_general3A_1974, %add3A_1975 : vector<128x256xf32>
    %add3A_1977 = arith.addf %add3A_1976, %transpose3A_513 : vector<128x256xf32>
    %transpose3A_1978 = tpu.transpose %add3A_1977, [1, 0] : vector<128x256xf32> -> vector<256x128xf32>
    %swap3A_1979 = arith.constant 0 : index
    %swap3A_1980 = arith.constant 1152 : index
    %swap3A_1981 = vector.load %arg14[%swap3A_1979, %swap3A_1980] : memref<256x1280xf32, #tpu.memory_space<vmem>>, vector<256x128xf32>
    tpu.vector_store %arg14[%swap3A_1979, %swap3A_1980], %transpose3A_1978 {strides = array<i32>} : memref<256x1280xf32, #tpu.memory_space<vmem>>, vector<256x128xf32>,
    return
  }
  func.func @transform_0(%arg0: i32) -> (i32, i32) {
    %c0_i32 = arith.constant 0 : i32
    %c0_i32_0 = arith.constant 0 : i32
    return %arg0, %c0_i32 : i32, i32
  }
  func.func @transform_1(%arg0: i32) -> (i32, i32, i32) {
    %c0_i32 = arith.constant 0 : i32
    %c0_i32_0 = arith.constant 0 : i32
    %c0_i32_1 = arith.constant 0 : i32
    %c0_i32_2 = arith.constant 0 : i32
    return %c0_i32, %c0_i32_0, %c0_i32_1 : i32, i32, i32
  }
  func.func @transform_2(%arg0: i32) -> (i32, i32) {
    %c0_i32 = arith.constant 0 : i32
    %c0_i32_0 = arith.constant 0 : i32
    %c0_i32_1 = arith.constant 0 : i32
    return %c0_i32, %c0_i32_0 : i32, i32
  }
  func.func @transform_3(%arg0: i32) -> (i32, i32) {
    %c0_i32 = arith.constant 0 : i32
    %c0_i32_0 = arith.constant 0 : i32
    %c0_i32_1 = arith.constant 0 : i32
    return %c0_i32, %c0_i32_0 : i32, i32
  }
  func.func @transform_4(%arg0: i32) -> (i32, i32) {
    %c0_i32 = arith.constant 0 : i32
    %c0_i32_0 = arith.constant 0 : i32
    %c0_i32_1 = arith.constant 0 : i32
    return %c0_i32, %c0_i32_0 : i32, i32
  }
  func.func @transform_5(%arg0: i32) -> (i32, i32) {
    %c0_i32 = arith.constant 0 : i32
    %c0_i32_0 = arith.constant 0 : i32
    %c0_i32_1 = arith.constant 0 : i32
    return %c0_i32, %c0_i32_0 : i32, i32
  }
  func.func @transform_6(%arg0: i32) -> (i32, i32) {
    %c0_i32 = arith.constant 0 : i32
    %c0_i32_0 = arith.constant 0 : i32
    %c0_i32_1 = arith.constant 0 : i32
    return %c0_i32, %c0_i32_0 : i32, i32
  }
  func.func @transform_7(%arg0: i32) -> (i32, i32) {
    %c0_i32 = arith.constant 0 : i32
    %c0_i32_0 = arith.constant 0 : i32
    %c0_i32_1 = arith.constant 0 : i32
    return %c0_i32, %c0_i32_0 : i32, i32
  }
  func.func @transform_8(%arg0: i32) -> (i32, i32) {
    %c0_i32 = arith.constant 0 : i32
    %c0_i32_0 = arith.constant 0 : i32
    %c0_i32_1 = arith.constant 0 : i32
    return %c0_i32, %c0_i32_0 : i32, i32
  }
  func.func @transform_9(%arg0: i32) -> (i32, i32) {
    %c0_i32 = arith.constant 0 : i32
    %c0_i32_0 = arith.constant 0 : i32
    %c0_i32_1 = arith.constant 0 : i32
    return %c0_i32, %c0_i32_0 : i32, i32
  }
  func.func @transform_10(%arg0: i32) -> (i32, i32) {
    %c0_i32 = arith.constant 0 : i32
    %c0_i32_0 = arith.constant 0 : i32
    %c0_i32_1 = arith.constant 0 : i32
    return %c0_i32, %c0_i32_0 : i32, i32
  }
  func.func @transform_11(%arg0: i32) -> (i32, i32) {
    %c0_i32 = arith.constant 0 : i32
    %c0_i32_0 = arith.constant 0 : i32
    %c0_i32_1 = arith.constant 0 : i32
    return %c0_i32, %c0_i32_0 : i32, i32
  }
  func.func @transform_12(%arg0: i32) -> (i32, i32) {
    %c0_i32 = arith.constant 0 : i32
    %c0_i32_0 = arith.constant 0 : i32
    %c0_i32_1 = arith.constant 0 : i32
    return %c0_i32, %c0_i32_0 : i32, i32
  }
  func.func @transform_13(%arg0: i32) -> (i32, i32) {
    %c0_i32 = arith.constant 0 : i32
    %c0_i32_0 = arith.constant 0 : i32
    return %arg0, %c0_i32 : i32, i32
  }
  func.func @transform_14(%arg0: i32) -> (i32, i32, i32) {
    %c0_i32 = arith.constant 0 : i32
    %c0_i32_0 = arith.constant 0 : i32
    %c0_i32_1 = arith.constant 0 : i32
    return %arg0, %c0_i32, %c0_i32_0 : i32, i32, i32
  }
}

</mosaic_0001>

<sc_bundles>
// kernel: sparse-core-data-format-call.cloned.1.call-start
scs
called_computation_lowered:
.L_overlay_start_0:
0x0: {  	s2 =	sld [smem:$0x3FD9]  }
0x1: {  	s3 =	sld [smem:$0x3FFE];
	_ =	sdelay $0x1  }
0x2: {  	s1 =	srdreg.scid  }
0x3: {  	s0 =	sand.u32 $0x1, s1  }
0x4: {  	s15 =	sshll.u32 s0, $0xA;
	s2 =	sadd.s32 s3, s2  }
0x5: {  	s2 =	sadd.s32 s2, s15  }
0x6: {  	[smem:$0x3FBB] =	sst s2  }
0x7: {  	_ = 	snop  }
0x8: {  	s2 =	sld [smem:$0x3FD0];
	_ =	sdelay $0x2  }
0x9: {  	s16 =	simm.s32 $0xA;
	s4 =	simm.s32 $0x10  }
0xa: {  	[smem:s4], [sflag:s16] =	dma.local [hbm:s2], $0x1  }
0xb: {  	_ =	swait.eq [sflag:s16], $0x1  }
0xc: {  	[sflag:s16] =	ssyncset.done $0x0  }
0xd: {  	[sflag:s16] =	ssyncadd.s32 $0xFFFFFFFF  }
0xe: {  	s17 =	sld [smem:$0x11];
	(tm) =	ssettm $0x1  }
0xf: {  	s18 =	sld [smem:$0x3FFB];
	_ =	sdelay $0x3  }
0x10: {  	_ =	strace s18  }
0x11: {  	s3 =	sld [smem:$0x3FFC];
	_ =	sdelay $0x3  }
0x12: {  	_ =	strace s3  }
0x13: {  	s3 =	sld [smem:$0x3FFD];
	_ =	sdelay $0x3  }
0x14: {  	_ =	strace s3  }
0x15: {  	_ =	strace $0x8FFFFFFF  }
0x16: {  	s19 =	sld [smem:$0x3FDB];
	_ =	sdelay $0x1  }
0x17: {  	s20 =	simm.s32 $_scs_section_size  }
0x18: {  	s5 =	simm.s32 $_size__tile_overlayer_lowered;
	s6 =	simm.s32 $_tile_overlayer_lowered  }
0x19: {  	s23 =	simm.s32 $0x1BFF;
	s22 =	sshll.u32 s6, $0x1;
	s3 =	sadd.s32 s20, s19  }
0x1a: {  	s7 =	simm.s32 $0x0;
	s21 =	sshll.u32 s5, $0x1;
	s5 =	sadd.s32 s22, s3  }
0x1b: {  	[timem:s7], [sflag:s23] =	dma.local [hbm:s5], s21  }
0x1c: {  	_ =	swait.ge [sflag:s23], s21  }
0x1d: {  	s4 =	ssub.s32 $0x0, s21;
	[sflag:s23] =	ssyncset.done $0x0  }
0x1e: {  	[sflag:s23] =	ssyncadd.s32 s4;
	_ =	sdelay $0x1  }
0x1f: {  	s24 =	simm.s32 $0x1B8B  }
0x20: {  	_ =	swait.ge [sflag:s24], $0x1  }
0x21: {  	[sflag:s24] =	ssyncset.done $0x0  }
0x22: {  	s26 =	simm.s32 $0x1B8E;
	s25 =	sld [smem:$0x3FFE];
	[sflag:s24] =	ssyncadd.s32 $0xFFFFFFFF  }
0x23: {  	s27 =	simm.s32 $execute0_lowered;
	[smem:$0x3FD2] =	sst s26  }
0x24: {  	s5 =	sshll.u32 s27, $0x1;
	_ =	strace $0x80000046;
	[dreg:$0x1] =	wrdreg $0xFFFFFFFF  }
0x25: {  	s28 =	simm.s32 $_size_execute0_lowered;
	s3 =	sadd.s32 s3, s5;
	[dreg:$0x0] =	wrdreg $0x0  }
0x26: {  	s5 =	sshll.u32 s28, $0x1;
	[dreg:$0x2] =	wrdreg s3  }
0x27: {  	[dreg:$0x3] =	wrdreg s5  }
0x28: {  	[dreg:$0x4] =	wrdreg $0xC0  }
0x29: {  	_ =	task [dreg:s7], $0x5FFFF  }
0x2a: {  	[dreg:$0x1] =	wrdreg $0xFFFFFFFF  }
0x2b: {  	[dreg:$0x0] =	wrdreg $0x60  }
0x2c: {  	[dreg:$0x2] =	wrdreg s25  }
0x2d: {  	[dreg:$0x3] =	wrdreg s17  }
0x2e: {  	[dreg:$0x4] =	wrdreg $0x9  }
0x2f: {  	_ =	task.clear_ibuf [dreg:s7], $0x5FFFF;
	_ =	strace $0x90000046  }
0x30: {  	s29 =	simm.s32 $0x9;
	_ =	strace $0x80000048  }
0x31: {  	_ =	swait.ge [sflag:s29], $0x1  }
0x32: {  	[sflag:s29] =	ssyncadd.s32 $0xFFFFFFFF  }
0x33: {  	_ =	strace $0x90000048  }
0x34: {  	_ =	sfence  }
0x35: {  	s30 =	sld [smem:$0x0];
	_ =	sdelay $0x2  }
0x36: {  	s31 =	sshll.u32 s1, $0xD;
	s1 =	sshrl.u32 s1, $0x2  }
0x37: {  	s3 =	sand.u32 $0x4000, s31;
	s1 =	sadd.s32 s1, s30  }
0x38: {  	s0 =	sor.u32 s3, s0;
	s1 =	sshll.u32 s1, $0x11  }
0x39: {  	s0 =	sor.u32 s1, s0  }
0x3a: {  	s0 =	sadd.s32 $0x8F2B, s0  }
0x3b: {  	[sflag:s0] =	ssyncadd.remote.s32 $0x1  }
0x3c: {  	_ =	sfence.sel $0xFFFF  }
0x3d: {  	[dreg:$0x0] =	wrdreg $0xFFFFFFFF;
	(pc) =	sbr.abs _section_cstart, $3  }
0x3e: {  	[dreg:$0x1] =	wrdreg $0xFFFFFFFF  }
0x3f: {  	_ =	task.clear_ibuf [dreg:s7], $0x2FFFF;
	_ =	strace $0x9FFFFFFF  }
0x40: {  	(tm) =	ssettm $0x7FFFFFFF  }
0x41: {  	_ =	shalt  }
tec
execute0_lowered:
.L_overlay_start_1:
0x0: {  	(tag) =	ssettag $0x1  }
0x1: {  	s3 =	rddreg [dreg:$0x0]  }
0x2: {  	s0 =	srdreg.scid;
	s2 =	rddreg [dreg:$0x1]  }
0x3: {  	s7 =	simm.s32 $0x2;
	s14 =	simm.s32 $0x0;
	s0 =	sshll.u32 s0, $0x6  }
0x4: {  	s8 =	simm.s32 $0x2000;
	s9 =	simm.s32 $0x10000;
	s1 =	sand.u32 $0x40, s0  }
0x5: {  	s15 =	simm.s32 $0x0;
	s16 =	simm.s32 $0x0;
	s4 =	ssub.s32 $0x200, s1  }
0x6: {  	s10 =	simm.s32 $0x0;
	s12 =	stileid.u32;
	s5 =	sshrl.u32 s4, $0x6  }
.Ltmp0:
0x7: {  	s6 =	sshrl.u32 s4, $0x7;
	s5 =	sand.u32 $0x1, s5;
	(pc) =	sbr.rel .LBB1_1-.Ltmp0, $4  }
0x8: {  	s13 =	simm.s32 $0x0;
	s0 =	rddreg [dreg:$0x2];
	s5 =	sadd.s32 s6, s5  }
0x9: {  	_ =	strace $0x80000047;
	s4 =	simm.s32 $0x1;
	s5 =	smul.u32 $0x5, s5  }
0xa: {  	s11 =	smov.u32 s1;
	[sflag:s4] =	ssyncpa.u1 $0x0;
	s6 =	sadd.s32 $0x1600, s3  }
0xb: {  	s3 =	stileid.u32;
	[sflag:s7] =	ssyncpa.u1 $0x0;
	s7 =	sadd.s32 $0x1, s5  }
.LBB1_7:
0xc: {  	s17 =	sadd.s32 $0x2, s10  }
0xd: {  	s14 =	sadd.s32 $0x80, s11;
	s18 =	smov.u32 s11;
	p1 =	sgt.s32 s17, $0x9  }
0xe: {  	s18 =	smov.u32 @p1 s14  }
0xf: {  	s20 =	smov.u32 s12;
	s14 =	sadd.s32 $0x10, s12;
	p2 =	sgt.s32 s18, $0x1FF  }
0x10: {  	s20 =	smov.u32 @p2 s14  }
0x11: {  	s17 =	simm.s32 @p1 $0x0;
	p1 =	sgt.s32 s20, $0xF  }
0x12: {  	p0 =	slt.u32 s13, $0x2;
	s20 =	smov.u32 @p1 s3;
	p1 =	sne.s32 s13, s7  }
.Ltmp1:
0x13: {  	s19 =	simm.s32 @!p0 $0x2;
	(pc) =	sbr.rel @!p1 .LBB1_8-.Ltmp1, $4  }
0x14: {  	s15 =	smov.u32 s11;
	_ =	swait.ge @!p0 [sflag:s19], $0x4000  }
0x15: {  	s16 =	smov.u32 s12;
	[sflag:s19] =	ssyncset.done @!p0 $0x0;
	s18 =	smov.u32 @p2 s1  }
0x16: {  	s14 =	smov.u32 s10;
	[sflag:s19] =	ssyncadd.s32 @!p0 $0xFFFFC000;
	s10 =	smov.u32 s17  }
0x17: {  	s11 =	smov.u32 s18;
	s13 =	sadd.s32 $0x1, s13;
	s12 =	smov.u32 s20  }
.LBB1_1:
0x18: {  	p0 =	sge.u32 s13, s5;
	s31 =	sadd.s32 $0xFFFFFFFF, s13  }
0x19: {  	s17 =	sxor.u32 @!p0 $0xFFFFFFFF, s13;
	s18 =	sshll.u32 @!p0 s12, $0x11;
	s19 =	sshll.u32 @!p0 s11, $0x8  }
0x1a: {  	s20 =	sshll.u32 @!p0 s10, $0x4;
	s17 =	sshll.u32 @!p0 s17, $0xE;
	s18 =	sadd.s32 @!p0 s6, s18  }
0x1b: {  	s20 =	sand.u32 @!p0 $0xF0, s20;
	s17 =	sand.u32 @!p0 $0x4000, s17;
	s18 =	sadd.s32 @!p0 s19, s18  }
0x1c: {  	s19 =	simm.s32 @!p0 $0x100;
	s18 =	sadd.s32 @!p0 s20, s18;
	s20 =	simm.s32 @!p0 $0x800  }
0x1d: {  	[tilespmem:s17], [sflag:$0x1] =	stream.strided.gather @!p0 [hbm4b:s18+s19], $0x4000, s20, s19, $0x38;
	[tilespmem:$0x10000] =	vst v63  }
0x1e: {  	p0 =	sge.u32 s31, s5  }
.Ltmp2:
0x1f: {  	_ = 	snop;
	(pc) =	sbr.rel @p0 .LBB1_7-.Ltmp2, $1  }
0x20: {  	_ =	sdelay $0x3  }
0x21: {  	_ =	swait.ge [sflag:s4], $0x4000;
	s17 =	sshll.u32 s13, $0xE  }
0x22: {  	[sflag:s4] =	ssyncset.done $0x0;
	s18 =	sand.u32 $0x4000, s17  }
0x23: {  	s19 =	simm.s32 $0x0;
	[sflag:s4] =	ssyncadd.s32 $0xFFFFC000;
	s17 =	sor.u32 $0x8000, s18  }
.LBB1_3:
0x24: {  	s20 =	sshll.u32 s19, $0x8  }
0x25: {  	s20 =	sand.u32 $0x3FFFFF00, s20  }
0x26: {  	s21 =	sshll.u32 s19, $0x7;
	s20 =	sadd.s32 s20, s18  }
0x27: {  	s21 =	sand.u32 $0x3FFFFF80, s21;
	v0 =	vmov s20  }
0x28: {  	s21 =	sadd.s32 s21, s17  }
0x29: {  	p0 =	por $0x1, $0x1;
	v1 =	vmov s21;
	s20 =	simm.s32 $0x0  }
.LBB1_4:
0x2a: {  	s21 =	sshll.u32 s20, $0x7  }
0x2b: {  	s21 =	sand.u32 $0x3FFFFF80, s21  }
0x2c: {  	v2 =	vld.idx.msk [tilespmem:v0+s21+$0x0 ss:$0x1], $0xffff  }
0x2d: {  	v3 =	vld.idx.msk [tilespmem:v0+s21+$0x10 ss:$0x1], $0xffff  }
0x2e: {  	v4 =	vld.idx.msk [tilespmem:v0+s21+$0x20 ss:$0x1], $0xffff  }
0x2f: {  	s31 =	sshll.u32 s20, $0xD;
	v5 =	vld.idx.msk [tilespmem:v0+s21+$0x30 ss:$0x1], $0xffff  }
0x30: {  	s20 =	sand.u32 $0x3FFFE000, s31;
	v6 =	vld.idx.msk [tilespmem:v0+s21+$0x40 ss:$0x1], $0xffff  }
0x31: {  	v63 =	vld.idx.msk [tilespmem:v0+s21+$0x70 ss:$0x1], $0xffff;
	[tilespmem:v1+s20+$0x0 ss:$0x1] =	vst.idx.msk $0xffff, v2  }
0x32: {  	v2 =	vld.idx.msk [tilespmem:v0+s21+$0x50 ss:$0x1], $0xffff;
	[tilespmem:v1+s20+$0x10 ss:$0x1] =	vst.idx.msk $0xffff, v3  }
0x33: {  	p1 =	por p0, p0;
	v3 =	vld.idx.msk [tilespmem:v0+s21+$0x60 ss:$0x1], $0xffff;
	[tilespmem:v1+s20+$0x20 ss:$0x1] =	vst.idx.msk $0xffff, v4  }
.Ltmp3:
0x34: {  	[tilespmem:v1+s20+$0x30 ss:$0x1] =	vst.idx.msk $0xffff, v5;
	(pc) =	sbr.rel @p1 .LBB1_4-.Ltmp3, $4  }
0x35: {  	[tilespmem:v1+s20+$0x40 ss:$0x1] =	vst.idx.msk $0xffff, v6  }
0x36: {  	[tilespmem:v1+s20+$0x70 ss:$0x1] =	vst.idx.msk $0xffff, v63  }
0x37: {  	[tilespmem:v1+s20+$0x50 ss:$0x1] =	vst.idx.msk $0xffff, v2  }
0x38: {  	p0 =	por $0x0, $0x0;
	[tilespmem:v1+s20+$0x60 ss:$0x1] =	vst.idx.msk $0xffff, v3;
	s20 =	simm.s32 $0x1  }
0x39: {  	s19 =	sadd.s32 $0x1, s19  }
0x3a: {  	p0 =	sne.s32 s19, $0x40  }
.Ltmp4:
0x3b: {  	_ = 	snop;
	(pc) =	sbr.rel @p0 .LBB1_3-.Ltmp4, $1  }
0x3c: {  	_ =	sdelay $0x3  }
0x3d: {  	s16 =	smul.u32 $0x14000, s16  }
.Ltmp5:
0x3e: {  	_ = 	snop;
	(pc) =	sbr.rel .LBB1_7-.Ltmp5, $4  }
0x3f: {  	s14 =	sshll.u32 s14, $0xD;
	s15 =	sshll.u32 s15, $0x4;
	s16 =	sadd.s32 s2, s16  }
0x40: {  	s15 =	sand.u32 $0x1FF0, s15;
	s14 =	sadd.s32 s14, s16  }
0x41: {  	s14 =	sadd.s32 s15, s14  }
0x42: {  	[hbm4b:s14+s8] =	stream.strided.scatter [tilespmem:s17], [sflag:$0x2], $0x4000, s9, s8, $0x38;
	[tilespmem:$0x10000] =	vst v63  }
.LBB1_8:
0x43: {  	_ =	sfence.sel $0x180000  }
0x44: {  	s1 =	simm.s32 $0x1;
	[bflag:$0x0] =	sbarrier.arrive $0xFFFF  }
0x45: {  	s31 =	simm.s32 $0x2;
	[sflag:s1] =	ssyncpa.u1 $0x1  }
0x46: {  	[sflag:s31] =	ssyncpa.u1 $0x1  }
0x47: {  	p0 =	sne.s32 s3, $0x0;
	_ =	strace $0x90000047  }
0x48: {  	s0 =	sadd.s32 @!p0 $0x100000, s0;
	[bflag:$0x2] =	sbarrier.arrive $0xFFFF  }
0x49: {  	[sflag:s0] =	ssyncadd.tile.s32 @!p0 $0x1;
	_ =	shalt  }
.Lfunc_end1:
_tile_overlayer_lowered:
.L_overlay_start_2:
0x4a: {  	(tag) =	ssettag $0x2  }
0x4b: {  	s0 =	rddreg [dreg:$0x0];
	s2 =	stileid.u32  }
0x4c: {  	s1 =	rddreg [dreg:$0x1];
	p0 =	sne.s32 s2, $0x0  }
0x4d: {  	s3 =	rddreg [dreg:$0x2];
	[bflag:$0x3] =	sbarrier.arrive $0xFFFF;
	s2 =	simm.s32 @!p0 $0x1C01  }
0x4e: {  	[timem:s3], [sflag:s2] =	dma.local @!p0 [hbm:s0], s1  }
0x4f: {  	s0 =	simm.s32 @!p0 $0x1  }
0x50: {  	_ =	swait.ge @!p0 [sflag:s0], s1  }
0x51: {  	s1 =	ssub.s32 @!p0 $0x0, s1;
	[sflag:s0] =	ssyncset.done @!p0 $0x0  }
0x52: {  	[sflag:s0] =	ssyncadd.s32 @!p0 s1  }
0x53: {  	[bflag:$0x3] =	sbarrier.arrive $0xFFFF  }
0x54: {  	_ =	shalt  }

</sc_bundles>
